<compile_context>
chip_gen: v7x
topology: tpu7x:2x2x1
jax: 0.10.2.dev20260603
libtpu: 0.0.44.dev20260713+nightly
codegen_flags: <defaults>
</compile_context>

<pallas_src>
import functools
import jax
import jax.numpy as jnp
from jax import lax
from jax.experimental import pallas as pl
from jax.experimental.pallas import tpu as pltpu
from jax.experimental.pallas import tpu_sc as plsc

T, B, N = 64, 8192, 64
BSUB = 4


def _bc16(v):
    return lax.broadcast_in_dim(jnp.int32(v), (16,), ())


def kernel(x, center, scaling):
    info = plsc.get_sparse_core_info()
    nc, ns = info.num_cores, info.num_subcores
    nw = nc * ns
    bpt = B // nw
    nslab = bpt // BSUB

    @functools.partial(
        pl.kernel,
        mesh=plsc.VectorSubcoreMesh(core_axis_name="c", subcore_axis_name="s"),
        out_type=jax.ShapeDtypeStruct((T, B * N), jnp.float32),
        scratch_types=[
            pltpu.VMEM((bpt,), jnp.float32),
            pltpu.VMEM((N,), jnp.float32),
            pltpu.VMEM((N,), jnp.float32),
            pltpu.VMEM((bpt * N,), jnp.int32),
            pltpu.VMEM((2, T, BSUB * N), jnp.float32),
            pltpu.SemaphoreType.DMA,
            pltpu.SemaphoreType.DMA,
        ],
        compiler_params=pltpu.CompilerParams(needs_layout_passes=False),
    )
    def run(x_hbm, c_hbm, s_hbm, out_hbm, x_v, c_v, s_v, tsp_v, slab_v,
            sem0, sem1):
        sems = (sem0, sem1)
        wid = lax.axis_index("s") * nc + lax.axis_index("c")
        b0 = wid * bpt
        pltpu.sync_copy(x_hbm.at[pl.ds(b0, bpt)], x_v)
        pltpu.sync_copy(c_hbm, c_v)
        pltpu.sync_copy(s_hbm, s_v)

        cw = [c_v[pl.ds(nv * 16, 16)] for nv in range(4)]
        sw = [s_v[pl.ds(nv * 16, 16)] for nv in range(4)]
        iota = lax.iota(jnp.int32, 16)
        ones = jnp.ones((16,), jnp.float32)
        zeros = jnp.zeros((16,), jnp.float32)

        def tsp_body(j, carry):
            xj = plsc.load_gather(x_v, [_bc16(j)])
            for nv in range(4):
                d = sw[nv] * jnp.abs(xj - cw[nv])
                t = jnp.clip(d.astype(jnp.int32), 0, T - 1)
                tsp_v[pl.ds(j * N + nv * 16, 16)] = t
            return carry

        lax.fori_loop(0, bpt, tsp_body, 0)

        def zero_body(t, carry):
            for k in range(2):
                for j in range(BSUB * N // 16):
                    slab_v[k, t, pl.ds(j * 16, 16)] = zeros
            return carry

        lax.fori_loop(0, T, zero_body, 0)

        def scatter_slab(k, s, val):
            for bs in range(BSUB):
                for nv in range(4):
                    off = (s * BSUB + bs) * N + nv * 16
                    tvec = tsp_v[pl.ds(off, 16)]
                    plsc.store_scatter(
                        slab_v,
                        [_bc16(k), tvec, _bc16(bs * N + nv * 16) + iota],
                        val,
                    )

        def copy_op(k, s):
            return pltpu.make_async_copy(
                slab_v.at[k],
                out_hbm.at[:, pl.ds((b0 + s * BSUB) * N, BSUB * N)],
                sems[k],
            )

        for k in range(2):
            scatter_slab(k, k, ones)
            copy_op(k, k).start()

        def pair_body(i, carry):
            for k in range(2):
                s = 2 * i + k
                copy_op(k, s - 2).wait()
                scatter_slab(k, s - 2, zeros)
                scatter_slab(k, s, ones)
                copy_op(k, s).start()
            return carry

        lax.fori_loop(1, nslab // 2, pair_body, 0)

        for k in range(2):
            copy_op(k, nslab - 2 + k).wait()

    return run(x, center, scaling).reshape(T, B, N)

# --- scband reference (transcript-rebuilt; emitter-appended) ---
"""Pipeline reference for scband-arnold-receptive-field-encoder-52639119180423 (READ-ONLY COPY).

The authoritative reference and input builder live on the scoring server;
editing this copy changes nothing except your own understanding.
"""

import jax, jax.numpy as jnp
import numpy as np

TIME_STEPS = 64
N = 64
B = 8192


def setup_inputs(seed: int = 0) -> dict:
    key = jax.random.key(seed)
    k1, k2, k3 = jax.random.split(key, 3)
    x = jax.random.normal(k1, (B,), dtype=jnp.float32)
    center = jax.random.normal(k2, (N,), dtype=jnp.float32)
    scaling = jax.random.uniform(k3, (N,), dtype=jnp.float32)
    return {"x": x, "center": center, "scaling": scaling}


def reference(x, center, scaling):
    # x: [B] float32, center: [N] float32, scaling: [N] float32
    n = center.shape[0]
    b = x.shape[0]
    # torch: x = x.repeat(n, 1) -> [n, B]
    xr = jnp.tile(x[None, :], (n, 1))
    # torch loop: t_spike[d1,:] = (scaling[d1] * |x[d1,:] - center[d1]|).int()
    # values are non-negative so .int() truncation == floor via int cast
    t_spike = (scaling[:, None] * jnp.abs(xr - center[:, None])).astype(jnp.int32)
    t_spike = jnp.clip(t_spike, 0, TIME_STEPS - 1)
    t_spike = jax.lax.stop_gradient(t_spike)  # int cast kills grads in torch too
    enc = jnp.zeros((TIME_STEPS, b, n), dtype=jnp.float32)
    b_idx = jnp.broadcast_to(jnp.arange(b)[None, :], (n, b))
    d_idx = jnp.broadcast_to(jnp.arange(n)[:, None], (n, b))
    # torch loop: enc[t_spike[d1,:], bsz_index, d1] = 1  (scatter-overwrite)
    enc = enc.at[t_spike, b_idx, d_idx].set(1.0)
    return enc

if __name__ == "__main__":
    import jax
    _d = setup_inputs()
    print(jax.jit(kernel)(*tuple(_d.values())))

</pallas_src>

<mosaic_0001>
#map = affine_map<(d0, d1) -> (0)>
#map1 = affine_map<(d0, d1) -> (0, 0)>
module attributes {stable_mosaic.version = 14 : i64} {
  func.func @run(%arg0: i32, %arg1: i32, %arg2: memref<8192xf32, #tpu.memory_space<hbm>>, %arg3: memref<64xf32, #tpu.memory_space<hbm>>, %arg4: memref<64xf32, #tpu.memory_space<hbm>>, %arg5: memref<64x524288xf32, #tpu.memory_space<hbm>>, %arg6: memref<256xf32, #tpu.memory_space<vmem>>, %arg7: memref<64xf32, #tpu.memory_space<vmem>>, %arg8: memref<64xf32, #tpu.memory_space<vmem>>, %arg9: memref<16384xi32, #tpu.memory_space<vmem>>, %arg10: memref<2x64x256xf32, #tpu.memory_space<vmem>>, %arg11: memref<!tpu.dma_semaphore, #tpu.memory_space<semaphore_mem>>, %arg12: memref<!tpu.dma_semaphore, #tpu.memory_space<semaphore_mem>>) attributes {dimension_semantics = [#tpu.dimension_semantics<core_parallel>, #tpu.dimension_semantics<subcore_parallel>], iteration_bounds = array<i64: 2, 16>, scalar_prefetch = 0 : i64, scratch_operands = 7 : i64, tpu.core_type = #tpu.core_type<sc_vector_subcore>, window_params = [{transform_indices = #map}, {transform_indices = #map}, {transform_indices = #map}, {transform_indices = #map1}]} {
    %mul3A = arith.constant 2 : i32
    %mul3A_0 = arith.muli %arg1, %mul3A : i32
    %add3A = arith.addi %mul3A_0, %arg0 : i32
    %mul3A_1 = arith.constant 256 : i32
    %mul3A_2 = arith.muli %add3A, %mul3A_1 : i32
    "tpu.region"() ({
      %run_scoped3A = tpu.sem_alloc : memref<!tpu.dma_semaphore, #tpu.memory_space<semaphore_mem>>
      %dma_start3A_328 = tpu.memref_slice %arg2[%mul3A_2] : memref<8192xf32, #tpu.memory_space<hbm>> -> memref<256xf32, #tpu.memory_space<hbm>>
      %dma_start3A_329 = tpu.memref_slice %arg2[%mul3A_2] : memref<8192xf32, #tpu.memory_space<hbm>> -> memref<256xf32, #tpu.memory_space<hbm>>
      tpu.enqueue_dma source(%dma_start3A_329 : memref<256xf32, #tpu.memory_space<hbm>>) target(%arg6 : memref<256xf32, #tpu.memory_space<vmem>>) target_semaphore(%run_scoped3A : memref<!tpu.dma_semaphore, #tpu.memory_space<semaphore_mem>>)
      %dma_wait3A_330 = tpu.memref_slice %arg2[%mul3A_2] : memref<8192xf32, #tpu.memory_space<hbm>> -> memref<256xf32, #tpu.memory_space<hbm>>
      %dma_wait3A_331 = tpu.memref_slice %arg2[%mul3A_2] : memref<8192xf32, #tpu.memory_space<hbm>> -> memref<256xf32, #tpu.memory_space<hbm>>
      tpu.wait_dma2 semaphore(%run_scoped3A : memref<!tpu.dma_semaphore, #tpu.memory_space<semaphore_mem>>) src(%dma_wait3A_331 : memref<256xf32, #tpu.memory_space<hbm>>) dst(%arg6 : memref<256xf32, #tpu.memory_space<vmem>>)
      tpu.yield
    }) : () -> ()
    "tpu.region"() ({
      %run_scoped3A = tpu.sem_alloc : memref<!tpu.dma_semaphore, #tpu.memory_space<semaphore_mem>>
      tpu.enqueue_dma source(%arg3 : memref<64xf32, #tpu.memory_space<hbm>>) target(%arg7 : memref<64xf32, #tpu.memory_space<vmem>>) target_semaphore(%run_scoped3A : memref<!tpu.dma_semaphore, #tpu.memory_space<semaphore_mem>>)
      tpu.wait_dma2 semaphore(%run_scoped3A : memref<!tpu.dma_semaphore, #tpu.memory_space<semaphore_mem>>) src(%arg3 : memref<64xf32, #tpu.memory_space<hbm>>) dst(%arg7 : memref<64xf32, #tpu.memory_space<vmem>>)
      tpu.yield
    }) : () -> ()
    "tpu.region"() ({
      %run_scoped3A = tpu.sem_alloc : memref<!tpu.dma_semaphore, #tpu.memory_space<semaphore_mem>>
      tpu.enqueue_dma source(%arg4 : memref<64xf32, #tpu.memory_space<hbm>>) target(%arg8 : memref<64xf32, #tpu.memory_space<vmem>>) target_semaphore(%run_scoped3A : memref<!tpu.dma_semaphore, #tpu.memory_space<semaphore_mem>>)
      tpu.wait_dma2 semaphore(%run_scoped3A : memref<!tpu.dma_semaphore, #tpu.memory_space<semaphore_mem>>) src(%arg4 : memref<64xf32, #tpu.memory_space<hbm>>) dst(%arg8 : memref<64xf32, #tpu.memory_space<vmem>>)
      tpu.yield
    }) : () -> ()
    %get3A = arith.constant 0 : index
    %get3A_3 = tpu.vector_load %arg7[%get3A] {strides = array<i32>} : memref<64xf32, #tpu.memory_space<vmem>>, vector<16xf32>,
    %get3A_4 = arith.constant 16 : index
    %get3A_5 = tpu.vector_load %arg7[%get3A_4] {strides = array<i32>} : memref<64xf32, #tpu.memory_space<vmem>>, vector<16xf32>,
    %get3A_6 = arith.constant 32 : index
    %get3A_7 = tpu.vector_load %arg7[%get3A_6] {strides = array<i32>} : memref<64xf32, #tpu.memory_space<vmem>>, vector<16xf32>,
    %get3A_8 = arith.constant 48 : index
    %get3A_9 = tpu.vector_load %arg7[%get3A_8] {strides = array<i32>} : memref<64xf32, #tpu.memory_space<vmem>>, vector<16xf32>,
    %get3A_10 = arith.constant 0 : index
    %get3A_11 = tpu.vector_load %arg8[%get3A_10] {strides = array<i32>} : memref<64xf32, #tpu.memory_space<vmem>>, vector<16xf32>,
    %get3A_12 = arith.constant 16 : index
    %get3A_13 = tpu.vector_load %arg8[%get3A_12] {strides = array<i32>} : memref<64xf32, #tpu.memory_space<vmem>>, vector<16xf32>,
    %get3A_14 = arith.constant 32 : index
    %get3A_15 = tpu.vector_load %arg8[%get3A_14] {strides = array<i32>} : memref<64xf32, #tpu.memory_space<vmem>>, vector<16xf32>,
    %get3A_16 = arith.constant 48 : index
    %get3A_17 = tpu.vector_load %arg8[%get3A_16] {strides = array<i32>} : memref<64xf32, #tpu.memory_space<vmem>>, vector<16xf32>,
    %iota3A = tpu.iota {dimensions = array<i32: 0>} : vector<16xi32>
    %broadcast_in_dim3A = arith.constant 1.000000e+00 : f32
    %broadcast_in_dim3A_18 = vector.broadcast %broadcast_in_dim3A : f32 to vector<16xf32>
    %broadcast_in_dim3A_19 = arith.constant 0.000000e+00 : f32
    %broadcast_in_dim3A_20 = vector.broadcast %broadcast_in_dim3A_19 : f32 to vector<16xf32>
    %scan3A = arith.constant 0 : i32
    %scan3A_21 = arith.constant 0 : i32
    %scan3A_22 = arith.constant 256 : i32
    %scan3A_23 = arith.addi %scan3A_21, %scan3A_22 : i32
    %scan3A_24 = arith.constant 1 : i32
    scf.for %scan3A_328 = %scan3A_21 to %scan3A_23 step %scan3A_24  : i32 {
      %broadcast_in_dim3A_329 = vector.broadcast %scan3A_328 : i32 to vector<16xi32>
      %gather3A = tpu.vector_load_idx %arg6[%broadcast_in_dim3A_329] : memref<256xf32, #tpu.memory_space<vmem>>[vector<16xi32>], vector<16xf32>,
      %sub3A = arith.subf %gather3A, %get3A_3 : vector<16xf32>
      %abs3A = math.absf %sub3A : vector<16xf32>
      %mul3A_330 = arith.mulf %get3A_11, %abs3A : vector<16xf32>
      %convert_element_type3A = arith.fptosi %mul3A_330 : vector<16xf32> to vector<16xi32>
      %jit3A = arith.constant 0 : i32
      %jit3A_331 = arith.constant 63 : i32
      %max3A = vector.broadcast %jit3A : i32 to vector<16xi32>
      %max3A_332 = arith.maxsi %max3A, %convert_element_type3A : vector<16xi32>
      %min3A = vector.broadcast %jit3A_331 : i32 to vector<16xi32>
      %min3A_333 = arith.minsi %min3A, %max3A_332 : vector<16xi32>
      %mul3A_334 = arith.constant 64 : i32
      %mul3A_335 = arith.muli %scan3A_328, %mul3A_334 : i32
      %add3A_336 = arith.constant 0 : i32
      %add3A_337 = arith.addi %mul3A_335, %add3A_336 : i32
      %swap3A = arith.index_cast %add3A_337 : i32 to index
      %swap3A_338 = tpu.vector_load %arg9[%swap3A] {strides = array<i32>} : memref<16384xi32, #tpu.memory_space<vmem>>, vector<16xi32>,
      tpu.vector_store %arg9[%swap3A], %min3A_333 {strides = array<i32>} : memref<16384xi32, #tpu.memory_space<vmem>>, vector<16xi32>,
      %sub3A_339 = arith.subf %gather3A, %get3A_5 : vector<16xf32>
      %abs3A_340 = math.absf %sub3A_339 : vector<16xf32>
      %mul3A_341 = arith.mulf %get3A_13, %abs3A_340 : vector<16xf32>
      %convert_element_type3A_342 = arith.fptosi %mul3A_341 : vector<16xf32> to vector<16xi32>
      %jit3A_343 = arith.constant 0 : i32
      %jit3A_344 = arith.constant 63 : i32
      %max3A_345 = vector.broadcast %jit3A_343 : i32 to vector<16xi32>
      %max3A_346 = arith.maxsi %max3A_345, %convert_element_type3A_342 : vector<16xi32>
      %min3A_347 = vector.broadcast %jit3A_344 : i32 to vector<16xi32>
      %min3A_348 = arith.minsi %min3A_347, %max3A_346 : vector<16xi32>
      %mul3A_349 = arith.constant 64 : i32
      %mul3A_350 = arith.muli %scan3A_328, %mul3A_349 : i32
      %add3A_351 = arith.constant 16 : i32
      %add3A_352 = arith.addi %mul3A_350, %add3A_351 : i32
      %swap3A_353 = arith.index_cast %add3A_352 : i32 to index
      %swap3A_354 = tpu.vector_load %arg9[%swap3A_353] {strides = array<i32>} : memref<16384xi32, #tpu.memory_space<vmem>>, vector<16xi32>,
      tpu.vector_store %arg9[%swap3A_353], %min3A_348 {strides = array<i32>} : memref<16384xi32, #tpu.memory_space<vmem>>, vector<16xi32>,
      %sub3A_355 = arith.subf %gather3A, %get3A_7 : vector<16xf32>
      %abs3A_356 = math.absf %sub3A_355 : vector<16xf32>
      %mul3A_357 = arith.mulf %get3A_15, %abs3A_356 : vector<16xf32>
      %convert_element_type3A_358 = arith.fptosi %mul3A_357 : vector<16xf32> to vector<16xi32>
      %jit3A_359 = arith.constant 0 : i32
      %jit3A_360 = arith.constant 63 : i32
      %max3A_361 = vector.broadcast %jit3A_359 : i32 to vector<16xi32>
      %max3A_362 = arith.maxsi %max3A_361, %convert_element_type3A_358 : vector<16xi32>
      %min3A_363 = vector.broadcast %jit3A_360 : i32 to vector<16xi32>
      %min3A_364 = arith.minsi %min3A_363, %max3A_362 : vector<16xi32>
      %mul3A_365 = arith.constant 64 : i32
      %mul3A_366 = arith.muli %scan3A_328, %mul3A_365 : i32
      %add3A_367 = arith.constant 32 : i32
      %add3A_368 = arith.addi %mul3A_366, %add3A_367 : i32
      %swap3A_369 = arith.index_cast %add3A_368 : i32 to index
      %swap3A_370 = tpu.vector_load %arg9[%swap3A_369] {strides = array<i32>} : memref<16384xi32, #tpu.memory_space<vmem>>, vector<16xi32>,
      tpu.vector_store %arg9[%swap3A_369], %min3A_364 {strides = array<i32>} : memref<16384xi32, #tpu.memory_space<vmem>>, vector<16xi32>,
      %sub3A_371 = arith.subf %gather3A, %get3A_9 : vector<16xf32>
      %abs3A_372 = math.absf %sub3A_371 : vector<16xf32>
      %mul3A_373 = arith.mulf %get3A_17, %abs3A_372 : vector<16xf32>
      %convert_element_type3A_374 = arith.fptosi %mul3A_373 : vector<16xf32> to vector<16xi32>
      %jit3A_375 = arith.constant 0 : i32
      %jit3A_376 = arith.constant 63 : i32
      %max3A_377 = vector.broadcast %jit3A_375 : i32 to vector<16xi32>
      %max3A_378 = arith.maxsi %max3A_377, %convert_element_type3A_374 : vector<16xi32>
      %min3A_379 = vector.broadcast %jit3A_376 : i32 to vector<16xi32>
      %min3A_380 = arith.minsi %min3A_379, %max3A_378 : vector<16xi32>
      %mul3A_381 = arith.constant 64 : i32
      %mul3A_382 = arith.muli %scan3A_328, %mul3A_381 : i32
      %add3A_383 = arith.constant 48 : i32
      %add3A_384 = arith.addi %mul3A_382, %add3A_383 : i32
      %swap3A_385 = arith.index_cast %add3A_384 : i32 to index
      %swap3A_386 = tpu.vector_load %arg9[%swap3A_385] {strides = array<i32>} : memref<16384xi32, #tpu.memory_space<vmem>>, vector<16xi32>,
      tpu.vector_store %arg9[%swap3A_385], %min3A_380 {strides = array<i32>} : memref<16384xi32, #tpu.memory_space<vmem>>, vector<16xi32>,
    }
    %scan3A_25 = arith.constant 256 : i32
    %scan3A_26 = arith.constant 0 : i32
    %scan3A_27 = arith.constant 0 : i32
    %scan3A_28 = arith.constant 64 : i32
    %scan3A_29 = arith.addi %scan3A_27, %scan3A_28 : i32
    %scan3A_30 = arith.constant 1 : i32
    scf.for %scan3A_328 = %scan3A_27 to %scan3A_29 step %scan3A_30  : i32 {
      %swap3A = arith.constant 0 : i32
      %swap3A_329 = arith.index_cast %swap3A : i32 to index
      %swap3A_330 = arith.index_cast %scan3A_328 : i32 to index
      %swap3A_331 = arith.constant 0 : index
      %swap3A_332 = tpu.vector_load %arg10[%swap3A_329, %swap3A_330, %swap3A_331] {strides = array<i32>} : memref<2x64x256xf32, #tpu.memory_space<vmem>>, vector<16xf32>,
      tpu.vector_store %arg10[%swap3A_329, %swap3A_330, %swap3A_331], %broadcast_in_dim3A_20 {strides = array<i32>} : memref<2x64x256xf32, #tpu.memory_space<vmem>>, vector<16xf32>,
      %swap3A_333 = arith.constant 0 : i32
      %swap3A_334 = arith.index_cast %swap3A_333 : i32 to index
      %swap3A_335 = arith.index_cast %scan3A_328 : i32 to index
      %swap3A_336 = arith.constant 16 : index
      %swap3A_337 = tpu.vector_load %arg10[%swap3A_334, %swap3A_335, %swap3A_336] {strides = array<i32>} : memref<2x64x256xf32, #tpu.memory_space<vmem>>, vector<16xf32>,
      tpu.vector_store %arg10[%swap3A_334, %swap3A_335, %swap3A_336], %broadcast_in_dim3A_20 {strides = array<i32>} : memref<2x64x256xf32, #tpu.memory_space<vmem>>, vector<16xf32>,
      %swap3A_338 = arith.constant 0 : i32
      %swap3A_339 = arith.index_cast %swap3A_338 : i32 to index
      %swap3A_340 = arith.index_cast %scan3A_328 : i32 to index
      %swap3A_341 = arith.constant 32 : index
      %swap3A_342 = tpu.vector_load %arg10[%swap3A_339, %swap3A_340, %swap3A_341] {strides = array<i32>} : memref<2x64x256xf32, #tpu.memory_space<vmem>>, vector<16xf32>,
      tpu.vector_store %arg10[%swap3A_339, %swap3A_340, %swap3A_341], %broadcast_in_dim3A_20 {strides = array<i32>} : memref<2x64x256xf32, #tpu.memory_space<vmem>>, vector<16xf32>,
      %swap3A_343 = arith.constant 0 : i32
      %swap3A_344 = arith.index_cast %swap3A_343 : i32 to index
      %swap3A_345 = arith.index_cast %scan3A_328 : i32 to index
      %swap3A_346 = arith.constant 48 : index
      %swap3A_347 = tpu.vector_load %arg10[%swap3A_344, %swap3A_345, %swap3A_346] {strides = array<i32>} : memref<2x64x256xf32, #tpu.memory_space<vmem>>, vector<16xf32>,
      tpu.vector_store %arg10[%swap3A_344, %swap3A_345, %swap3A_346], %broadcast_in_dim3A_20 {strides = array<i32>} : memref<2x64x256xf32, #tpu.memory_space<vmem>>, vector<16xf32>,
      %swap3A_348 = arith.constant 0 : i32
      %swap3A_349 = arith.index_cast %swap3A_348 : i32 to index
      %swap3A_350 = arith.index_cast %scan3A_328 : i32 to index
      %swap3A_351 = arith.constant 64 : index
      %swap3A_352 = tpu.vector_load %arg10[%swap3A_349, %swap3A_350, %swap3A_351] {strides = array<i32>} : memref<2x64x256xf32, #tpu.memory_space<vmem>>, vector<16xf32>,
      tpu.vector_store %arg10[%swap3A_349, %swap3A_350, %swap3A_351], %broadcast_in_dim3A_20 {strides = array<i32>} : memref<2x64x256xf32, #tpu.memory_space<vmem>>, vector<16xf32>,
      %swap3A_353 = arith.constant 0 : i32
      %swap3A_354 = arith.index_cast %swap3A_353 : i32 to index
      %swap3A_355 = arith.index_cast %scan3A_328 : i32 to index
      %swap3A_356 = arith.constant 80 : index
      %swap3A_357 = tpu.vector_load %arg10[%swap3A_354, %swap3A_355, %swap3A_356] {strides = array<i32>} : memref<2x64x256xf32, #tpu.memory_space<vmem>>, vector<16xf32>,
      tpu.vector_store %arg10[%swap3A_354, %swap3A_355, %swap3A_356], %broadcast_in_dim3A_20 {strides = array<i32>} : memref<2x64x256xf32, #tpu.memory_space<vmem>>, vector<16xf32>,
      %swap3A_358 = arith.constant 0 : i32
      %swap3A_359 = arith.index_cast %swap3A_358 : i32 to index
      %swap3A_360 = arith.index_cast %scan3A_328 : i32 to index
      %swap3A_361 = arith.constant 96 : index
      %swap3A_362 = tpu.vector_load %arg10[%swap3A_359, %swap3A_360, %swap3A_361] {strides = array<i32>} : memref<2x64x256xf32, #tpu.memory_space<vmem>>, vector<16xf32>,
      tpu.vector_store %arg10[%swap3A_359, %swap3A_360, %swap3A_361], %broadcast_in_dim3A_20 {strides = array<i32>} : memref<2x64x256xf32, #tpu.memory_space<vmem>>, vector<16xf32>,
      %swap3A_363 = arith.constant 0 : i32
      %swap3A_364 = arith.index_cast %swap3A_363 : i32 to index
      %swap3A_365 = arith.index_cast %scan3A_328 : i32 to index
      %swap3A_366 = arith.constant 112 : index
      %swap3A_367 = tpu.vector_load %arg10[%swap3A_364, %swap3A_365, %swap3A_366] {strides = array<i32>} : memref<2x64x256xf32, #tpu.memory_space<vmem>>, vector<16xf32>,
      tpu.vector_store %arg10[%swap3A_364, %swap3A_365, %swap3A_366], %broadcast_in_dim3A_20 {strides = array<i32>} : memref<2x64x256xf32, #tpu.memory_space<vmem>>, vector<16xf32>,
      %swap3A_368 = arith.constant 0 : i32
      %swap3A_369 = arith.index_cast %swap3A_368 : i32 to index
      %swap3A_370 = arith.index_cast %scan3A_328 : i32 to index
      %swap3A_371 = arith.constant 128 : index
      %swap3A_372 = tpu.vector_load %arg10[%swap3A_369, %swap3A_370, %swap3A_371] {strides = array<i32>} : memref<2x64x256xf32, #tpu.memory_space<vmem>>, vector<16xf32>,
      tpu.vector_store %arg10[%swap3A_369, %swap3A_370, %swap3A_371], %broadcast_in_dim3A_20 {strides = array<i32>} : memref<2x64x256xf32, #tpu.memory_space<vmem>>, vector<16xf32>,
      %swap3A_373 = arith.constant 0 : i32
      %swap3A_374 = arith.index_cast %swap3A_373 : i32 to index
      %swap3A_375 = arith.index_cast %scan3A_328 : i32 to index
      %swap3A_376 = arith.constant 144 : index
      %swap3A_377 = tpu.vector_load %arg10[%swap3A_374, %swap3A_375, %swap3A_376] {strides = array<i32>} : memref<2x64x256xf32, #tpu.memory_space<vmem>>, vector<16xf32>,
      tpu.vector_store %arg10[%swap3A_374, %swap3A_375, %swap3A_376], %broadcast_in_dim3A_20 {strides = array<i32>} : memref<2x64x256xf32, #tpu.memory_space<vmem>>, vector<16xf32>,
      %swap3A_378 = arith.constant 0 : i32
      %swap3A_379 = arith.index_cast %swap3A_378 : i32 to index
      %swap3A_380 = arith.index_cast %scan3A_328 : i32 to index
      %swap3A_381 = arith.constant 160 : index
      %swap3A_382 = tpu.vector_load %arg10[%swap3A_379, %swap3A_380, %swap3A_381] {strides = array<i32>} : memref<2x64x256xf32, #tpu.memory_space<vmem>>, vector<16xf32>,
      tpu.vector_store %arg10[%swap3A_379, %swap3A_380, %swap3A_381], %broadcast_in_dim3A_20 {strides = array<i32>} : memref<2x64x256xf32, #tpu.memory_space<vmem>>, vector<16xf32>,
      %swap3A_383 = arith.constant 0 : i32
      %swap3A_384 = arith.index_cast %swap3A_383 : i32 to index
      %swap3A_385 = arith.index_cast %scan3A_328 : i32 to index
      %swap3A_386 = arith.constant 176 : index
      %swap3A_387 = tpu.vector_load %arg10[%swap3A_384, %swap3A_385, %swap3A_386] {strides = array<i32>} : memref<2x64x256xf32, #tpu.memory_space<vmem>>, vector<16xf32>,
      tpu.vector_store %arg10[%swap3A_384, %swap3A_385, %swap3A_386], %broadcast_in_dim3A_20 {strides = array<i32>} : memref<2x64x256xf32, #tpu.memory_space<vmem>>, vector<16xf32>,
      %swap3A_388 = arith.constant 0 : i32
      %swap3A_389 = arith.index_cast %swap3A_388 : i32 to index
      %swap3A_390 = arith.index_cast %scan3A_328 : i32 to index
      %swap3A_391 = arith.constant 192 : index
      %swap3A_392 = tpu.vector_load %arg10[%swap3A_389, %swap3A_390, %swap3A_391] {strides = array<i32>} : memref<2x64x256xf32, #tpu.memory_space<vmem>>, vector<16xf32>,
      tpu.vector_store %arg10[%swap3A_389, %swap3A_390, %swap3A_391], %broadcast_in_dim3A_20 {strides = array<i32>} : memref<2x64x256xf32, #tpu.memory_space<vmem>>, vector<16xf32>,
      %swap3A_393 = arith.constant 0 : i32
      %swap3A_394 = arith.index_cast %swap3A_393 : i32 to index
      %swap3A_395 = arith.index_cast %scan3A_328 : i32 to index
      %swap3A_396 = arith.constant 208 : index
      %swap3A_397 = tpu.vector_load %arg10[%swap3A_394, %swap3A_395, %swap3A_396] {strides = array<i32>} : memref<2x64x256xf32, #tpu.memory_space<vmem>>, vector<16xf32>,
      tpu.vector_store %arg10[%swap3A_394, %swap3A_395, %swap3A_396], %broadcast_in_dim3A_20 {strides = array<i32>} : memref<2x64x256xf32, #tpu.memory_space<vmem>>, vector<16xf32>,
      %swap3A_398 = arith.constant 0 : i32
      %swap3A_399 = arith.index_cast %swap3A_398 : i32 to index
      %swap3A_400 = arith.index_cast %scan3A_328 : i32 to index
      %swap3A_401 = arith.constant 224 : index
      %swap3A_402 = tpu.vector_load %arg10[%swap3A_399, %swap3A_400, %swap3A_401] {strides = array<i32>} : memref<2x64x256xf32, #tpu.memory_space<vmem>>, vector<16xf32>,
      tpu.vector_store %arg10[%swap3A_399, %swap3A_400, %swap3A_401], %broadcast_in_dim3A_20 {strides = array<i32>} : memref<2x64x256xf32, #tpu.memory_space<vmem>>, vector<16xf32>,
      %swap3A_403 = arith.constant 0 : i32
      %swap3A_404 = arith.index_cast %swap3A_403 : i32 to index
      %swap3A_405 = arith.index_cast %scan3A_328 : i32 to index
      %swap3A_406 = arith.constant 240 : index
      %swap3A_407 = tpu.vector_load %arg10[%swap3A_404, %swap3A_405, %swap3A_406] {strides = array<i32>} : memref<2x64x256xf32, #tpu.memory_space<vmem>>, vector<16xf32>,
      tpu.vector_store %arg10[%swap3A_404, %swap3A_405, %swap3A_406], %broadcast_in_dim3A_20 {strides = array<i32>} : memref<2x64x256xf32, #tpu.memory_space<vmem>>, vector<16xf32>,
      %swap3A_408 = arith.constant 1 : i32
      %swap3A_409 = arith.index_cast %swap3A_408 : i32 to index
      %swap3A_410 = arith.index_cast %scan3A_328 : i32 to index
      %swap3A_411 = arith.constant 0 : index
      %swap3A_412 = tpu.vector_load %arg10[%swap3A_409, %swap3A_410, %swap3A_411] {strides = array<i32>} : memref<2x64x256xf32, #tpu.memory_space<vmem>>, vector<16xf32>,
      tpu.vector_store %arg10[%swap3A_409, %swap3A_410, %swap3A_411], %broadcast_in_dim3A_20 {strides = array<i32>} : memref<2x64x256xf32, #tpu.memory_space<vmem>>, vector<16xf32>,
      %swap3A_413 = arith.constant 1 : i32
      %swap3A_414 = arith.index_cast %swap3A_413 : i32 to index
      %swap3A_415 = arith.index_cast %scan3A_328 : i32 to index
      %swap3A_416 = arith.constant 16 : index
      %swap3A_417 = tpu.vector_load %arg10[%swap3A_414, %swap3A_415, %swap3A_416] {strides = array<i32>} : memref<2x64x256xf32, #tpu.memory_space<vmem>>, vector<16xf32>,
      tpu.vector_store %arg10[%swap3A_414, %swap3A_415, %swap3A_416], %broadcast_in_dim3A_20 {strides = array<i32>} : memref<2x64x256xf32, #tpu.memory_space<vmem>>, vector<16xf32>,
      %swap3A_418 = arith.constant 1 : i32
      %swap3A_419 = arith.index_cast %swap3A_418 : i32 to index
      %swap3A_420 = arith.index_cast %scan3A_328 : i32 to index
      %swap3A_421 = arith.constant 32 : index
      %swap3A_422 = tpu.vector_load %arg10[%swap3A_419, %swap3A_420, %swap3A_421] {strides = array<i32>} : memref<2x64x256xf32, #tpu.memory_space<vmem>>, vector<16xf32>,
      tpu.vector_store %arg10[%swap3A_419, %swap3A_420, %swap3A_421], %broadcast_in_dim3A_20 {strides = array<i32>} : memref<2x64x256xf32, #tpu.memory_space<vmem>>, vector<16xf32>,
      %swap3A_423 = arith.constant 1 : i32
      %swap3A_424 = arith.index_cast %swap3A_423 : i32 to index
      %swap3A_425 = arith.index_cast %scan3A_328 : i32 to index
      %swap3A_426 = arith.constant 48 : index
      %swap3A_427 = tpu.vector_load %arg10[%swap3A_424, %swap3A_425, %swap3A_426] {strides = array<i32>} : memref<2x64x256xf32, #tpu.memory_space<vmem>>, vector<16xf32>,
      tpu.vector_store %arg10[%swap3A_424, %swap3A_425, %swap3A_426], %broadcast_in_dim3A_20 {strides = array<i32>} : memref<2x64x256xf32, #tpu.memory_space<vmem>>, vector<16xf32>,
      %swap3A_428 = arith.constant 1 : i32
      %swap3A_429 = arith.index_cast %swap3A_428 : i32 to index
      %swap3A_430 = arith.index_cast %scan3A_328 : i32 to index
      %swap3A_431 = arith.constant 64 : index
      %swap3A_432 = tpu.vector_load %arg10[%swap3A_429, %swap3A_430, %swap3A_431] {strides = array<i32>} : memref<2x64x256xf32, #tpu.memory_space<vmem>>, vector<16xf32>,
      tpu.vector_store %arg10[%swap3A_429, %swap3A_430, %swap3A_431], %broadcast_in_dim3A_20 {strides = array<i32>} : memref<2x64x256xf32, #tpu.memory_space<vmem>>, vector<16xf32>,
      %swap3A_433 = arith.constant 1 : i32
      %swap3A_434 = arith.index_cast %swap3A_433 : i32 to index
      %swap3A_435 = arith.index_cast %scan3A_328 : i32 to index
      %swap3A_436 = arith.constant 80 : index
      %swap3A_437 = tpu.vector_load %arg10[%swap3A_434, %swap3A_435, %swap3A_436] {strides = array<i32>} : memref<2x64x256xf32, #tpu.memory_space<vmem>>, vector<16xf32>,
      tpu.vector_store %arg10[%swap3A_434, %swap3A_435, %swap3A_436], %broadcast_in_dim3A_20 {strides = array<i32>} : memref<2x64x256xf32, #tpu.memory_space<vmem>>, vector<16xf32>,
      %swap3A_438 = arith.constant 1 : i32
      %swap3A_439 = arith.index_cast %swap3A_438 : i32 to index
      %swap3A_440 = arith.index_cast %scan3A_328 : i32 to index
      %swap3A_441 = arith.constant 96 : index
      %swap3A_442 = tpu.vector_load %arg10[%swap3A_439, %swap3A_440, %swap3A_441] {strides = array<i32>} : memref<2x64x256xf32, #tpu.memory_space<vmem>>, vector<16xf32>,
      tpu.vector_store %arg10[%swap3A_439, %swap3A_440, %swap3A_441], %broadcast_in_dim3A_20 {strides = array<i32>} : memref<2x64x256xf32, #tpu.memory_space<vmem>>, vector<16xf32>,
      %swap3A_443 = arith.constant 1 : i32
      %swap3A_444 = arith.index_cast %swap3A_443 : i32 to index
      %swap3A_445 = arith.index_cast %scan3A_328 : i32 to index
      %swap3A_446 = arith.constant 112 : index
      %swap3A_447 = tpu.vector_load %arg10[%swap3A_444, %swap3A_445, %swap3A_446] {strides = array<i32>} : memref<2x64x256xf32, #tpu.memory_space<vmem>>, vector<16xf32>,
      tpu.vector_store %arg10[%swap3A_444, %swap3A_445, %swap3A_446], %broadcast_in_dim3A_20 {strides = array<i32>} : memref<2x64x256xf32, #tpu.memory_space<vmem>>, vector<16xf32>,
      %swap3A_448 = arith.constant 1 : i32
      %swap3A_449 = arith.index_cast %swap3A_448 : i32 to index
      %swap3A_450 = arith.index_cast %scan3A_328 : i32 to index
      %swap3A_451 = arith.constant 128 : index
      %swap3A_452 = tpu.vector_load %arg10[%swap3A_449, %swap3A_450, %swap3A_451] {strides = array<i32>} : memref<2x64x256xf32, #tpu.memory_space<vmem>>, vector<16xf32>,
      tpu.vector_store %arg10[%swap3A_449, %swap3A_450, %swap3A_451], %broadcast_in_dim3A_20 {strides = array<i32>} : memref<2x64x256xf32, #tpu.memory_space<vmem>>, vector<16xf32>,
      %swap3A_453 = arith.constant 1 : i32
      %swap3A_454 = arith.index_cast %swap3A_453 : i32 to index
      %swap3A_455 = arith.index_cast %scan3A_328 : i32 to index
      %swap3A_456 = arith.constant 144 : index
      %swap3A_457 = tpu.vector_load %arg10[%swap3A_454, %swap3A_455, %swap3A_456] {strides = array<i32>} : memref<2x64x256xf32, #tpu.memory_space<vmem>>, vector<16xf32>,
      tpu.vector_store %arg10[%swap3A_454, %swap3A_455, %swap3A_456], %broadcast_in_dim3A_20 {strides = array<i32>} : memref<2x64x256xf32, #tpu.memory_space<vmem>>, vector<16xf32>,
      %swap3A_458 = arith.constant 1 : i32
      %swap3A_459 = arith.index_cast %swap3A_458 : i32 to index
      %swap3A_460 = arith.index_cast %scan3A_328 : i32 to index
      %swap3A_461 = arith.constant 160 : index
      %swap3A_462 = tpu.vector_load %arg10[%swap3A_459, %swap3A_460, %swap3A_461] {strides = array<i32>} : memref<2x64x256xf32, #tpu.memory_space<vmem>>, vector<16xf32>,
      tpu.vector_store %arg10[%swap3A_459, %swap3A_460, %swap3A_461], %broadcast_in_dim3A_20 {strides = array<i32>} : memref<2x64x256xf32, #tpu.memory_space<vmem>>, vector<16xf32>,
      %swap3A_463 = arith.constant 1 : i32
      %swap3A_464 = arith.index_cast %swap3A_463 : i32 to index
      %swap3A_465 = arith.index_cast %scan3A_328 : i32 to index
      %swap3A_466 = arith.constant 176 : index
      %swap3A_467 = tpu.vector_load %arg10[%swap3A_464, %swap3A_465, %swap3A_466] {strides = array<i32>} : memref<2x64x256xf32, #tpu.memory_space<vmem>>, vector<16xf32>,
      tpu.vector_store %arg10[%swap3A_464, %swap3A_465, %swap3A_466], %broadcast_in_dim3A_20 {strides = array<i32>} : memref<2x64x256xf32, #tpu.memory_space<vmem>>, vector<16xf32>,
      %swap3A_468 = arith.constant 1 : i32
      %swap3A_469 = arith.index_cast %swap3A_468 : i32 to index
      %swap3A_470 = arith.index_cast %scan3A_328 : i32 to index
      %swap3A_471 = arith.constant 192 : index
      %swap3A_472 = tpu.vector_load %arg10[%swap3A_469, %swap3A_470, %swap3A_471] {strides = array<i32>} : memref<2x64x256xf32, #tpu.memory_space<vmem>>, vector<16xf32>,
      tpu.vector_store %arg10[%swap3A_469, %swap3A_470, %swap3A_471], %broadcast_in_dim3A_20 {strides = array<i32>} : memref<2x64x256xf32, #tpu.memory_space<vmem>>, vector<16xf32>,
      %swap3A_473 = arith.constant 1 : i32
      %swap3A_474 = arith.index_cast %swap3A_473 : i32 to index
      %swap3A_475 = arith.index_cast %scan3A_328 : i32 to index
      %swap3A_476 = arith.constant 208 : index
      %swap3A_477 = tpu.vector_load %arg10[%swap3A_474, %swap3A_475, %swap3A_476] {strides = array<i32>} : memref<2x64x256xf32, #tpu.memory_space<vmem>>, vector<16xf32>,
      tpu.vector_store %arg10[%swap3A_474, %swap3A_475, %swap3A_476], %broadcast_in_dim3A_20 {strides = array<i32>} : memref<2x64x256xf32, #tpu.memory_space<vmem>>, vector<16xf32>,
      %swap3A_478 = arith.constant 1 : i32
      %swap3A_479 = arith.index_cast %swap3A_478 : i32 to index
      %swap3A_480 = arith.index_cast %scan3A_328 : i32 to index
      %swap3A_481 = arith.constant 224 : index
      %swap3A_482 = tpu.vector_load %arg10[%swap3A_479, %swap3A_480, %swap3A_481] {strides = array<i32>} : memref<2x64x256xf32, #tpu.memory_space<vmem>>, vector<16xf32>,
      tpu.vector_store %arg10[%swap3A_479, %swap3A_480, %swap3A_481], %broadcast_in_dim3A_20 {strides = array<i32>} : memref<2x64x256xf32, #tpu.memory_space<vmem>>, vector<16xf32>,
      %swap3A_483 = arith.constant 1 : i32
      %swap3A_484 = arith.index_cast %swap3A_483 : i32 to index
      %swap3A_485 = arith.index_cast %scan3A_328 : i32 to index
      %swap3A_486 = arith.constant 240 : index
      %swap3A_487 = tpu.vector_load %arg10[%swap3A_484, %swap3A_485, %swap3A_486] {strides = array<i32>} : memref<2x64x256xf32, #tpu.memory_space<vmem>>, vector<16xf32>,
      tpu.vector_store %arg10[%swap3A_484, %swap3A_485, %swap3A_486], %broadcast_in_dim3A_20 {strides = array<i32>} : memref<2x64x256xf32, #tpu.memory_space<vmem>>, vector<16xf32>,
    }
    %scan3A_31 = arith.constant 64 : i32
    %get3A_32 = arith.constant 0 : index
    %get3A_33 = tpu.vector_load %arg9[%get3A_32] {strides = array<i32>} : memref<16384xi32, #tpu.memory_space<vmem>>, vector<16xi32>,
    %broadcast_in_dim3A_34 = arith.constant 0 : i32
    %broadcast_in_dim3A_35 = vector.broadcast %broadcast_in_dim3A_34 : i32 to vector<16xi32>
    %broadcast_in_dim3A_36 = arith.constant 0 : i32
    %broadcast_in_dim3A_37 = vector.broadcast %broadcast_in_dim3A_36 : i32 to vector<16xi32>
    %add3A_38 = arith.addi %broadcast_in_dim3A_37, %iota3A : vector<16xi32>
    tpu.vector_store_idx %arg10[%broadcast_in_dim3A_35, %get3A_33, %add3A_38], %broadcast_in_dim3A_18 : memref<2x64x256xf32, #tpu.memory_space<vmem>>[vector<16xi32>, vector<16xi32>, vector<16xi32>], vector<16xf32>,
    %get3A_39 = arith.constant 16 : index
    %get3A_40 = tpu.vector_load %arg9[%get3A_39] {strides = array<i32>} : memref<16384xi32, #tpu.memory_space<vmem>>, vector<16xi32>,
    %broadcast_in_dim3A_41 = arith.constant 0 : i32
    %broadcast_in_dim3A_42 = vector.broadcast %broadcast_in_dim3A_41 : i32 to vector<16xi32>
    %broadcast_in_dim3A_43 = arith.constant 16 : i32
    %broadcast_in_dim3A_44 = vector.broadcast %broadcast_in_dim3A_43 : i32 to vector<16xi32>
    %add3A_45 = arith.addi %broadcast_in_dim3A_44, %iota3A : vector<16xi32>
    tpu.vector_store_idx %arg10[%broadcast_in_dim3A_42, %get3A_40, %add3A_45], %broadcast_in_dim3A_18 : memref<2x64x256xf32, #tpu.memory_space<vmem>>[vector<16xi32>, vector<16xi32>, vector<16xi32>], vector<16xf32>,
    %get3A_46 = arith.constant 32 : index
    %get3A_47 = tpu.vector_load %arg9[%get3A_46] {strides = array<i32>} : memref<16384xi32, #tpu.memory_space<vmem>>, vector<16xi32>,
    %broadcast_in_dim3A_48 = arith.constant 0 : i32
    %broadcast_in_dim3A_49 = vector.broadcast %broadcast_in_dim3A_48 : i32 to vector<16xi32>
    %broadcast_in_dim3A_50 = arith.constant 32 : i32
    %broadcast_in_dim3A_51 = vector.broadcast %broadcast_in_dim3A_50 : i32 to vector<16xi32>
    %add3A_52 = arith.addi %broadcast_in_dim3A_51, %iota3A : vector<16xi32>
    tpu.vector_store_idx %arg10[%broadcast_in_dim3A_49, %get3A_47, %add3A_52], %broadcast_in_dim3A_18 : memref<2x64x256xf32, #tpu.memory_space<vmem>>[vector<16xi32>, vector<16xi32>, vector<16xi32>], vector<16xf32>,
    %get3A_53 = arith.constant 48 : index
    %get3A_54 = tpu.vector_load %arg9[%get3A_53] {strides = array<i32>} : memref<16384xi32, #tpu.memory_space<vmem>>, vector<16xi32>,
    %broadcast_in_dim3A_55 = arith.constant 0 : i32
    %broadcast_in_dim3A_56 = vector.broadcast %broadcast_in_dim3A_55 : i32 to vector<16xi32>
    %broadcast_in_dim3A_57 = arith.constant 48 : i32
    %broadcast_in_dim3A_58 = vector.broadcast %broadcast_in_dim3A_57 : i32 to vector<16xi32>
    %add3A_59 = arith.addi %broadcast_in_dim3A_58, %iota3A : vector<16xi32>
    tpu.vector_store_idx %arg10[%broadcast_in_dim3A_56, %get3A_54, %add3A_59], %broadcast_in_dim3A_18 : memref<2x64x256xf32, #tpu.memory_space<vmem>>[vector<16xi32>, vector<16xi32>, vector<16xi32>], vector<16xf32>,
    %get3A_60 = arith.constant 64 : index
    %get3A_61 = tpu.vector_load %arg9[%get3A_60] {strides = array<i32>} : memref<16384xi32, #tpu.memory_space<vmem>>, vector<16xi32>,
    %broadcast_in_dim3A_62 = arith.constant 0 : i32
    %broadcast_in_dim3A_63 = vector.broadcast %broadcast_in_dim3A_62 : i32 to vector<16xi32>
    %broadcast_in_dim3A_64 = arith.constant 64 : i32
    %broadcast_in_dim3A_65 = vector.broadcast %broadcast_in_dim3A_64 : i32 to vector<16xi32>
    %add3A_66 = arith.addi %broadcast_in_dim3A_65, %iota3A : vector<16xi32>
    tpu.vector_store_idx %arg10[%broadcast_in_dim3A_63, %get3A_61, %add3A_66], %broadcast_in_dim3A_18 : memref<2x64x256xf32, #tpu.memory_space<vmem>>[vector<16xi32>, vector<16xi32>, vector<16xi32>], vector<16xf32>,
    %get3A_67 = arith.constant 80 : index
    %get3A_68 = tpu.vector_load %arg9[%get3A_67] {strides = array<i32>} : memref<16384xi32, #tpu.memory_space<vmem>>, vector<16xi32>,
    %broadcast_in_dim3A_69 = arith.constant 0 : i32
    %broadcast_in_dim3A_70 = vector.broadcast %broadcast_in_dim3A_69 : i32 to vector<16xi32>
    %broadcast_in_dim3A_71 = arith.constant 80 : i32
    %broadcast_in_dim3A_72 = vector.broadcast %broadcast_in_dim3A_71 : i32 to vector<16xi32>
    %add3A_73 = arith.addi %broadcast_in_dim3A_72, %iota3A : vector<16xi32>
    tpu.vector_store_idx %arg10[%broadcast_in_dim3A_70, %get3A_68, %add3A_73], %broadcast_in_dim3A_18 : memref<2x64x256xf32, #tpu.memory_space<vmem>>[vector<16xi32>, vector<16xi32>, vector<16xi32>], vector<16xf32>,
    %get3A_74 = arith.constant 96 : index
    %get3A_75 = tpu.vector_load %arg9[%get3A_74] {strides = array<i32>} : memref<16384xi32, #tpu.memory_space<vmem>>, vector<16xi32>,
    %broadcast_in_dim3A_76 = arith.constant 0 : i32
    %broadcast_in_dim3A_77 = vector.broadcast %broadcast_in_dim3A_76 : i32 to vector<16xi32>
    %broadcast_in_dim3A_78 = arith.constant 96 : i32
    %broadcast_in_dim3A_79 = vector.broadcast %broadcast_in_dim3A_78 : i32 to vector<16xi32>
    %add3A_80 = arith.addi %broadcast_in_dim3A_79, %iota3A : vector<16xi32>
    tpu.vector_store_idx %arg10[%broadcast_in_dim3A_77, %get3A_75, %add3A_80], %broadcast_in_dim3A_18 : memref<2x64x256xf32, #tpu.memory_space<vmem>>[vector<16xi32>, vector<16xi32>, vector<16xi32>], vector<16xf32>,
    %get3A_81 = arith.constant 112 : index
    %get3A_82 = tpu.vector_load %arg9[%get3A_81] {strides = array<i32>} : memref<16384xi32, #tpu.memory_space<vmem>>, vector<16xi32>,
    %broadcast_in_dim3A_83 = arith.constant 0 : i32
    %broadcast_in_dim3A_84 = vector.broadcast %broadcast_in_dim3A_83 : i32 to vector<16xi32>
    %broadcast_in_dim3A_85 = arith.constant 112 : i32
    %broadcast_in_dim3A_86 = vector.broadcast %broadcast_in_dim3A_85 : i32 to vector<16xi32>
    %add3A_87 = arith.addi %broadcast_in_dim3A_86, %iota3A : vector<16xi32>
    tpu.vector_store_idx %arg10[%broadcast_in_dim3A_84, %get3A_82, %add3A_87], %broadcast_in_dim3A_18 : memref<2x64x256xf32, #tpu.memory_space<vmem>>[vector<16xi32>, vector<16xi32>, vector<16xi32>], vector<16xf32>,
    %get3A_88 = arith.constant 128 : index
    %get3A_89 = tpu.vector_load %arg9[%get3A_88] {strides = array<i32>} : memref<16384xi32, #tpu.memory_space<vmem>>, vector<16xi32>,
    %broadcast_in_dim3A_90 = arith.constant 0 : i32
    %broadcast_in_dim3A_91 = vector.broadcast %broadcast_in_dim3A_90 : i32 to vector<16xi32>
    %broadcast_in_dim3A_92 = arith.constant 128 : i32
    %broadcast_in_dim3A_93 = vector.broadcast %broadcast_in_dim3A_92 : i32 to vector<16xi32>
    %add3A_94 = arith.addi %broadcast_in_dim3A_93, %iota3A : vector<16xi32>
    tpu.vector_store_idx %arg10[%broadcast_in_dim3A_91, %get3A_89, %add3A_94], %broadcast_in_dim3A_18 : memref<2x64x256xf32, #tpu.memory_space<vmem>>[vector<16xi32>, vector<16xi32>, vector<16xi32>], vector<16xf32>,
    %get3A_95 = arith.constant 144 : index
    %get3A_96 = tpu.vector_load %arg9[%get3A_95] {strides = array<i32>} : memref<16384xi32, #tpu.memory_space<vmem>>, vector<16xi32>,
    %broadcast_in_dim3A_97 = arith.constant 0 : i32
    %broadcast_in_dim3A_98 = vector.broadcast %broadcast_in_dim3A_97 : i32 to vector<16xi32>
    %broadcast_in_dim3A_99 = arith.constant 144 : i32
    %broadcast_in_dim3A_100 = vector.broadcast %broadcast_in_dim3A_99 : i32 to vector<16xi32>
    %add3A_101 = arith.addi %broadcast_in_dim3A_100, %iota3A : vector<16xi32>
    tpu.vector_store_idx %arg10[%broadcast_in_dim3A_98, %get3A_96, %add3A_101], %broadcast_in_dim3A_18 : memref<2x64x256xf32, #tpu.memory_space<vmem>>[vector<16xi32>, vector<16xi32>, vector<16xi32>], vector<16xf32>,
    %get3A_102 = arith.constant 160 : index
    %get3A_103 = tpu.vector_load %arg9[%get3A_102] {strides = array<i32>} : memref<16384xi32, #tpu.memory_space<vmem>>, vector<16xi32>,
    %broadcast_in_dim3A_104 = arith.constant 0 : i32
    %broadcast_in_dim3A_105 = vector.broadcast %broadcast_in_dim3A_104 : i32 to vector<16xi32>
    %broadcast_in_dim3A_106 = arith.constant 160 : i32
    %broadcast_in_dim3A_107 = vector.broadcast %broadcast_in_dim3A_106 : i32 to vector<16xi32>
    %add3A_108 = arith.addi %broadcast_in_dim3A_107, %iota3A : vector<16xi32>
    tpu.vector_store_idx %arg10[%broadcast_in_dim3A_105, %get3A_103, %add3A_108], %broadcast_in_dim3A_18 : memref<2x64x256xf32, #tpu.memory_space<vmem>>[vector<16xi32>, vector<16xi32>, vector<16xi32>], vector<16xf32>,
    %get3A_109 = arith.constant 176 : index
    %get3A_110 = tpu.vector_load %arg9[%get3A_109] {strides = array<i32>} : memref<16384xi32, #tpu.memory_space<vmem>>, vector<16xi32>,
    %broadcast_in_dim3A_111 = arith.constant 0 : i32
    %broadcast_in_dim3A_112 = vector.broadcast %broadcast_in_dim3A_111 : i32 to vector<16xi32>
    %broadcast_in_dim3A_113 = arith.constant 176 : i32
    %broadcast_in_dim3A_114 = vector.broadcast %broadcast_in_dim3A_113 : i32 to vector<16xi32>
    %add3A_115 = arith.addi %broadcast_in_dim3A_114, %iota3A : vector<16xi32>
    tpu.vector_store_idx %arg10[%broadcast_in_dim3A_112, %get3A_110, %add3A_115], %broadcast_in_dim3A_18 : memref<2x64x256xf32, #tpu.memory_space<vmem>>[vector<16xi32>, vector<16xi32>, vector<16xi32>], vector<16xf32>,
    %get3A_116 = arith.constant 192 : index
    %get3A_117 = tpu.vector_load %arg9[%get3A_116] {strides = array<i32>} : memref<16384xi32, #tpu.memory_space<vmem>>, vector<16xi32>,
    %broadcast_in_dim3A_118 = arith.constant 0 : i32
    %broadcast_in_dim3A_119 = vector.broadcast %broadcast_in_dim3A_118 : i32 to vector<16xi32>
    %broadcast_in_dim3A_120 = arith.constant 192 : i32
    %broadcast_in_dim3A_121 = vector.broadcast %broadcast_in_dim3A_120 : i32 to vector<16xi32>
    %add3A_122 = arith.addi %broadcast_in_dim3A_121, %iota3A : vector<16xi32>
    tpu.vector_store_idx %arg10[%broadcast_in_dim3A_119, %get3A_117, %add3A_122], %broadcast_in_dim3A_18 : memref<2x64x256xf32, #tpu.memory_space<vmem>>[vector<16xi32>, vector<16xi32>, vector<16xi32>], vector<16xf32>,
    %get3A_123 = arith.constant 208 : index
    %get3A_124 = tpu.vector_load %arg9[%get3A_123] {strides = array<i32>} : memref<16384xi32, #tpu.memory_space<vmem>>, vector<16xi32>,
    %broadcast_in_dim3A_125 = arith.constant 0 : i32
    %broadcast_in_dim3A_126 = vector.broadcast %broadcast_in_dim3A_125 : i32 to vector<16xi32>
    %broadcast_in_dim3A_127 = arith.constant 208 : i32
    %broadcast_in_dim3A_128 = vector.broadcast %broadcast_in_dim3A_127 : i32 to vector<16xi32>
    %add3A_129 = arith.addi %broadcast_in_dim3A_128, %iota3A : vector<16xi32>
    tpu.vector_store_idx %arg10[%broadcast_in_dim3A_126, %get3A_124, %add3A_129], %broadcast_in_dim3A_18 : memref<2x64x256xf32, #tpu.memory_space<vmem>>[vector<16xi32>, vector<16xi32>, vector<16xi32>], vector<16xf32>,
    %get3A_130 = arith.constant 224 : index
    %get3A_131 = tpu.vector_load %arg9[%get3A_130] {strides = array<i32>} : memref<16384xi32, #tpu.memory_space<vmem>>, vector<16xi32>,
    %broadcast_in_dim3A_132 = arith.constant 0 : i32
    %broadcast_in_dim3A_133 = vector.broadcast %broadcast_in_dim3A_132 : i32 to vector<16xi32>
    %broadcast_in_dim3A_134 = arith.constant 224 : i32
    %broadcast_in_dim3A_135 = vector.broadcast %broadcast_in_dim3A_134 : i32 to vector<16xi32>
    %add3A_136 = arith.addi %broadcast_in_dim3A_135, %iota3A : vector<16xi32>
    tpu.vector_store_idx %arg10[%broadcast_in_dim3A_133, %get3A_131, %add3A_136], %broadcast_in_dim3A_18 : memref<2x64x256xf32, #tpu.memory_space<vmem>>[vector<16xi32>, vector<16xi32>, vector<16xi32>], vector<16xf32>,
    %get3A_137 = arith.constant 240 : index
    %get3A_138 = tpu.vector_load %arg9[%get3A_137] {strides = array<i32>} : memref<16384xi32, #tpu.memory_space<vmem>>, vector<16xi32>,
    %broadcast_in_dim3A_139 = arith.constant 0 : i32
    %broadcast_in_dim3A_140 = vector.broadcast %broadcast_in_dim3A_139 : i32 to vector<16xi32>
    %broadcast_in_dim3A_141 = arith.constant 240 : i32
    %broadcast_in_dim3A_142 = vector.broadcast %broadcast_in_dim3A_141 : i32 to vector<16xi32>
    %add3A_143 = arith.addi %broadcast_in_dim3A_142, %iota3A : vector<16xi32>
    tpu.vector_store_idx %arg10[%broadcast_in_dim3A_140, %get3A_138, %add3A_143], %broadcast_in_dim3A_18 : memref<2x64x256xf32, #tpu.memory_space<vmem>>[vector<16xi32>, vector<16xi32>, vector<16xi32>], vector<16xf32>,
    %add3A_144 = arith.constant 0 : i32
    %add3A_145 = arith.addi %mul3A_2, %add3A_144 : i32
    %mul3A_146 = arith.constant 64 : i32
    %mul3A_147 = arith.muli %add3A_145, %mul3A_146 : i32
    %dma_start3A = arith.constant 0 : i32
    %dma_start3A_148 = arith.constant 0 : i32
    %dma_start3A_149 = arith.constant 0 : i32
    %dma_start3A_150 = tpu.memref_slice %arg10[%dma_start3A, %dma_start3A_148, %dma_start3A_149] : memref<2x64x256xf32, #tpu.memory_space<vmem>> -> memref<1x64x256xf32, #tpu.memory_space<vmem>>
    %dma_start3A_151 = tpu.memref_squeeze %dma_start3A_150 : memref<1x64x256xf32, #tpu.memory_space<vmem>> -> memref<64x256xf32, #tpu.memory_space<vmem>>
    %dma_start3A_152 = arith.constant 0 : i32
    %dma_start3A_153 = tpu.memref_slice %arg5[%dma_start3A_152, %mul3A_147] : memref<64x524288xf32, #tpu.memory_space<hbm>> -> memref<64x256xf32, #tpu.memory_space<hbm>>
    %dma_start3A_154 = arith.constant 0 : i32
    %dma_start3A_155 = tpu.memref_slice %arg5[%dma_start3A_154, %mul3A_147] : memref<64x524288xf32, #tpu.memory_space<hbm>> -> memref<64x256xf32, #tpu.memory_space<hbm>>
    %dma_start3A_156 = arith.constant 0 : i32
    %dma_start3A_157 = arith.constant 0 : i32
    %dma_start3A_158 = tpu.memref_slice %arg10[%dma_start3A, %dma_start3A_156, %dma_start3A_157] : memref<2x64x256xf32, #tpu.memory_space<vmem>> -> memref<1x64x256xf32, #tpu.memory_space<vmem>>
    %dma_start3A_159 = tpu.memref_squeeze %dma_start3A_158 : memref<1x64x256xf32, #tpu.memory_space<vmem>> -> memref<64x256xf32, #tpu.memory_space<vmem>>
    tpu.enqueue_dma source(%dma_start3A_159 : memref<64x256xf32, #tpu.memory_space<vmem>>) target(%dma_start3A_155 : memref<64x256xf32, #tpu.memory_space<hbm>>) target_semaphore(%arg11 : memref<!tpu.dma_semaphore, #tpu.memory_space<semaphore_mem>>)
    %get3A_160 = arith.constant 256 : index
    %get3A_161 = tpu.vector_load %arg9[%get3A_160] {strides = array<i32>} : memref<16384xi32, #tpu.memory_space<vmem>>, vector<16xi32>,
    %broadcast_in_dim3A_162 = arith.constant 1 : i32
    %broadcast_in_dim3A_163 = vector.broadcast %broadcast_in_dim3A_162 : i32 to vector<16xi32>
    %broadcast_in_dim3A_164 = arith.constant 0 : i32
    %broadcast_in_dim3A_165 = vector.broadcast %broadcast_in_dim3A_164 : i32 to vector<16xi32>
    %add3A_166 = arith.addi %broadcast_in_dim3A_165, %iota3A : vector<16xi32>
    tpu.vector_store_idx %arg10[%broadcast_in_dim3A_163, %get3A_161, %add3A_166], %broadcast_in_dim3A_18 : memref<2x64x256xf32, #tpu.memory_space<vmem>>[vector<16xi32>, vector<16xi32>, vector<16xi32>], vector<16xf32>,
    %get3A_167 = arith.constant 272 : index
    %get3A_168 = tpu.vector_load %arg9[%get3A_167] {strides = array<i32>} : memref<16384xi32, #tpu.memory_space<vmem>>, vector<16xi32>,
    %broadcast_in_dim3A_169 = arith.constant 1 : i32
    %broadcast_in_dim3A_170 = vector.broadcast %broadcast_in_dim3A_169 : i32 to vector<16xi32>
    %broadcast_in_dim3A_171 = arith.constant 16 : i32
    %broadcast_in_dim3A_172 = vector.broadcast %broadcast_in_dim3A_171 : i32 to vector<16xi32>
    %add3A_173 = arith.addi %broadcast_in_dim3A_172, %iota3A : vector<16xi32>
    tpu.vector_store_idx %arg10[%broadcast_in_dim3A_170, %get3A_168, %add3A_173], %broadcast_in_dim3A_18 : memref<2x64x256xf32, #tpu.memory_space<vmem>>[vector<16xi32>, vector<16xi32>, vector<16xi32>], vector<16xf32>,
    %get3A_174 = arith.constant 288 : index
    %get3A_175 = tpu.vector_load %arg9[%get3A_174] {strides = array<i32>} : memref<16384xi32, #tpu.memory_space<vmem>>, vector<16xi32>,
    %broadcast_in_dim3A_176 = arith.constant 1 : i32
    %broadcast_in_dim3A_177 = vector.broadcast %broadcast_in_dim3A_176 : i32 to vector<16xi32>
    %broadcast_in_dim3A_178 = arith.constant 32 : i32
    %broadcast_in_dim3A_179 = vector.broadcast %broadcast_in_dim3A_178 : i32 to vector<16xi32>
    %add3A_180 = arith.addi %broadcast_in_dim3A_179, %iota3A : vector<16xi32>
    tpu.vector_store_idx %arg10[%broadcast_in_dim3A_177, %get3A_175, %add3A_180], %broadcast_in_dim3A_18 : memref<2x64x256xf32, #tpu.memory_space<vmem>>[vector<16xi32>, vector<16xi32>, vector<16xi32>], vector<16xf32>,
    %get3A_181 = arith.constant 304 : index
    %get3A_182 = tpu.vector_load %arg9[%get3A_181] {strides = array<i32>} : memref<16384xi32, #tpu.memory_space<vmem>>, vector<16xi32>,
    %broadcast_in_dim3A_183 = arith.constant 1 : i32
    %broadcast_in_dim3A_184 = vector.broadcast %broadcast_in_dim3A_183 : i32 to vector<16xi32>
    %broadcast_in_dim3A_185 = arith.constant 48 : i32
    %broadcast_in_dim3A_186 = vector.broadcast %broadcast_in_dim3A_185 : i32 to vector<16xi32>
    %add3A_187 = arith.addi %broadcast_in_dim3A_186, %iota3A : vector<16xi32>
    tpu.vector_store_idx %arg10[%broadcast_in_dim3A_184, %get3A_182, %add3A_187], %broadcast_in_dim3A_18 : memref<2x64x256xf32, #tpu.memory_space<vmem>>[vector<16xi32>, vector<16xi32>, vector<16xi32>], vector<16xf32>,
    %get3A_188 = arith.constant 320 : index
    %get3A_189 = tpu.vector_load %arg9[%get3A_188] {strides = array<i32>} : memref<16384xi32, #tpu.memory_space<vmem>>, vector<16xi32>,
    %broadcast_in_dim3A_190 = arith.constant 1 : i32
    %broadcast_in_dim3A_191 = vector.broadcast %broadcast_in_dim3A_190 : i32 to vector<16xi32>
    %broadcast_in_dim3A_192 = arith.constant 64 : i32
    %broadcast_in_dim3A_193 = vector.broadcast %broadcast_in_dim3A_192 : i32 to vector<16xi32>
    %add3A_194 = arith.addi %broadcast_in_dim3A_193, %iota3A : vector<16xi32>
    tpu.vector_store_idx %arg10[%broadcast_in_dim3A_191, %get3A_189, %add3A_194], %broadcast_in_dim3A_18 : memref<2x64x256xf32, #tpu.memory_space<vmem>>[vector<16xi32>, vector<16xi32>, vector<16xi32>], vector<16xf32>,
    %get3A_195 = arith.constant 336 : index
    %get3A_196 = tpu.vector_load %arg9[%get3A_195] {strides = array<i32>} : memref<16384xi32, #tpu.memory_space<vmem>>, vector<16xi32>,
    %broadcast_in_dim3A_197 = arith.constant 1 : i32
    %broadcast_in_dim3A_198 = vector.broadcast %broadcast_in_dim3A_197 : i32 to vector<16xi32>
    %broadcast_in_dim3A_199 = arith.constant 80 : i32
    %broadcast_in_dim3A_200 = vector.broadcast %broadcast_in_dim3A_199 : i32 to vector<16xi32>
    %add3A_201 = arith.addi %broadcast_in_dim3A_200, %iota3A : vector<16xi32>
    tpu.vector_store_idx %arg10[%broadcast_in_dim3A_198, %get3A_196, %add3A_201], %broadcast_in_dim3A_18 : memref<2x64x256xf32, #tpu.memory_space<vmem>>[vector<16xi32>, vector<16xi32>, vector<16xi32>], vector<16xf32>,
    %get3A_202 = arith.constant 352 : index
    %get3A_203 = tpu.vector_load %arg9[%get3A_202] {strides = array<i32>} : memref<16384xi32, #tpu.memory_space<vmem>>, vector<16xi32>,
    %broadcast_in_dim3A_204 = arith.constant 1 : i32
    %broadcast_in_dim3A_205 = vector.broadcast %broadcast_in_dim3A_204 : i32 to vector<16xi32>
    %broadcast_in_dim3A_206 = arith.constant 96 : i32
    %broadcast_in_dim3A_207 = vector.broadcast %broadcast_in_dim3A_206 : i32 to vector<16xi32>
    %add3A_208 = arith.addi %broadcast_in_dim3A_207, %iota3A : vector<16xi32>
    tpu.vector_store_idx %arg10[%broadcast_in_dim3A_205, %get3A_203, %add3A_208], %broadcast_in_dim3A_18 : memref<2x64x256xf32, #tpu.memory_space<vmem>>[vector<16xi32>, vector<16xi32>, vector<16xi32>], vector<16xf32>,
    %get3A_209 = arith.constant 368 : index
    %get3A_210 = tpu.vector_load %arg9[%get3A_209] {strides = array<i32>} : memref<16384xi32, #tpu.memory_space<vmem>>, vector<16xi32>,
    %broadcast_in_dim3A_211 = arith.constant 1 : i32
    %broadcast_in_dim3A_212 = vector.broadcast %broadcast_in_dim3A_211 : i32 to vector<16xi32>
    %broadcast_in_dim3A_213 = arith.constant 112 : i32
    %broadcast_in_dim3A_214 = vector.broadcast %broadcast_in_dim3A_213 : i32 to vector<16xi32>
    %add3A_215 = arith.addi %broadcast_in_dim3A_214, %iota3A : vector<16xi32>
    tpu.vector_store_idx %arg10[%broadcast_in_dim3A_212, %get3A_210, %add3A_215], %broadcast_in_dim3A_18 : memref<2x64x256xf32, #tpu.memory_space<vmem>>[vector<16xi32>, vector<16xi32>, vector<16xi32>], vector<16xf32>,
    %get3A_216 = arith.constant 384 : index
    %get3A_217 = tpu.vector_load %arg9[%get3A_216] {strides = array<i32>} : memref<16384xi32, #tpu.memory_space<vmem>>, vector<16xi32>,
    %broadcast_in_dim3A_218 = arith.constant 1 : i32
    %broadcast_in_dim3A_219 = vector.broadcast %broadcast_in_dim3A_218 : i32 to vector<16xi32>
    %broadcast_in_dim3A_220 = arith.constant 128 : i32
    %broadcast_in_dim3A_221 = vector.broadcast %broadcast_in_dim3A_220 : i32 to vector<16xi32>
    %add3A_222 = arith.addi %broadcast_in_dim3A_221, %iota3A : vector<16xi32>
    tpu.vector_store_idx %arg10[%broadcast_in_dim3A_219, %get3A_217, %add3A_222], %broadcast_in_dim3A_18 : memref<2x64x256xf32, #tpu.memory_space<vmem>>[vector<16xi32>, vector<16xi32>, vector<16xi32>], vector<16xf32>,
    %get3A_223 = arith.constant 400 : index
    %get3A_224 = tpu.vector_load %arg9[%get3A_223] {strides = array<i32>} : memref<16384xi32, #tpu.memory_space<vmem>>, vector<16xi32>,
    %broadcast_in_dim3A_225 = arith.constant 1 : i32
    %broadcast_in_dim3A_226 = vector.broadcast %broadcast_in_dim3A_225 : i32 to vector<16xi32>
    %broadcast_in_dim3A_227 = arith.constant 144 : i32
    %broadcast_in_dim3A_228 = vector.broadcast %broadcast_in_dim3A_227 : i32 to vector<16xi32>
    %add3A_229 = arith.addi %broadcast_in_dim3A_228, %iota3A : vector<16xi32>
    tpu.vector_store_idx %arg10[%broadcast_in_dim3A_226, %get3A_224, %add3A_229], %broadcast_in_dim3A_18 : memref<2x64x256xf32, #tpu.memory_space<vmem>>[vector<16xi32>, vector<16xi32>, vector<16xi32>], vector<16xf32>,
    %get3A_230 = arith.constant 416 : index
    %get3A_231 = tpu.vector_load %arg9[%get3A_230] {strides = array<i32>} : memref<16384xi32, #tpu.memory_space<vmem>>, vector<16xi32>,
    %broadcast_in_dim3A_232 = arith.constant 1 : i32
    %broadcast_in_dim3A_233 = vector.broadcast %broadcast_in_dim3A_232 : i32 to vector<16xi32>
    %broadcast_in_dim3A_234 = arith.constant 160 : i32
    %broadcast_in_dim3A_235 = vector.broadcast %broadcast_in_dim3A_234 : i32 to vector<16xi32>
    %add3A_236 = arith.addi %broadcast_in_dim3A_235, %iota3A : vector<16xi32>
    tpu.vector_store_idx %arg10[%broadcast_in_dim3A_233, %get3A_231, %add3A_236], %broadcast_in_dim3A_18 : memref<2x64x256xf32, #tpu.memory_space<vmem>>[vector<16xi32>, vector<16xi32>, vector<16xi32>], vector<16xf32>,
    %get3A_237 = arith.constant 432 : index
    %get3A_238 = tpu.vector_load %arg9[%get3A_237] {strides = array<i32>} : memref<16384xi32, #tpu.memory_space<vmem>>, vector<16xi32>,
    %broadcast_in_dim3A_239 = arith.constant 1 : i32
    %broadcast_in_dim3A_240 = vector.broadcast %broadcast_in_dim3A_239 : i32 to vector<16xi32>
    %broadcast_in_dim3A_241 = arith.constant 176 : i32
    %broadcast_in_dim3A_242 = vector.broadcast %broadcast_in_dim3A_241 : i32 to vector<16xi32>
    %add3A_243 = arith.addi %broadcast_in_dim3A_242, %iota3A : vector<16xi32>
    tpu.vector_store_idx %arg10[%broadcast_in_dim3A_240, %get3A_238, %add3A_243], %broadcast_in_dim3A_18 : memref<2x64x256xf32, #tpu.memory_space<vmem>>[vector<16xi32>, vector<16xi32>, vector<16xi32>], vector<16xf32>,
    %get3A_244 = arith.constant 448 : index
    %get3A_245 = tpu.vector_load %arg9[%get3A_244] {strides = array<i32>} : memref<16384xi32, #tpu.memory_space<vmem>>, vector<16xi32>,
    %broadcast_in_dim3A_246 = arith.constant 1 : i32
    %broadcast_in_dim3A_247 = vector.broadcast %broadcast_in_dim3A_246 : i32 to vector<16xi32>
    %broadcast_in_dim3A_248 = arith.constant 192 : i32
    %broadcast_in_dim3A_249 = vector.broadcast %broadcast_in_dim3A_248 : i32 to vector<16xi32>
    %add3A_250 = arith.addi %broadcast_in_dim3A_249, %iota3A : vector<16xi32>
    tpu.vector_store_idx %arg10[%broadcast_in_dim3A_247, %get3A_245, %add3A_250], %broadcast_in_dim3A_18 : memref<2x64x256xf32, #tpu.memory_space<vmem>>[vector<16xi32>, vector<16xi32>, vector<16xi32>], vector<16xf32>,
    %get3A_251 = arith.constant 464 : index
    %get3A_252 = tpu.vector_load %arg9[%get3A_251] {strides = array<i32>} : memref<16384xi32, #tpu.memory_space<vmem>>, vector<16xi32>,
    %broadcast_in_dim3A_253 = arith.constant 1 : i32
    %broadcast_in_dim3A_254 = vector.broadcast %broadcast_in_dim3A_253 : i32 to vector<16xi32>
    %broadcast_in_dim3A_255 = arith.constant 208 : i32
    %broadcast_in_dim3A_256 = vector.broadcast %broadcast_in_dim3A_255 : i32 to vector<16xi32>
    %add3A_257 = arith.addi %broadcast_in_dim3A_256, %iota3A : vector<16xi32>
    tpu.vector_store_idx %arg10[%broadcast_in_dim3A_254, %get3A_252, %add3A_257], %broadcast_in_dim3A_18 : memref<2x64x256xf32, #tpu.memory_space<vmem>>[vector<16xi32>, vector<16xi32>, vector<16xi32>], vector<16xf32>,
    %get3A_258 = arith.constant 480 : index
    %get3A_259 = tpu.vector_load %arg9[%get3A_258] {strides = array<i32>} : memref<16384xi32, #tpu.memory_space<vmem>>, vector<16xi32>,
    %broadcast_in_dim3A_260 = arith.constant 1 : i32
    %broadcast_in_dim3A_261 = vector.broadcast %broadcast_in_dim3A_260 : i32 to vector<16xi32>
    %broadcast_in_dim3A_262 = arith.constant 224 : i32
    %broadcast_in_dim3A_263 = vector.broadcast %broadcast_in_dim3A_262 : i32 to vector<16xi32>
    %add3A_264 = arith.addi %broadcast_in_dim3A_263, %iota3A : vector<16xi32>
    tpu.vector_store_idx %arg10[%broadcast_in_dim3A_261, %get3A_259, %add3A_264], %broadcast_in_dim3A_18 : memref<2x64x256xf32, #tpu.memory_space<vmem>>[vector<16xi32>, vector<16xi32>, vector<16xi32>], vector<16xf32>,
    %get3A_265 = arith.constant 496 : index
    %get3A_266 = tpu.vector_load %arg9[%get3A_265] {strides = array<i32>} : memref<16384xi32, #tpu.memory_space<vmem>>, vector<16xi32>,
    %broadcast_in_dim3A_267 = arith.constant 1 : i32
    %broadcast_in_dim3A_268 = vector.broadcast %broadcast_in_dim3A_267 : i32 to vector<16xi32>
    %broadcast_in_dim3A_269 = arith.constant 240 : i32
    %broadcast_in_dim3A_270 = vector.broadcast %broadcast_in_dim3A_269 : i32 to vector<16xi32>
    %add3A_271 = arith.addi %broadcast_in_dim3A_270, %iota3A : vector<16xi32>
    tpu.vector_store_idx %arg10[%broadcast_in_dim3A_268, %get3A_266, %add3A_271], %broadcast_in_dim3A_18 : memref<2x64x256xf32, #tpu.memory_space<vmem>>[vector<16xi32>, vector<16xi32>, vector<16xi32>], vector<16xf32>,
    %add3A_272 = arith.constant 4 : i32
    %add3A_273 = arith.addi %mul3A_2, %add3A_272 : i32
    %mul3A_274 = arith.constant 64 : i32
    %mul3A_275 = arith.muli %add3A_273, %mul3A_274 : i32
    %dma_start3A_276 = arith.constant 1 : i32
    %dma_start3A_277 = arith.constant 0 : i32
    %dma_start3A_278 = arith.constant 0 : i32
    %dma_start3A_279 = tpu.memref_slice %arg10[%dma_start3A_276, %dma_start3A_277, %dma_start3A_278] : memref<2x64x256xf32, #tpu.memory_space<vmem>> -> memref<1x64x256xf32, #tpu.memory_space<vmem>>
    %dma_start3A_280 = tpu.memref_squeeze %dma_start3A_279 : memref<1x64x256xf32, #tpu.memory_space<vmem>> -> memref<64x256xf32, #tpu.memory_space<vmem>>
    %dma_start3A_281 = arith.constant 0 : i32
    %dma_start3A_282 = tpu.memref_slice %arg5[%dma_start3A_281, %mul3A_275] : memref<64x524288xf32, #tpu.memory_space<hbm>> -> memref<64x256xf32, #tpu.memory_space<hbm>>
    %dma_start3A_283 = arith.constant 0 : i32
    %dma_start3A_284 = tpu.memref_slice %arg5[%dma_start3A_283, %mul3A_275] : memref<64x524288xf32, #tpu.memory_space<hbm>> -> memref<64x256xf32, #tpu.memory_space<hbm>>
    %dma_start3A_285 = arith.constant 0 : i32
    %dma_start3A_286 = arith.constant 0 : i32
    %dma_start3A_287 = tpu.memref_slice %arg10[%dma_start3A_276, %dma_start3A_285, %dma_start3A_286] : memref<2x64x256xf32, #tpu.memory_space<vmem>> -> memref<1x64x256xf32, #tpu.memory_space<vmem>>
    %dma_start3A_288 = tpu.memref_squeeze %dma_start3A_287 : memref<1x64x256xf32, #tpu.memory_space<vmem>> -> memref<64x256xf32, #tpu.memory_space<vmem>>
    tpu.enqueue_dma source(%dma_start3A_288 : memref<64x256xf32, #tpu.memory_space<vmem>>) target(%dma_start3A_284 : memref<64x256xf32, #tpu.memory_space<hbm>>) target_semaphore(%arg12 : memref<!tpu.dma_semaphore, #tpu.memory_space<semaphore_mem>>)
    %scan3A_289 = arith.constant 0 : i32
    %scan3A_290 = arith.constant 1 : i32
    %scan3A_291 = arith.constant 31 : i32
    %scan3A_292 = arith.addi %scan3A_290, %scan3A_291 : i32
    %scan3A_293 = arith.constant 1 : i32
    scf.for %scan3A_328 = %scan3A_290 to %scan3A_292 step %scan3A_293  : i32 {
      %mul3A_329 = arith.constant 2 : i32
      %mul3A_330 = arith.muli %mul3A_329, %scan3A_328 : i32
      %add3A_331 = arith.constant 0 : i32
      %add3A_332 = arith.addi %mul3A_330, %add3A_331 : i32
      %sub3A = arith.constant 2 : i32
      %sub3A_333 = arith.subi %add3A_332, %sub3A : i32
      %mul3A_334 = arith.constant 4 : i32
      %mul3A_335 = arith.muli %sub3A_333, %mul3A_334 : i32
      %add3A_336 = arith.addi %mul3A_2, %mul3A_335 : i32
      %mul3A_337 = arith.constant 64 : i32
      %mul3A_338 = arith.muli %add3A_336, %mul3A_337 : i32
      %dma_wait3A_339 = arith.constant 0 : i32
      %dma_wait3A_340 = arith.constant 0 : i32
      %dma_wait3A_341 = arith.constant 0 : i32
      %dma_wait3A_342 = tpu.memref_slice %arg10[%dma_wait3A_339, %dma_wait3A_340, %dma_wait3A_341] : memref<2x64x256xf32, #tpu.memory_space<vmem>> -> memref<1x64x256xf32, #tpu.memory_space<vmem>>
      %dma_wait3A_343 = tpu.memref_squeeze %dma_wait3A_342 : memref<1x64x256xf32, #tpu.memory_space<vmem>> -> memref<64x256xf32, #tpu.memory_space<vmem>>
      %dma_wait3A_344 = arith.constant 0 : i32
      %dma_wait3A_345 = tpu.memref_slice %arg5[%dma_wait3A_344, %mul3A_338] : memref<64x524288xf32, #tpu.memory_space<hbm>> -> memref<64x256xf32, #tpu.memory_space<hbm>>
      %dma_wait3A_346 = arith.constant 0 : i32
      %dma_wait3A_347 = tpu.memref_slice %arg5[%dma_wait3A_346, %mul3A_338] : memref<64x524288xf32, #tpu.memory_space<hbm>> -> memref<64x256xf32, #tpu.memory_space<hbm>>
      %dma_wait3A_348 = arith.constant 0 : i32
      %dma_wait3A_349 = arith.constant 0 : i32
      %dma_wait3A_350 = tpu.memref_slice %arg10[%dma_wait3A_339, %dma_wait3A_348, %dma_wait3A_349] : memref<2x64x256xf32, #tpu.memory_space<vmem>> -> memref<1x64x256xf32, #tpu.memory_space<vmem>>
      %dma_wait3A_351 = tpu.memref_squeeze %dma_wait3A_350 : memref<1x64x256xf32, #tpu.memory_space<vmem>> -> memref<64x256xf32, #tpu.memory_space<vmem>>
      tpu.wait_dma2 semaphore(%arg11 : memref<!tpu.dma_semaphore, #tpu.memory_space<semaphore_mem>>) src(%dma_wait3A_351 : memref<64x256xf32, #tpu.memory_space<vmem>>) dst(%dma_wait3A_347 : memref<64x256xf32, #tpu.memory_space<hbm>>)
      %sub3A_352 = arith.constant 2 : i32
      %sub3A_353 = arith.subi %add3A_332, %sub3A_352 : i32
      %mul3A_354 = arith.constant 4 : i32
      %mul3A_355 = arith.muli %sub3A_353, %mul3A_354 : i32
      %add3A_356 = arith.constant 0 : i32
      %add3A_357 = arith.addi %mul3A_355, %add3A_356 : i32
      %mul3A_358 = arith.constant 64 : i32
      %mul3A_359 = arith.muli %add3A_357, %mul3A_358 : i32
      %add3A_360 = arith.constant 0 : i32
      %add3A_361 = arith.addi %mul3A_359, %add3A_360 : i32
      %get3A_362 = arith.index_cast %add3A_361 : i32 to index
      %get3A_363 = tpu.vector_load %arg9[%get3A_362] {strides = array<i32>} : memref<16384xi32, #tpu.memory_space<vmem>>, vector<16xi32>,
      %broadcast_in_dim3A_364 = arith.constant 0 : i32
      %broadcast_in_dim3A_365 = vector.broadcast %broadcast_in_dim3A_364 : i32 to vector<16xi32>
      %broadcast_in_dim3A_366 = arith.constant 0 : i32
      %broadcast_in_dim3A_367 = vector.broadcast %broadcast_in_dim3A_366 : i32 to vector<16xi32>
      %add3A_368 = arith.addi %broadcast_in_dim3A_367, %iota3A : vector<16xi32>
      tpu.vector_store_idx %arg10[%broadcast_in_dim3A_365, %get3A_363, %add3A_368], %broadcast_in_dim3A_20 : memref<2x64x256xf32, #tpu.memory_space<vmem>>[vector<16xi32>, vector<16xi32>, vector<16xi32>], vector<16xf32>,
      %mul3A_369 = arith.constant 4 : i32
      %mul3A_370 = arith.muli %sub3A_353, %mul3A_369 : i32
      %add3A_371 = arith.constant 0 : i32
      %add3A_372 = arith.addi %mul3A_370, %add3A_371 : i32
      %mul3A_373 = arith.constant 64 : i32
      %mul3A_374 = arith.muli %add3A_372, %mul3A_373 : i32
      %add3A_375 = arith.constant 16 : i32
      %add3A_376 = arith.addi %mul3A_374, %add3A_375 : i32
      %get3A_377 = arith.index_cast %add3A_376 : i32 to index
      %get3A_378 = tpu.vector_load %arg9[%get3A_377] {strides = array<i32>} : memref<16384xi32, #tpu.memory_space<vmem>>, vector<16xi32>,
      %broadcast_in_dim3A_379 = arith.constant 0 : i32
      %broadcast_in_dim3A_380 = vector.broadcast %broadcast_in_dim3A_379 : i32 to vector<16xi32>
      %broadcast_in_dim3A_381 = arith.constant 16 : i32
      %broadcast_in_dim3A_382 = vector.broadcast %broadcast_in_dim3A_381 : i32 to vector<16xi32>
      %add3A_383 = arith.addi %broadcast_in_dim3A_382, %iota3A : vector<16xi32>
      tpu.vector_store_idx %arg10[%broadcast_in_dim3A_380, %get3A_378, %add3A_383], %broadcast_in_dim3A_20 : memref<2x64x256xf32, #tpu.memory_space<vmem>>[vector<16xi32>, vector<16xi32>, vector<16xi32>], vector<16xf32>,
      %mul3A_384 = arith.constant 4 : i32
      %mul3A_385 = arith.muli %sub3A_353, %mul3A_384 : i32
      %add3A_386 = arith.constant 0 : i32
      %add3A_387 = arith.addi %mul3A_385, %add3A_386 : i32
      %mul3A_388 = arith.constant 64 : i32
      %mul3A_389 = arith.muli %add3A_387, %mul3A_388 : i32
      %add3A_390 = arith.constant 32 : i32
      %add3A_391 = arith.addi %mul3A_389, %add3A_390 : i32
      %get3A_392 = arith.index_cast %add3A_391 : i32 to index
      %get3A_393 = tpu.vector_load %arg9[%get3A_392] {strides = array<i32>} : memref<16384xi32, #tpu.memory_space<vmem>>, vector<16xi32>,
      %broadcast_in_dim3A_394 = arith.constant 0 : i32
      %broadcast_in_dim3A_395 = vector.broadcast %broadcast_in_dim3A_394 : i32 to vector<16xi32>
      %broadcast_in_dim3A_396 = arith.constant 32 : i32
      %broadcast_in_dim3A_397 = vector.broadcast %broadcast_in_dim3A_396 : i32 to vector<16xi32>
      %add3A_398 = arith.addi %broadcast_in_dim3A_397, %iota3A : vector<16xi32>
      tpu.vector_store_idx %arg10[%broadcast_in_dim3A_395, %get3A_393, %add3A_398], %broadcast_in_dim3A_20 : memref<2x64x256xf32, #tpu.memory_space<vmem>>[vector<16xi32>, vector<16xi32>, vector<16xi32>], vector<16xf32>,
      %mul3A_399 = arith.constant 4 : i32
      %mul3A_400 = arith.muli %sub3A_353, %mul3A_399 : i32
      %add3A_401 = arith.constant 0 : i32
      %add3A_402 = arith.addi %mul3A_400, %add3A_401 : i32
      %mul3A_403 = arith.constant 64 : i32
      %mul3A_404 = arith.muli %add3A_402, %mul3A_403 : i32
      %add3A_405 = arith.constant 48 : i32
      %add3A_406 = arith.addi %mul3A_404, %add3A_405 : i32
      %get3A_407 = arith.index_cast %add3A_406 : i32 to index
      %get3A_408 = tpu.vector_load %arg9[%get3A_407] {strides = array<i32>} : memref<16384xi32, #tpu.memory_space<vmem>>, vector<16xi32>,
      %broadcast_in_dim3A_409 = arith.constant 0 : i32
      %broadcast_in_dim3A_410 = vector.broadcast %broadcast_in_dim3A_409 : i32 to vector<16xi32>
      %broadcast_in_dim3A_411 = arith.constant 48 : i32
      %broadcast_in_dim3A_412 = vector.broadcast %broadcast_in_dim3A_411 : i32 to vector<16xi32>
      %add3A_413 = arith.addi %broadcast_in_dim3A_412, %iota3A : vector<16xi32>
      tpu.vector_store_idx %arg10[%broadcast_in_dim3A_410, %get3A_408, %add3A_413], %broadcast_in_dim3A_20 : memref<2x64x256xf32, #tpu.memory_space<vmem>>[vector<16xi32>, vector<16xi32>, vector<16xi32>], vector<16xf32>,
      %mul3A_414 = arith.constant 4 : i32
      %mul3A_415 = arith.muli %sub3A_353, %mul3A_414 : i32
      %add3A_416 = arith.constant 1 : i32
      %add3A_417 = arith.addi %mul3A_415, %add3A_416 : i32
      %mul3A_418 = arith.constant 64 : i32
      %mul3A_419 = arith.muli %add3A_417, %mul3A_418 : i32
      %add3A_420 = arith.constant 0 : i32
      %add3A_421 = arith.addi %mul3A_419, %add3A_420 : i32
      %get3A_422 = arith.index_cast %add3A_421 : i32 to index
      %get3A_423 = tpu.vector_load %arg9[%get3A_422] {strides = array<i32>} : memref<16384xi32, #tpu.memory_space<vmem>>, vector<16xi32>,
      %broadcast_in_dim3A_424 = arith.constant 0 : i32
      %broadcast_in_dim3A_425 = vector.broadcast %broadcast_in_dim3A_424 : i32 to vector<16xi32>
      %broadcast_in_dim3A_426 = arith.constant 64 : i32
      %broadcast_in_dim3A_427 = vector.broadcast %broadcast_in_dim3A_426 : i32 to vector<16xi32>
      %add3A_428 = arith.addi %broadcast_in_dim3A_427, %iota3A : vector<16xi32>
      tpu.vector_store_idx %arg10[%broadcast_in_dim3A_425, %get3A_423, %add3A_428], %broadcast_in_dim3A_20 : memref<2x64x256xf32, #tpu.memory_space<vmem>>[vector<16xi32>, vector<16xi32>, vector<16xi32>], vector<16xf32>,
      %mul3A_429 = arith.constant 4 : i32
      %mul3A_430 = arith.muli %sub3A_353, %mul3A_429 : i32
      %add3A_431 = arith.constant 1 : i32
      %add3A_432 = arith.addi %mul3A_430, %add3A_431 : i32
      %mul3A_433 = arith.constant 64 : i32
      %mul3A_434 = arith.muli %add3A_432, %mul3A_433 : i32
      %add3A_435 = arith.constant 16 : i32
      %add3A_436 = arith.addi %mul3A_434, %add3A_435 : i32
      %get3A_437 = arith.index_cast %add3A_436 : i32 to index
      %get3A_438 = tpu.vector_load %arg9[%get3A_437] {strides = array<i32>} : memref<16384xi32, #tpu.memory_space<vmem>>, vector<16xi32>,
      %broadcast_in_dim3A_439 = arith.constant 0 : i32
      %broadcast_in_dim3A_440 = vector.broadcast %broadcast_in_dim3A_439 : i32 to vector<16xi32>
      %broadcast_in_dim3A_441 = arith.constant 80 : i32
      %broadcast_in_dim3A_442 = vector.broadcast %broadcast_in_dim3A_441 : i32 to vector<16xi32>
      %add3A_443 = arith.addi %broadcast_in_dim3A_442, %iota3A : vector<16xi32>
      tpu.vector_store_idx %arg10[%broadcast_in_dim3A_440, %get3A_438, %add3A_443], %broadcast_in_dim3A_20 : memref<2x64x256xf32, #tpu.memory_space<vmem>>[vector<16xi32>, vector<16xi32>, vector<16xi32>], vector<16xf32>,
      %mul3A_444 = arith.constant 4 : i32
      %mul3A_445 = arith.muli %sub3A_353, %mul3A_444 : i32
      %add3A_446 = arith.constant 1 : i32
      %add3A_447 = arith.addi %mul3A_445, %add3A_446 : i32
      %mul3A_448 = arith.constant 64 : i32
      %mul3A_449 = arith.muli %add3A_447, %mul3A_448 : i32
      %add3A_450 = arith.constant 32 : i32
      %add3A_451 = arith.addi %mul3A_449, %add3A_450 : i32
      %get3A_452 = arith.index_cast %add3A_451 : i32 to index
      %get3A_453 = tpu.vector_load %arg9[%get3A_452] {strides = array<i32>} : memref<16384xi32, #tpu.memory_space<vmem>>, vector<16xi32>,
      %broadcast_in_dim3A_454 = arith.constant 0 : i32
      %broadcast_in_dim3A_455 = vector.broadcast %broadcast_in_dim3A_454 : i32 to vector<16xi32>
      %broadcast_in_dim3A_456 = arith.constant 96 : i32
      %broadcast_in_dim3A_457 = vector.broadcast %broadcast_in_dim3A_456 : i32 to vector<16xi32>
      %add3A_458 = arith.addi %broadcast_in_dim3A_457, %iota3A : vector<16xi32>
      tpu.vector_store_idx %arg10[%broadcast_in_dim3A_455, %get3A_453, %add3A_458], %broadcast_in_dim3A_20 : memref<2x64x256xf32, #tpu.memory_space<vmem>>[vector<16xi32>, vector<16xi32>, vector<16xi32>], vector<16xf32>,
      %mul3A_459 = arith.constant 4 : i32
      %mul3A_460 = arith.muli %sub3A_353, %mul3A_459 : i32
      %add3A_461 = arith.constant 1 : i32
      %add3A_462 = arith.addi %mul3A_460, %add3A_461 : i32
      %mul3A_463 = arith.constant 64 : i32
      %mul3A_464 = arith.muli %add3A_462, %mul3A_463 : i32
      %add3A_465 = arith.constant 48 : i32
      %add3A_466 = arith.addi %mul3A_464, %add3A_465 : i32
      %get3A_467 = arith.index_cast %add3A_466 : i32 to index
      %get3A_468 = tpu.vector_load %arg9[%get3A_467] {strides = array<i32>} : memref<16384xi32, #tpu.memory_space<vmem>>, vector<16xi32>,
      %broadcast_in_dim3A_469 = arith.constant 0 : i32
      %broadcast_in_dim3A_470 = vector.broadcast %broadcast_in_dim3A_469 : i32 to vector<16xi32>
      %broadcast_in_dim3A_471 = arith.constant 112 : i32
      %broadcast_in_dim3A_472 = vector.broadcast %broadcast_in_dim3A_471 : i32 to vector<16xi32>
      %add3A_473 = arith.addi %broadcast_in_dim3A_472, %iota3A : vector<16xi32>
      tpu.vector_store_idx %arg10[%broadcast_in_dim3A_470, %get3A_468, %add3A_473], %broadcast_in_dim3A_20 : memref<2x64x256xf32, #tpu.memory_space<vmem>>[vector<16xi32>, vector<16xi32>, vector<16xi32>], vector<16xf32>,
      %mul3A_474 = arith.constant 4 : i32
      %mul3A_475 = arith.muli %sub3A_353, %mul3A_474 : i32
      %add3A_476 = arith.constant 2 : i32
      %add3A_477 = arith.addi %mul3A_475, %add3A_476 : i32
      %mul3A_478 = arith.constant 64 : i32
      %mul3A_479 = arith.muli %add3A_477, %mul3A_478 : i32
      %add3A_480 = arith.constant 0 : i32
      %add3A_481 = arith.addi %mul3A_479, %add3A_480 : i32
      %get3A_482 = arith.index_cast %add3A_481 : i32 to index
      %get3A_483 = tpu.vector_load %arg9[%get3A_482] {strides = array<i32>} : memref<16384xi32, #tpu.memory_space<vmem>>, vector<16xi32>,
      %broadcast_in_dim3A_484 = arith.constant 0 : i32
      %broadcast_in_dim3A_485 = vector.broadcast %broadcast_in_dim3A_484 : i32 to vector<16xi32>
      %broadcast_in_dim3A_486 = arith.constant 128 : i32
      %broadcast_in_dim3A_487 = vector.broadcast %broadcast_in_dim3A_486 : i32 to vector<16xi32>
      %add3A_488 = arith.addi %broadcast_in_dim3A_487, %iota3A : vector<16xi32>
      tpu.vector_store_idx %arg10[%broadcast_in_dim3A_485, %get3A_483, %add3A_488], %broadcast_in_dim3A_20 : memref<2x64x256xf32, #tpu.memory_space<vmem>>[vector<16xi32>, vector<16xi32>, vector<16xi32>], vector<16xf32>,
      %mul3A_489 = arith.constant 4 : i32
      %mul3A_490 = arith.muli %sub3A_353, %mul3A_489 : i32
      %add3A_491 = arith.constant 2 : i32
      %add3A_492 = arith.addi %mul3A_490, %add3A_491 : i32
      %mul3A_493 = arith.constant 64 : i32
      %mul3A_494 = arith.muli %add3A_492, %mul3A_493 : i32
      %add3A_495 = arith.constant 16 : i32
      %add3A_496 = arith.addi %mul3A_494, %add3A_495 : i32
      %get3A_497 = arith.index_cast %add3A_496 : i32 to index
      %get3A_498 = tpu.vector_load %arg9[%get3A_497] {strides = array<i32>} : memref<16384xi32, #tpu.memory_space<vmem>>, vector<16xi32>,
      %broadcast_in_dim3A_499 = arith.constant 0 : i32
      %broadcast_in_dim3A_500 = vector.broadcast %broadcast_in_dim3A_499 : i32 to vector<16xi32>
      %broadcast_in_dim3A_501 = arith.constant 144 : i32
      %broadcast_in_dim3A_502 = vector.broadcast %broadcast_in_dim3A_501 : i32 to vector<16xi32>
      %add3A_503 = arith.addi %broadcast_in_dim3A_502, %iota3A : vector<16xi32>
      tpu.vector_store_idx %arg10[%broadcast_in_dim3A_500, %get3A_498, %add3A_503], %broadcast_in_dim3A_20 : memref<2x64x256xf32, #tpu.memory_space<vmem>>[vector<16xi32>, vector<16xi32>, vector<16xi32>], vector<16xf32>,
      %mul3A_504 = arith.constant 4 : i32
      %mul3A_505 = arith.muli %sub3A_353, %mul3A_504 : i32
      %add3A_506 = arith.constant 2 : i32
      %add3A_507 = arith.addi %mul3A_505, %add3A_506 : i32
      %mul3A_508 = arith.constant 64 : i32
      %mul3A_509 = arith.muli %add3A_507, %mul3A_508 : i32
      %add3A_510 = arith.constant 32 : i32
      %add3A_511 = arith.addi %mul3A_509, %add3A_510 : i32
      %get3A_512 = arith.index_cast %add3A_511 : i32 to index
      %get3A_513 = tpu.vector_load %arg9[%get3A_512] {strides = array<i32>} : memref<16384xi32, #tpu.memory_space<vmem>>, vector<16xi32>,
      %broadcast_in_dim3A_514 = arith.constant 0 : i32
      %broadcast_in_dim3A_515 = vector.broadcast %broadcast_in_dim3A_514 : i32 to vector<16xi32>
      %broadcast_in_dim3A_516 = arith.constant 160 : i32
      %broadcast_in_dim3A_517 = vector.broadcast %broadcast_in_dim3A_516 : i32 to vector<16xi32>
      %add3A_518 = arith.addi %broadcast_in_dim3A_517, %iota3A : vector<16xi32>
      tpu.vector_store_idx %arg10[%broadcast_in_dim3A_515, %get3A_513, %add3A_518], %broadcast_in_dim3A_20 : memref<2x64x256xf32, #tpu.memory_space<vmem>>[vector<16xi32>, vector<16xi32>, vector<16xi32>], vector<16xf32>,
      %mul3A_519 = arith.constant 4 : i32
      %mul3A_520 = arith.muli %sub3A_353, %mul3A_519 : i32
      %add3A_521 = arith.constant 2 : i32
      %add3A_522 = arith.addi %mul3A_520, %add3A_521 : i32
      %mul3A_523 = arith.constant 64 : i32
      %mul3A_524 = arith.muli %add3A_522, %mul3A_523 : i32
      %add3A_525 = arith.constant 48 : i32
      %add3A_526 = arith.addi %mul3A_524, %add3A_525 : i32
      %get3A_527 = arith.index_cast %add3A_526 : i32 to index
      %get3A_528 = tpu.vector_load %arg9[%get3A_527] {strides = array<i32>} : memref<16384xi32, #tpu.memory_space<vmem>>, vector<16xi32>,
      %broadcast_in_dim3A_529 = arith.constant 0 : i32
      %broadcast_in_dim3A_530 = vector.broadcast %broadcast_in_dim3A_529 : i32 to vector<16xi32>
      %broadcast_in_dim3A_531 = arith.constant 176 : i32
      %broadcast_in_dim3A_532 = vector.broadcast %broadcast_in_dim3A_531 : i32 to vector<16xi32>
      %add3A_533 = arith.addi %broadcast_in_dim3A_532, %iota3A : vector<16xi32>
      tpu.vector_store_idx %arg10[%broadcast_in_dim3A_530, %get3A_528, %add3A_533], %broadcast_in_dim3A_20 : memref<2x64x256xf32, #tpu.memory_space<vmem>>[vector<16xi32>, vector<16xi32>, vector<16xi32>], vector<16xf32>,
      %mul3A_534 = arith.constant 4 : i32
      %mul3A_535 = arith.muli %sub3A_353, %mul3A_534 : i32
      %add3A_536 = arith.constant 3 : i32
      %add3A_537 = arith.addi %mul3A_535, %add3A_536 : i32
      %mul3A_538 = arith.constant 64 : i32
      %mul3A_539 = arith.muli %add3A_537, %mul3A_538 : i32
      %add3A_540 = arith.constant 0 : i32
      %add3A_541 = arith.addi %mul3A_539, %add3A_540 : i32
      %get3A_542 = arith.index_cast %add3A_541 : i32 to index
      %get3A_543 = tpu.vector_load %arg9[%get3A_542] {strides = array<i32>} : memref<16384xi32, #tpu.memory_space<vmem>>, vector<16xi32>,
      %broadcast_in_dim3A_544 = arith.constant 0 : i32
      %broadcast_in_dim3A_545 = vector.broadcast %broadcast_in_dim3A_544 : i32 to vector<16xi32>
      %broadcast_in_dim3A_546 = arith.constant 192 : i32
      %broadcast_in_dim3A_547 = vector.broadcast %broadcast_in_dim3A_546 : i32 to vector<16xi32>
      %add3A_548 = arith.addi %broadcast_in_dim3A_547, %iota3A : vector<16xi32>
      tpu.vector_store_idx %arg10[%broadcast_in_dim3A_545, %get3A_543, %add3A_548], %broadcast_in_dim3A_20 : memref<2x64x256xf32, #tpu.memory_space<vmem>>[vector<16xi32>, vector<16xi32>, vector<16xi32>], vector<16xf32>,
      %mul3A_549 = arith.constant 4 : i32
      %mul3A_550 = arith.muli %sub3A_353, %mul3A_549 : i32
      %add3A_551 = arith.constant 3 : i32
      %add3A_552 = arith.addi %mul3A_550, %add3A_551 : i32
      %mul3A_553 = arith.constant 64 : i32
      %mul3A_554 = arith.muli %add3A_552, %mul3A_553 : i32
      %add3A_555 = arith.constant 16 : i32
      %add3A_556 = arith.addi %mul3A_554, %add3A_555 : i32
      %get3A_557 = arith.index_cast %add3A_556 : i32 to index
      %get3A_558 = tpu.vector_load %arg9[%get3A_557] {strides = array<i32>} : memref<16384xi32, #tpu.memory_space<vmem>>, vector<16xi32>,
      %broadcast_in_dim3A_559 = arith.constant 0 : i32
      %broadcast_in_dim3A_560 = vector.broadcast %broadcast_in_dim3A_559 : i32 to vector<16xi32>
      %broadcast_in_dim3A_561 = arith.constant 208 : i32
      %broadcast_in_dim3A_562 = vector.broadcast %broadcast_in_dim3A_561 : i32 to vector<16xi32>
      %add3A_563 = arith.addi %broadcast_in_dim3A_562, %iota3A : vector<16xi32>
      tpu.vector_store_idx %arg10[%broadcast_in_dim3A_560, %get3A_558, %add3A_563], %broadcast_in_dim3A_20 : memref<2x64x256xf32, #tpu.memory_space<vmem>>[vector<16xi32>, vector<16xi32>, vector<16xi32>], vector<16xf32>,
      %mul3A_564 = arith.constant 4 : i32
      %mul3A_565 = arith.muli %sub3A_353, %mul3A_564 : i32
      %add3A_566 = arith.constant 3 : i32
      %add3A_567 = arith.addi %mul3A_565, %add3A_566 : i32
      %mul3A_568 = arith.constant 64 : i32
      %mul3A_569 = arith.muli %add3A_567, %mul3A_568 : i32
      %add3A_570 = arith.constant 32 : i32
      %add3A_571 = arith.addi %mul3A_569, %add3A_570 : i32
      %get3A_572 = arith.index_cast %add3A_571 : i32 to index
      %get3A_573 = tpu.vector_load %arg9[%get3A_572] {strides = array<i32>} : memref<16384xi32, #tpu.memory_space<vmem>>, vector<16xi32>,
      %broadcast_in_dim3A_574 = arith.constant 0 : i32
      %broadcast_in_dim3A_575 = vector.broadcast %broadcast_in_dim3A_574 : i32 to vector<16xi32>
      %broadcast_in_dim3A_576 = arith.constant 224 : i32
      %broadcast_in_dim3A_577 = vector.broadcast %broadcast_in_dim3A_576 : i32 to vector<16xi32>
      %add3A_578 = arith.addi %broadcast_in_dim3A_577, %iota3A : vector<16xi32>
      tpu.vector_store_idx %arg10[%broadcast_in_dim3A_575, %get3A_573, %add3A_578], %broadcast_in_dim3A_20 : memref<2x64x256xf32, #tpu.memory_space<vmem>>[vector<16xi32>, vector<16xi32>, vector<16xi32>], vector<16xf32>,
      %mul3A_579 = arith.constant 4 : i32
      %mul3A_580 = arith.muli %sub3A_353, %mul3A_579 : i32
      %add3A_581 = arith.constant 3 : i32
      %add3A_582 = arith.addi %mul3A_580, %add3A_581 : i32
      %mul3A_583 = arith.constant 64 : i32
      %mul3A_584 = arith.muli %add3A_582, %mul3A_583 : i32
      %add3A_585 = arith.constant 48 : i32
      %add3A_586 = arith.addi %mul3A_584, %add3A_585 : i32
      %get3A_587 = arith.index_cast %add3A_586 : i32 to index
      %get3A_588 = tpu.vector_load %arg9[%get3A_587] {strides = array<i32>} : memref<16384xi32, #tpu.memory_space<vmem>>, vector<16xi32>,
      %broadcast_in_dim3A_589 = arith.constant 0 : i32
      %broadcast_in_dim3A_590 = vector.broadcast %broadcast_in_dim3A_589 : i32 to vector<16xi32>
      %broadcast_in_dim3A_591 = arith.constant 240 : i32
      %broadcast_in_dim3A_592 = vector.broadcast %broadcast_in_dim3A_591 : i32 to vector<16xi32>
      %add3A_593 = arith.addi %broadcast_in_dim3A_592, %iota3A : vector<16xi32>
      tpu.vector_store_idx %arg10[%broadcast_in_dim3A_590, %get3A_588, %add3A_593], %broadcast_in_dim3A_20 : memref<2x64x256xf32, #tpu.memory_space<vmem>>[vector<16xi32>, vector<16xi32>, vector<16xi32>], vector<16xf32>,
      %mul3A_594 = arith.constant 4 : i32
      %mul3A_595 = arith.muli %add3A_332, %mul3A_594 : i32
      %add3A_596 = arith.constant 0 : i32
      %add3A_597 = arith.addi %mul3A_595, %add3A_596 : i32
      %mul3A_598 = arith.constant 64 : i32
      %mul3A_599 = arith.muli %add3A_597, %mul3A_598 : i32
      %add3A_600 = arith.constant 0 : i32
      %add3A_601 = arith.addi %mul3A_599, %add3A_600 : i32
      %get3A_602 = arith.index_cast %add3A_601 : i32 to index
      %get3A_603 = tpu.vector_load %arg9[%get3A_602] {strides = array<i32>} : memref<16384xi32, #tpu.memory_space<vmem>>, vector<16xi32>,
      %broadcast_in_dim3A_604 = arith.constant 0 : i32
      %broadcast_in_dim3A_605 = vector.broadcast %broadcast_in_dim3A_604 : i32 to vector<16xi32>
      %broadcast_in_dim3A_606 = arith.constant 0 : i32
      %broadcast_in_dim3A_607 = vector.broadcast %broadcast_in_dim3A_606 : i32 to vector<16xi32>
      %add3A_608 = arith.addi %broadcast_in_dim3A_607, %iota3A : vector<16xi32>
      tpu.vector_store_idx %arg10[%broadcast_in_dim3A_605, %get3A_603, %add3A_608], %broadcast_in_dim3A_18 : memref<2x64x256xf32, #tpu.memory_space<vmem>>[vector<16xi32>, vector<16xi32>, vector<16xi32>], vector<16xf32>,
      %mul3A_609 = arith.constant 4 : i32
      %mul3A_610 = arith.muli %add3A_332, %mul3A_609 : i32
      %add3A_611 = arith.constant 0 : i32
      %add3A_612 = arith.addi %mul3A_610, %add3A_611 : i32
      %mul3A_613 = arith.constant 64 : i32
      %mul3A_614 = arith.muli %add3A_612, %mul3A_613 : i32
      %add3A_615 = arith.constant 16 : i32
      %add3A_616 = arith.addi %mul3A_614, %add3A_615 : i32
      %get3A_617 = arith.index_cast %add3A_616 : i32 to index
      %get3A_618 = tpu.vector_load %arg9[%get3A_617] {strides = array<i32>} : memref<16384xi32, #tpu.memory_space<vmem>>, vector<16xi32>,
      %broadcast_in_dim3A_619 = arith.constant 0 : i32
      %broadcast_in_dim3A_620 = vector.broadcast %broadcast_in_dim3A_619 : i32 to vector<16xi32>
      %broadcast_in_dim3A_621 = arith.constant 16 : i32
      %broadcast_in_dim3A_622 = vector.broadcast %broadcast_in_dim3A_621 : i32 to vector<16xi32>
      %add3A_623 = arith.addi %broadcast_in_dim3A_622, %iota3A : vector<16xi32>
      tpu.vector_store_idx %arg10[%broadcast_in_dim3A_620, %get3A_618, %add3A_623], %broadcast_in_dim3A_18 : memref<2x64x256xf32, #tpu.memory_space<vmem>>[vector<16xi32>, vector<16xi32>, vector<16xi32>], vector<16xf32>,
      %mul3A_624 = arith.constant 4 : i32
      %mul3A_625 = arith.muli %add3A_332, %mul3A_624 : i32
      %add3A_626 = arith.constant 0 : i32
      %add3A_627 = arith.addi %mul3A_625, %add3A_626 : i32
      %mul3A_628 = arith.constant 64 : i32
      %mul3A_629 = arith.muli %add3A_627, %mul3A_628 : i32
      %add3A_630 = arith.constant 32 : i32
      %add3A_631 = arith.addi %mul3A_629, %add3A_630 : i32
      %get3A_632 = arith.index_cast %add3A_631 : i32 to index
      %get3A_633 = tpu.vector_load %arg9[%get3A_632] {strides = array<i32>} : memref<16384xi32, #tpu.memory_space<vmem>>, vector<16xi32>,
      %broadcast_in_dim3A_634 = arith.constant 0 : i32
      %broadcast_in_dim3A_635 = vector.broadcast %broadcast_in_dim3A_634 : i32 to vector<16xi32>
      %broadcast_in_dim3A_636 = arith.constant 32 : i32
      %broadcast_in_dim3A_637 = vector.broadcast %broadcast_in_dim3A_636 : i32 to vector<16xi32>
      %add3A_638 = arith.addi %broadcast_in_dim3A_637, %iota3A : vector<16xi32>
      tpu.vector_store_idx %arg10[%broadcast_in_dim3A_635, %get3A_633, %add3A_638], %broadcast_in_dim3A_18 : memref<2x64x256xf32, #tpu.memory_space<vmem>>[vector<16xi32>, vector<16xi32>, vector<16xi32>], vector<16xf32>,
      %mul3A_639 = arith.constant 4 : i32
      %mul3A_640 = arith.muli %add3A_332, %mul3A_639 : i32
      %add3A_641 = arith.constant 0 : i32
      %add3A_642 = arith.addi %mul3A_640, %add3A_641 : i32
      %mul3A_643 = arith.constant 64 : i32
      %mul3A_644 = arith.muli %add3A_642, %mul3A_643 : i32
      %add3A_645 = arith.constant 48 : i32
      %add3A_646 = arith.addi %mul3A_644, %add3A_645 : i32
      %get3A_647 = arith.index_cast %add3A_646 : i32 to index
      %get3A_648 = tpu.vector_load %arg9[%get3A_647] {strides = array<i32>} : memref<16384xi32, #tpu.memory_space<vmem>>, vector<16xi32>,
      %broadcast_in_dim3A_649 = arith.constant 0 : i32
      %broadcast_in_dim3A_650 = vector.broadcast %broadcast_in_dim3A_649 : i32 to vector<16xi32>
      %broadcast_in_dim3A_651 = arith.constant 48 : i32
      %broadcast_in_dim3A_652 = vector.broadcast %broadcast_in_dim3A_651 : i32 to vector<16xi32>
      %add3A_653 = arith.addi %broadcast_in_dim3A_652, %iota3A : vector<16xi32>
      tpu.vector_store_idx %arg10[%broadcast_in_dim3A_650, %get3A_648, %add3A_653], %broadcast_in_dim3A_18 : memref<2x64x256xf32, #tpu.memory_space<vmem>>[vector<16xi32>, vector<16xi32>, vector<16xi32>], vector<16xf32>,
      %mul3A_654 = arith.constant 4 : i32
      %mul3A_655 = arith.muli %add3A_332, %mul3A_654 : i32
      %add3A_656 = arith.constant 1 : i32
      %add3A_657 = arith.addi %mul3A_655, %add3A_656 : i32
      %mul3A_658 = arith.constant 64 : i32
      %mul3A_659 = arith.muli %add3A_657, %mul3A_658 : i32
      %add3A_660 = arith.constant 0 : i32
      %add3A_661 = arith.addi %mul3A_659, %add3A_660 : i32
      %get3A_662 = arith.index_cast %add3A_661 : i32 to index
      %get3A_663 = tpu.vector_load %arg9[%get3A_662] {strides = array<i32>} : memref<16384xi32, #tpu.memory_space<vmem>>, vector<16xi32>,
      %broadcast_in_dim3A_664 = arith.constant 0 : i32
      %broadcast_in_dim3A_665 = vector.broadcast %broadcast_in_dim3A_664 : i32 to vector<16xi32>
      %broadcast_in_dim3A_666 = arith.constant 64 : i32
      %broadcast_in_dim3A_667 = vector.broadcast %broadcast_in_dim3A_666 : i32 to vector<16xi32>
      %add3A_668 = arith.addi %broadcast_in_dim3A_667, %iota3A : vector<16xi32>
      tpu.vector_store_idx %arg10[%broadcast_in_dim3A_665, %get3A_663, %add3A_668], %broadcast_in_dim3A_18 : memref<2x64x256xf32, #tpu.memory_space<vmem>>[vector<16xi32>, vector<16xi32>, vector<16xi32>], vector<16xf32>,
      %mul3A_669 = arith.constant 4 : i32
      %mul3A_670 = arith.muli %add3A_332, %mul3A_669 : i32
      %add3A_671 = arith.constant 1 : i32
      %add3A_672 = arith.addi %mul3A_670, %add3A_671 : i32
      %mul3A_673 = arith.constant 64 : i32
      %mul3A_674 = arith.muli %add3A_672, %mul3A_673 : i32
      %add3A_675 = arith.constant 16 : i32
      %add3A_676 = arith.addi %mul3A_674, %add3A_675 : i32
      %get3A_677 = arith.index_cast %add3A_676 : i32 to index
      %get3A_678 = tpu.vector_load %arg9[%get3A_677] {strides = array<i32>} : memref<16384xi32, #tpu.memory_space<vmem>>, vector<16xi32>,
      %broadcast_in_dim3A_679 = arith.constant 0 : i32
      %broadcast_in_dim3A_680 = vector.broadcast %broadcast_in_dim3A_679 : i32 to vector<16xi32>
      %broadcast_in_dim3A_681 = arith.constant 80 : i32
      %broadcast_in_dim3A_682 = vector.broadcast %broadcast_in_dim3A_681 : i32 to vector<16xi32>
      %add3A_683 = arith.addi %broadcast_in_dim3A_682, %iota3A : vector<16xi32>
      tpu.vector_store_idx %arg10[%broadcast_in_dim3A_680, %get3A_678, %add3A_683], %broadcast_in_dim3A_18 : memref<2x64x256xf32, #tpu.memory_space<vmem>>[vector<16xi32>, vector<16xi32>, vector<16xi32>], vector<16xf32>,
      %mul3A_684 = arith.constant 4 : i32
      %mul3A_685 = arith.muli %add3A_332, %mul3A_684 : i32
      %add3A_686 = arith.constant 1 : i32
      %add3A_687 = arith.addi %mul3A_685, %add3A_686 : i32
      %mul3A_688 = arith.constant 64 : i32
      %mul3A_689 = arith.muli %add3A_687, %mul3A_688 : i32
      %add3A_690 = arith.constant 32 : i32
      %add3A_691 = arith.addi %mul3A_689, %add3A_690 : i32
      %get3A_692 = arith.index_cast %add3A_691 : i32 to index
      %get3A_693 = tpu.vector_load %arg9[%get3A_692] {strides = array<i32>} : memref<16384xi32, #tpu.memory_space<vmem>>, vector<16xi32>,
      %broadcast_in_dim3A_694 = arith.constant 0 : i32
      %broadcast_in_dim3A_695 = vector.broadcast %broadcast_in_dim3A_694 : i32 to vector<16xi32>
      %broadcast_in_dim3A_696 = arith.constant 96 : i32
      %broadcast_in_dim3A_697 = vector.broadcast %broadcast_in_dim3A_696 : i32 to vector<16xi32>
      %add3A_698 = arith.addi %broadcast_in_dim3A_697, %iota3A : vector<16xi32>
      tpu.vector_store_idx %arg10[%broadcast_in_dim3A_695, %get3A_693, %add3A_698], %broadcast_in_dim3A_18 : memref<2x64x256xf32, #tpu.memory_space<vmem>>[vector<16xi32>, vector<16xi32>, vector<16xi32>], vector<16xf32>,
      %mul3A_699 = arith.constant 4 : i32
      %mul3A_700 = arith.muli %add3A_332, %mul3A_699 : i32
      %add3A_701 = arith.constant 1 : i32
      %add3A_702 = arith.addi %mul3A_700, %add3A_701 : i32
      %mul3A_703 = arith.constant 64 : i32
      %mul3A_704 = arith.muli %add3A_702, %mul3A_703 : i32
      %add3A_705 = arith.constant 48 : i32
      %add3A_706 = arith.addi %mul3A_704, %add3A_705 : i32
      %get3A_707 = arith.index_cast %add3A_706 : i32 to index
      %get3A_708 = tpu.vector_load %arg9[%get3A_707] {strides = array<i32>} : memref<16384xi32, #tpu.memory_space<vmem>>, vector<16xi32>,
      %broadcast_in_dim3A_709 = arith.constant 0 : i32
      %broadcast_in_dim3A_710 = vector.broadcast %broadcast_in_dim3A_709 : i32 to vector<16xi32>
      %broadcast_in_dim3A_711 = arith.constant 112 : i32
      %broadcast_in_dim3A_712 = vector.broadcast %broadcast_in_dim3A_711 : i32 to vector<16xi32>
      %add3A_713 = arith.addi %broadcast_in_dim3A_712, %iota3A : vector<16xi32>
      tpu.vector_store_idx %arg10[%broadcast_in_dim3A_710, %get3A_708, %add3A_713], %broadcast_in_dim3A_18 : memref<2x64x256xf32, #tpu.memory_space<vmem>>[vector<16xi32>, vector<16xi32>, vector<16xi32>], vector<16xf32>,
      %mul3A_714 = arith.constant 4 : i32
      %mul3A_715 = arith.muli %add3A_332, %mul3A_714 : i32
      %add3A_716 = arith.constant 2 : i32
      %add3A_717 = arith.addi %mul3A_715, %add3A_716 : i32
      %mul3A_718 = arith.constant 64 : i32
      %mul3A_719 = arith.muli %add3A_717, %mul3A_718 : i32
      %add3A_720 = arith.constant 0 : i32
      %add3A_721 = arith.addi %mul3A_719, %add3A_720 : i32
      %get3A_722 = arith.index_cast %add3A_721 : i32 to index
      %get3A_723 = tpu.vector_load %arg9[%get3A_722] {strides = array<i32>} : memref<16384xi32, #tpu.memory_space<vmem>>, vector<16xi32>,
      %broadcast_in_dim3A_724 = arith.constant 0 : i32
      %broadcast_in_dim3A_725 = vector.broadcast %broadcast_in_dim3A_724 : i32 to vector<16xi32>
      %broadcast_in_dim3A_726 = arith.constant 128 : i32
      %broadcast_in_dim3A_727 = vector.broadcast %broadcast_in_dim3A_726 : i32 to vector<16xi32>
      %add3A_728 = arith.addi %broadcast_in_dim3A_727, %iota3A : vector<16xi32>
      tpu.vector_store_idx %arg10[%broadcast_in_dim3A_725, %get3A_723, %add3A_728], %broadcast_in_dim3A_18 : memref<2x64x256xf32, #tpu.memory_space<vmem>>[vector<16xi32>, vector<16xi32>, vector<16xi32>], vector<16xf32>,
      %mul3A_729 = arith.constant 4 : i32
      %mul3A_730 = arith.muli %add3A_332, %mul3A_729 : i32
      %add3A_731 = arith.constant 2 : i32
      %add3A_732 = arith.addi %mul3A_730, %add3A_731 : i32
      %mul3A_733 = arith.constant 64 : i32
      %mul3A_734 = arith.muli %add3A_732, %mul3A_733 : i32
      %add3A_735 = arith.constant 16 : i32
      %add3A_736 = arith.addi %mul3A_734, %add3A_735 : i32
      %get3A_737 = arith.index_cast %add3A_736 : i32 to index
      %get3A_738 = tpu.vector_load %arg9[%get3A_737] {strides = array<i32>} : memref<16384xi32, #tpu.memory_space<vmem>>, vector<16xi32>,
      %broadcast_in_dim3A_739 = arith.constant 0 : i32
      %broadcast_in_dim3A_740 = vector.broadcast %broadcast_in_dim3A_739 : i32 to vector<16xi32>
      %broadcast_in_dim3A_741 = arith.constant 144 : i32
      %broadcast_in_dim3A_742 = vector.broadcast %broadcast_in_dim3A_741 : i32 to vector<16xi32>
      %add3A_743 = arith.addi %broadcast_in_dim3A_742, %iota3A : vector<16xi32>
      tpu.vector_store_idx %arg10[%broadcast_in_dim3A_740, %get3A_738, %add3A_743], %broadcast_in_dim3A_18 : memref<2x64x256xf32, #tpu.memory_space<vmem>>[vector<16xi32>, vector<16xi32>, vector<16xi32>], vector<16xf32>,
      %mul3A_744 = arith.constant 4 : i32
      %mul3A_745 = arith.muli %add3A_332, %mul3A_744 : i32
      %add3A_746 = arith.constant 2 : i32
      %add3A_747 = arith.addi %mul3A_745, %add3A_746 : i32
      %mul3A_748 = arith.constant 64 : i32
      %mul3A_749 = arith.muli %add3A_747, %mul3A_748 : i32
      %add3A_750 = arith.constant 32 : i32
      %add3A_751 = arith.addi %mul3A_749, %add3A_750 : i32
      %get3A_752 = arith.index_cast %add3A_751 : i32 to index
      %get3A_753 = tpu.vector_load %arg9[%get3A_752] {strides = array<i32>} : memref<16384xi32, #tpu.memory_space<vmem>>, vector<16xi32>,
      %broadcast_in_dim3A_754 = arith.constant 0 : i32
      %broadcast_in_dim3A_755 = vector.broadcast %broadcast_in_dim3A_754 : i32 to vector<16xi32>
      %broadcast_in_dim3A_756 = arith.constant 160 : i32
      %broadcast_in_dim3A_757 = vector.broadcast %broadcast_in_dim3A_756 : i32 to vector<16xi32>
      %add3A_758 = arith.addi %broadcast_in_dim3A_757, %iota3A : vector<16xi32>
      tpu.vector_store_idx %arg10[%broadcast_in_dim3A_755, %get3A_753, %add3A_758], %broadcast_in_dim3A_18 : memref<2x64x256xf32, #tpu.memory_space<vmem>>[vector<16xi32>, vector<16xi32>, vector<16xi32>], vector<16xf32>,
      %mul3A_759 = arith.constant 4 : i32
      %mul3A_760 = arith.muli %add3A_332, %mul3A_759 : i32
      %add3A_761 = arith.constant 2 : i32
      %add3A_762 = arith.addi %mul3A_760, %add3A_761 : i32
      %mul3A_763 = arith.constant 64 : i32
      %mul3A_764 = arith.muli %add3A_762, %mul3A_763 : i32
      %add3A_765 = arith.constant 48 : i32
      %add3A_766 = arith.addi %mul3A_764, %add3A_765 : i32
      %get3A_767 = arith.index_cast %add3A_766 : i32 to index
      %get3A_768 = tpu.vector_load %arg9[%get3A_767] {strides = array<i32>} : memref<16384xi32, #tpu.memory_space<vmem>>, vector<16xi32>,
      %broadcast_in_dim3A_769 = arith.constant 0 : i32
      %broadcast_in_dim3A_770 = vector.broadcast %broadcast_in_dim3A_769 : i32 to vector<16xi32>
      %broadcast_in_dim3A_771 = arith.constant 176 : i32
      %broadcast_in_dim3A_772 = vector.broadcast %broadcast_in_dim3A_771 : i32 to vector<16xi32>
      %add3A_773 = arith.addi %broadcast_in_dim3A_772, %iota3A : vector<16xi32>
      tpu.vector_store_idx %arg10[%broadcast_in_dim3A_770, %get3A_768, %add3A_773], %broadcast_in_dim3A_18 : memref<2x64x256xf32, #tpu.memory_space<vmem>>[vector<16xi32>, vector<16xi32>, vector<16xi32>], vector<16xf32>,
      %mul3A_774 = arith.constant 4 : i32
      %mul3A_775 = arith.muli %add3A_332, %mul3A_774 : i32
      %add3A_776 = arith.constant 3 : i32
      %add3A_777 = arith.addi %mul3A_775, %add3A_776 : i32
      %mul3A_778 = arith.constant 64 : i32
      %mul3A_779 = arith.muli %add3A_777, %mul3A_778 : i32
      %add3A_780 = arith.constant 0 : i32
      %add3A_781 = arith.addi %mul3A_779, %add3A_780 : i32
      %get3A_782 = arith.index_cast %add3A_781 : i32 to index
      %get3A_783 = tpu.vector_load %arg9[%get3A_782] {strides = array<i32>} : memref<16384xi32, #tpu.memory_space<vmem>>, vector<16xi32>,
      %broadcast_in_dim3A_784 = arith.constant 0 : i32
      %broadcast_in_dim3A_785 = vector.broadcast %broadcast_in_dim3A_784 : i32 to vector<16xi32>
      %broadcast_in_dim3A_786 = arith.constant 192 : i32
      %broadcast_in_dim3A_787 = vector.broadcast %broadcast_in_dim3A_786 : i32 to vector<16xi32>
      %add3A_788 = arith.addi %broadcast_in_dim3A_787, %iota3A : vector<16xi32>
      tpu.vector_store_idx %arg10[%broadcast_in_dim3A_785, %get3A_783, %add3A_788], %broadcast_in_dim3A_18 : memref<2x64x256xf32, #tpu.memory_space<vmem>>[vector<16xi32>, vector<16xi32>, vector<16xi32>], vector<16xf32>,
      %mul3A_789 = arith.constant 4 : i32
      %mul3A_790 = arith.muli %add3A_332, %mul3A_789 : i32
      %add3A_791 = arith.constant 3 : i32
      %add3A_792 = arith.addi %mul3A_790, %add3A_791 : i32
      %mul3A_793 = arith.constant 64 : i32
      %mul3A_794 = arith.muli %add3A_792, %mul3A_793 : i32
      %add3A_795 = arith.constant 16 : i32
      %add3A_796 = arith.addi %mul3A_794, %add3A_795 : i32
      %get3A_797 = arith.index_cast %add3A_796 : i32 to index
      %get3A_798 = tpu.vector_load %arg9[%get3A_797] {strides = array<i32>} : memref<16384xi32, #tpu.memory_space<vmem>>, vector<16xi32>,
      %broadcast_in_dim3A_799 = arith.constant 0 : i32
      %broadcast_in_dim3A_800 = vector.broadcast %broadcast_in_dim3A_799 : i32 to vector<16xi32>
      %broadcast_in_dim3A_801 = arith.constant 208 : i32
      %broadcast_in_dim3A_802 = vector.broadcast %broadcast_in_dim3A_801 : i32 to vector<16xi32>
      %add3A_803 = arith.addi %broadcast_in_dim3A_802, %iota3A : vector<16xi32>
      tpu.vector_store_idx %arg10[%broadcast_in_dim3A_800, %get3A_798, %add3A_803], %broadcast_in_dim3A_18 : memref<2x64x256xf32, #tpu.memory_space<vmem>>[vector<16xi32>, vector<16xi32>, vector<16xi32>], vector<16xf32>,
      %mul3A_804 = arith.constant 4 : i32
      %mul3A_805 = arith.muli %add3A_332, %mul3A_804 : i32
      %add3A_806 = arith.constant 3 : i32
      %add3A_807 = arith.addi %mul3A_805, %add3A_806 : i32
      %mul3A_808 = arith.constant 64 : i32
      %mul3A_809 = arith.muli %add3A_807, %mul3A_808 : i32
      %add3A_810 = arith.constant 32 : i32
      %add3A_811 = arith.addi %mul3A_809, %add3A_810 : i32
      %get3A_812 = arith.index_cast %add3A_811 : i32 to index
      %get3A_813 = tpu.vector_load %arg9[%get3A_812] {strides = array<i32>} : memref<16384xi32, #tpu.memory_space<vmem>>, vector<16xi32>,
      %broadcast_in_dim3A_814 = arith.constant 0 : i32
      %broadcast_in_dim3A_815 = vector.broadcast %broadcast_in_dim3A_814 : i32 to vector<16xi32>
      %broadcast_in_dim3A_816 = arith.constant 224 : i32
      %broadcast_in_dim3A_817 = vector.broadcast %broadcast_in_dim3A_816 : i32 to vector<16xi32>
      %add3A_818 = arith.addi %broadcast_in_dim3A_817, %iota3A : vector<16xi32>
      tpu.vector_store_idx %arg10[%broadcast_in_dim3A_815, %get3A_813, %add3A_818], %broadcast_in_dim3A_18 : memref<2x64x256xf32, #tpu.memory_space<vmem>>[vector<16xi32>, vector<16xi32>, vector<16xi32>], vector<16xf32>,
      %mul3A_819 = arith.constant 4 : i32
      %mul3A_820 = arith.muli %add3A_332, %mul3A_819 : i32
      %add3A_821 = arith.constant 3 : i32
      %add3A_822 = arith.addi %mul3A_820, %add3A_821 : i32
      %mul3A_823 = arith.constant 64 : i32
      %mul3A_824 = arith.muli %add3A_822, %mul3A_823 : i32
      %add3A_825 = arith.constant 48 : i32
      %add3A_826 = arith.addi %mul3A_824, %add3A_825 : i32
      %get3A_827 = arith.index_cast %add3A_826 : i32 to index
      %get3A_828 = tpu.vector_load %arg9[%get3A_827] {strides = array<i32>} : memref<16384xi32, #tpu.memory_space<vmem>>, vector<16xi32>,
      %broadcast_in_dim3A_829 = arith.constant 0 : i32
      %broadcast_in_dim3A_830 = vector.broadcast %broadcast_in_dim3A_829 : i32 to vector<16xi32>
      %broadcast_in_dim3A_831 = arith.constant 240 : i32
      %broadcast_in_dim3A_832 = vector.broadcast %broadcast_in_dim3A_831 : i32 to vector<16xi32>
      %add3A_833 = arith.addi %broadcast_in_dim3A_832, %iota3A : vector<16xi32>
      tpu.vector_store_idx %arg10[%broadcast_in_dim3A_830, %get3A_828, %add3A_833], %broadcast_in_dim3A_18 : memref<2x64x256xf32, #tpu.memory_space<vmem>>[vector<16xi32>, vector<16xi32>, vector<16xi32>], vector<16xf32>,
      %mul3A_834 = arith.constant 4 : i32
      %mul3A_835 = arith.muli %add3A_332, %mul3A_834 : i32
      %add3A_836 = arith.addi %mul3A_2, %mul3A_835 : i32
      %mul3A_837 = arith.constant 64 : i32
      %mul3A_838 = arith.muli %add3A_836, %mul3A_837 : i32
      %dma_start3A_839 = arith.constant 0 : i32
      %dma_start3A_840 = arith.constant 0 : i32
      %dma_start3A_841 = arith.constant 0 : i32
      %dma_start3A_842 = tpu.memref_slice %arg10[%dma_start3A_839, %dma_start3A_840, %dma_start3A_841] : memref<2x64x256xf32, #tpu.memory_space<vmem>> -> memref<1x64x256xf32, #tpu.memory_space<vmem>>
      %dma_start3A_843 = tpu.memref_squeeze %dma_start3A_842 : memref<1x64x256xf32, #tpu.memory_space<vmem>> -> memref<64x256xf32, #tpu.memory_space<vmem>>
      %dma_start3A_844 = arith.constant 0 : i32
      %dma_start3A_845 = tpu.memref_slice %arg5[%dma_start3A_844, %mul3A_838] : memref<64x524288xf32, #tpu.memory_space<hbm>> -> memref<64x256xf32, #tpu.memory_space<hbm>>
      %dma_start3A_846 = arith.constant 0 : i32
      %dma_start3A_847 = tpu.memref_slice %arg5[%dma_start3A_846, %mul3A_838] : memref<64x524288xf32, #tpu.memory_space<hbm>> -> memref<64x256xf32, #tpu.memory_space<hbm>>
      %dma_start3A_848 = arith.constant 0 : i32
      %dma_start3A_849 = arith.constant 0 : i32
      %dma_start3A_850 = tpu.memref_slice %arg10[%dma_start3A_839, %dma_start3A_848, %dma_start3A_849] : memref<2x64x256xf32, #tpu.memory_space<vmem>> -> memref<1x64x256xf32, #tpu.memory_space<vmem>>
      %dma_start3A_851 = tpu.memref_squeeze %dma_start3A_850 : memref<1x64x256xf32, #tpu.memory_space<vmem>> -> memref<64x256xf32, #tpu.memory_space<vmem>>
      tpu.enqueue_dma source(%dma_start3A_851 : memref<64x256xf32, #tpu.memory_space<vmem>>) target(%dma_start3A_847 : memref<64x256xf32, #tpu.memory_space<hbm>>) target_semaphore(%arg11 : memref<!tpu.dma_semaphore, #tpu.memory_space<semaphore_mem>>)
      %mul3A_852 = arith.constant 2 : i32
      %mul3A_853 = arith.muli %mul3A_852, %scan3A_328 : i32
      %add3A_854 = arith.constant 1 : i32
      %add3A_855 = arith.addi %mul3A_853, %add3A_854 : i32
      %sub3A_856 = arith.constant 2 : i32
      %sub3A_857 = arith.subi %add3A_855, %sub3A_856 : i32
      %mul3A_858 = arith.constant 4 : i32
      %mul3A_859 = arith.muli %sub3A_857, %mul3A_858 : i32
      %add3A_860 = arith.addi %mul3A_2, %mul3A_859 : i32
      %mul3A_861 = arith.constant 64 : i32
      %mul3A_862 = arith.muli %add3A_860, %mul3A_861 : i32
      %dma_wait3A_863 = arith.constant 1 : i32
      %dma_wait3A_864 = arith.constant 0 : i32
      %dma_wait3A_865 = arith.constant 0 : i32
      %dma_wait3A_866 = tpu.memref_slice %arg10[%dma_wait3A_863, %dma_wait3A_864, %dma_wait3A_865] : memref<2x64x256xf32, #tpu.memory_space<vmem>> -> memref<1x64x256xf32, #tpu.memory_space<vmem>>
      %dma_wait3A_867 = tpu.memref_squeeze %dma_wait3A_866 : memref<1x64x256xf32, #tpu.memory_space<vmem>> -> memref<64x256xf32, #tpu.memory_space<vmem>>
      %dma_wait3A_868 = arith.constant 0 : i32
      %dma_wait3A_869 = tpu.memref_slice %arg5[%dma_wait3A_868, %mul3A_862] : memref<64x524288xf32, #tpu.memory_space<hbm>> -> memref<64x256xf32, #tpu.memory_space<hbm>>
      %dma_wait3A_870 = arith.constant 0 : i32
      %dma_wait3A_871 = tpu.memref_slice %arg5[%dma_wait3A_870, %mul3A_862] : memref<64x524288xf32, #tpu.memory_space<hbm>> -> memref<64x256xf32, #tpu.memory_space<hbm>>
      %dma_wait3A_872 = arith.constant 0 : i32
      %dma_wait3A_873 = arith.constant 0 : i32
      %dma_wait3A_874 = tpu.memref_slice %arg10[%dma_wait3A_863, %dma_wait3A_872, %dma_wait3A_873] : memref<2x64x256xf32, #tpu.memory_space<vmem>> -> memref<1x64x256xf32, #tpu.memory_space<vmem>>
      %dma_wait3A_875 = tpu.memref_squeeze %dma_wait3A_874 : memref<1x64x256xf32, #tpu.memory_space<vmem>> -> memref<64x256xf32, #tpu.memory_space<vmem>>
      tpu.wait_dma2 semaphore(%arg12 : memref<!tpu.dma_semaphore, #tpu.memory_space<semaphore_mem>>) src(%dma_wait3A_875 : memref<64x256xf32, #tpu.memory_space<vmem>>) dst(%dma_wait3A_871 : memref<64x256xf32, #tpu.memory_space<hbm>>)
      %sub3A_876 = arith.constant 2 : i32
      %sub3A_877 = arith.subi %add3A_855, %sub3A_876 : i32
      %mul3A_878 = arith.constant 4 : i32
      %mul3A_879 = arith.muli %sub3A_877, %mul3A_878 : i32
      %add3A_880 = arith.constant 0 : i32
      %add3A_881 = arith.addi %mul3A_879, %add3A_880 : i32
      %mul3A_882 = arith.constant 64 : i32
      %mul3A_883 = arith.muli %add3A_881, %mul3A_882 : i32
      %add3A_884 = arith.constant 0 : i32
      %add3A_885 = arith.addi %mul3A_883, %add3A_884 : i32
      %get3A_886 = arith.index_cast %add3A_885 : i32 to index
      %get3A_887 = tpu.vector_load %arg9[%get3A_886] {strides = array<i32>} : memref<16384xi32, #tpu.memory_space<vmem>>, vector<16xi32>,
      %broadcast_in_dim3A_888 = arith.constant 1 : i32
      %broadcast_in_dim3A_889 = vector.broadcast %broadcast_in_dim3A_888 : i32 to vector<16xi32>
      %broadcast_in_dim3A_890 = arith.constant 0 : i32
      %broadcast_in_dim3A_891 = vector.broadcast %broadcast_in_dim3A_890 : i32 to vector<16xi32>
      %add3A_892 = arith.addi %broadcast_in_dim3A_891, %iota3A : vector<16xi32>
      tpu.vector_store_idx %arg10[%broadcast_in_dim3A_889, %get3A_887, %add3A_892], %broadcast_in_dim3A_20 : memref<2x64x256xf32, #tpu.memory_space<vmem>>[vector<16xi32>, vector<16xi32>, vector<16xi32>], vector<16xf32>,
      %mul3A_893 = arith.constant 4 : i32
      %mul3A_894 = arith.muli %sub3A_877, %mul3A_893 : i32
      %add3A_895 = arith.constant 0 : i32
      %add3A_896 = arith.addi %mul3A_894, %add3A_895 : i32
      %mul3A_897 = arith.constant 64 : i32
      %mul3A_898 = arith.muli %add3A_896, %mul3A_897 : i32
      %add3A_899 = arith.constant 16 : i32
      %add3A_900 = arith.addi %mul3A_898, %add3A_899 : i32
      %get3A_901 = arith.index_cast %add3A_900 : i32 to index
      %get3A_902 = tpu.vector_load %arg9[%get3A_901] {strides = array<i32>} : memref<16384xi32, #tpu.memory_space<vmem>>, vector<16xi32>,
      %broadcast_in_dim3A_903 = arith.constant 1 : i32
      %broadcast_in_dim3A_904 = vector.broadcast %broadcast_in_dim3A_903 : i32 to vector<16xi32>
      %broadcast_in_dim3A_905 = arith.constant 16 : i32
      %broadcast_in_dim3A_906 = vector.broadcast %broadcast_in_dim3A_905 : i32 to vector<16xi32>
      %add3A_907 = arith.addi %broadcast_in_dim3A_906, %iota3A : vector<16xi32>
      tpu.vector_store_idx %arg10[%broadcast_in_dim3A_904, %get3A_902, %add3A_907], %broadcast_in_dim3A_20 : memref<2x64x256xf32, #tpu.memory_space<vmem>>[vector<16xi32>, vector<16xi32>, vector<16xi32>], vector<16xf32>,
      %mul3A_908 = arith.constant 4 : i32
      %mul3A_909 = arith.muli %sub3A_877, %mul3A_908 : i32
      %add3A_910 = arith.constant 0 : i32
      %add3A_911 = arith.addi %mul3A_909, %add3A_910 : i32
      %mul3A_912 = arith.constant 64 : i32
      %mul3A_913 = arith.muli %add3A_911, %mul3A_912 : i32
      %add3A_914 = arith.constant 32 : i32
      %add3A_915 = arith.addi %mul3A_913, %add3A_914 : i32
      %get3A_916 = arith.index_cast %add3A_915 : i32 to index
      %get3A_917 = tpu.vector_load %arg9[%get3A_916] {strides = array<i32>} : memref<16384xi32, #tpu.memory_space<vmem>>, vector<16xi32>,
      %broadcast_in_dim3A_918 = arith.constant 1 : i32
      %broadcast_in_dim3A_919 = vector.broadcast %broadcast_in_dim3A_918 : i32 to vector<16xi32>
      %broadcast_in_dim3A_920 = arith.constant 32 : i32
      %broadcast_in_dim3A_921 = vector.broadcast %broadcast_in_dim3A_920 : i32 to vector<16xi32>
      %add3A_922 = arith.addi %broadcast_in_dim3A_921, %iota3A : vector<16xi32>
      tpu.vector_store_idx %arg10[%broadcast_in_dim3A_919, %get3A_917, %add3A_922], %broadcast_in_dim3A_20 : memref<2x64x256xf32, #tpu.memory_space<vmem>>[vector<16xi32>, vector<16xi32>, vector<16xi32>], vector<16xf32>,
      %mul3A_923 = arith.constant 4 : i32
      %mul3A_924 = arith.muli %sub3A_877, %mul3A_923 : i32
      %add3A_925 = arith.constant 0 : i32
      %add3A_926 = arith.addi %mul3A_924, %add3A_925 : i32
      %mul3A_927 = arith.constant 64 : i32
      %mul3A_928 = arith.muli %add3A_926, %mul3A_927 : i32
      %add3A_929 = arith.constant 48 : i32
      %add3A_930 = arith.addi %mul3A_928, %add3A_929 : i32
      %get3A_931 = arith.index_cast %add3A_930 : i32 to index
      %get3A_932 = tpu.vector_load %arg9[%get3A_931] {strides = array<i32>} : memref<16384xi32, #tpu.memory_space<vmem>>, vector<16xi32>,
      %broadcast_in_dim3A_933 = arith.constant 1 : i32
      %broadcast_in_dim3A_934 = vector.broadcast %broadcast_in_dim3A_933 : i32 to vector<16xi32>
      %broadcast_in_dim3A_935 = arith.constant 48 : i32
      %broadcast_in_dim3A_936 = vector.broadcast %broadcast_in_dim3A_935 : i32 to vector<16xi32>
      %add3A_937 = arith.addi %broadcast_in_dim3A_936, %iota3A : vector<16xi32>
      tpu.vector_store_idx %arg10[%broadcast_in_dim3A_934, %get3A_932, %add3A_937], %broadcast_in_dim3A_20 : memref<2x64x256xf32, #tpu.memory_space<vmem>>[vector<16xi32>, vector<16xi32>, vector<16xi32>], vector<16xf32>,
      %mul3A_938 = arith.constant 4 : i32
      %mul3A_939 = arith.muli %sub3A_877, %mul3A_938 : i32
      %add3A_940 = arith.constant 1 : i32
      %add3A_941 = arith.addi %mul3A_939, %add3A_940 : i32
      %mul3A_942 = arith.constant 64 : i32
      %mul3A_943 = arith.muli %add3A_941, %mul3A_942 : i32
      %add3A_944 = arith.constant 0 : i32
      %add3A_945 = arith.addi %mul3A_943, %add3A_944 : i32
      %get3A_946 = arith.index_cast %add3A_945 : i32 to index
      %get3A_947 = tpu.vector_load %arg9[%get3A_946] {strides = array<i32>} : memref<16384xi32, #tpu.memory_space<vmem>>, vector<16xi32>,
      %broadcast_in_dim3A_948 = arith.constant 1 : i32
      %broadcast_in_dim3A_949 = vector.broadcast %broadcast_in_dim3A_948 : i32 to vector<16xi32>
      %broadcast_in_dim3A_950 = arith.constant 64 : i32
      %broadcast_in_dim3A_951 = vector.broadcast %broadcast_in_dim3A_950 : i32 to vector<16xi32>
      %add3A_952 = arith.addi %broadcast_in_dim3A_951, %iota3A : vector<16xi32>
      tpu.vector_store_idx %arg10[%broadcast_in_dim3A_949, %get3A_947, %add3A_952], %broadcast_in_dim3A_20 : memref<2x64x256xf32, #tpu.memory_space<vmem>>[vector<16xi32>, vector<16xi32>, vector<16xi32>], vector<16xf32>,
      %mul3A_953 = arith.constant 4 : i32
      %mul3A_954 = arith.muli %sub3A_877, %mul3A_953 : i32
      %add3A_955 = arith.constant 1 : i32
      %add3A_956 = arith.addi %mul3A_954, %add3A_955 : i32
      %mul3A_957 = arith.constant 64 : i32
      %mul3A_958 = arith.muli %add3A_956, %mul3A_957 : i32
      %add3A_959 = arith.constant 16 : i32
      %add3A_960 = arith.addi %mul3A_958, %add3A_959 : i32
      %get3A_961 = arith.index_cast %add3A_960 : i32 to index
      %get3A_962 = tpu.vector_load %arg9[%get3A_961] {strides = array<i32>} : memref<16384xi32, #tpu.memory_space<vmem>>, vector<16xi32>,
      %broadcast_in_dim3A_963 = arith.constant 1 : i32
      %broadcast_in_dim3A_964 = vector.broadcast %broadcast_in_dim3A_963 : i32 to vector<16xi32>
      %broadcast_in_dim3A_965 = arith.constant 80 : i32
      %broadcast_in_dim3A_966 = vector.broadcast %broadcast_in_dim3A_965 : i32 to vector<16xi32>
      %add3A_967 = arith.addi %broadcast_in_dim3A_966, %iota3A : vector<16xi32>
      tpu.vector_store_idx %arg10[%broadcast_in_dim3A_964, %get3A_962, %add3A_967], %broadcast_in_dim3A_20 : memref<2x64x256xf32, #tpu.memory_space<vmem>>[vector<16xi32>, vector<16xi32>, vector<16xi32>], vector<16xf32>,
      %mul3A_968 = arith.constant 4 : i32
      %mul3A_969 = arith.muli %sub3A_877, %mul3A_968 : i32
      %add3A_970 = arith.constant 1 : i32
      %add3A_971 = arith.addi %mul3A_969, %add3A_970 : i32
      %mul3A_972 = arith.constant 64 : i32
      %mul3A_973 = arith.muli %add3A_971, %mul3A_972 : i32
      %add3A_974 = arith.constant 32 : i32
      %add3A_975 = arith.addi %mul3A_973, %add3A_974 : i32
      %get3A_976 = arith.index_cast %add3A_975 : i32 to index
      %get3A_977 = tpu.vector_load %arg9[%get3A_976] {strides = array<i32>} : memref<16384xi32, #tpu.memory_space<vmem>>, vector<16xi32>,
      %broadcast_in_dim3A_978 = arith.constant 1 : i32
      %broadcast_in_dim3A_979 = vector.broadcast %broadcast_in_dim3A_978 : i32 to vector<16xi32>
      %broadcast_in_dim3A_980 = arith.constant 96 : i32
      %broadcast_in_dim3A_981 = vector.broadcast %broadcast_in_dim3A_980 : i32 to vector<16xi32>
      %add3A_982 = arith.addi %broadcast_in_dim3A_981, %iota3A : vector<16xi32>
      tpu.vector_store_idx %arg10[%broadcast_in_dim3A_979, %get3A_977, %add3A_982], %broadcast_in_dim3A_20 : memref<2x64x256xf32, #tpu.memory_space<vmem>>[vector<16xi32>, vector<16xi32>, vector<16xi32>], vector<16xf32>,
      %mul3A_983 = arith.constant 4 : i32
      %mul3A_984 = arith.muli %sub3A_877, %mul3A_983 : i32
      %add3A_985 = arith.constant 1 : i32
      %add3A_986 = arith.addi %mul3A_984, %add3A_985 : i32
      %mul3A_987 = arith.constant 64 : i32
      %mul3A_988 = arith.muli %add3A_986, %mul3A_987 : i32
      %add3A_989 = arith.constant 48 : i32
      %add3A_990 = arith.addi %mul3A_988, %add3A_989 : i32
      %get3A_991 = arith.index_cast %add3A_990 : i32 to index
      %get3A_992 = tpu.vector_load %arg9[%get3A_991] {strides = array<i32>} : memref<16384xi32, #tpu.memory_space<vmem>>, vector<16xi32>,
      %broadcast_in_dim3A_993 = arith.constant 1 : i32
      %broadcast_in_dim3A_994 = vector.broadcast %broadcast_in_dim3A_993 : i32 to vector<16xi32>
      %broadcast_in_dim3A_995 = arith.constant 112 : i32
      %broadcast_in_dim3A_996 = vector.broadcast %broadcast_in_dim3A_995 : i32 to vector<16xi32>
      %add3A_997 = arith.addi %broadcast_in_dim3A_996, %iota3A : vector<16xi32>
      tpu.vector_store_idx %arg10[%broadcast_in_dim3A_994, %get3A_992, %add3A_997], %broadcast_in_dim3A_20 : memref<2x64x256xf32, #tpu.memory_space<vmem>>[vector<16xi32>, vector<16xi32>, vector<16xi32>], vector<16xf32>,
      %mul3A_998 = arith.constant 4 : i32
      %mul3A_999 = arith.muli %sub3A_877, %mul3A_998 : i32
      %add3A_1000 = arith.constant 2 : i32
      %add3A_1001 = arith.addi %mul3A_999, %add3A_1000 : i32
      %mul3A_1002 = arith.constant 64 : i32
      %mul3A_1003 = arith.muli %add3A_1001, %mul3A_1002 : i32
      %add3A_1004 = arith.constant 0 : i32
      %add3A_1005 = arith.addi %mul3A_1003, %add3A_1004 : i32
      %get3A_1006 = arith.index_cast %add3A_1005 : i32 to index
      %get3A_1007 = tpu.vector_load %arg9[%get3A_1006] {strides = array<i32>} : memref<16384xi32, #tpu.memory_space<vmem>>, vector<16xi32>,
      %broadcast_in_dim3A_1008 = arith.constant 1 : i32
      %broadcast_in_dim3A_1009 = vector.broadcast %broadcast_in_dim3A_1008 : i32 to vector<16xi32>
      %broadcast_in_dim3A_1010 = arith.constant 128 : i32
      %broadcast_in_dim3A_1011 = vector.broadcast %broadcast_in_dim3A_1010 : i32 to vector<16xi32>
      %add3A_1012 = arith.addi %broadcast_in_dim3A_1011, %iota3A : vector<16xi32>
      tpu.vector_store_idx %arg10[%broadcast_in_dim3A_1009, %get3A_1007, %add3A_1012], %broadcast_in_dim3A_20 : memref<2x64x256xf32, #tpu.memory_space<vmem>>[vector<16xi32>, vector<16xi32>, vector<16xi32>], vector<16xf32>,
      %mul3A_1013 = arith.constant 4 : i32
      %mul3A_1014 = arith.muli %sub3A_877, %mul3A_1013 : i32
      %add3A_1015 = arith.constant 2 : i32
      %add3A_1016 = arith.addi %mul3A_1014, %add3A_1015 : i32
      %mul3A_1017 = arith.constant 64 : i32
      %mul3A_1018 = arith.muli %add3A_1016, %mul3A_1017 : i32
      %add3A_1019 = arith.constant 16 : i32
      %add3A_1020 = arith.addi %mul3A_1018, %add3A_1019 : i32
      %get3A_1021 = arith.index_cast %add3A_1020 : i32 to index
      %get3A_1022 = tpu.vector_load %arg9[%get3A_1021] {strides = array<i32>} : memref<16384xi32, #tpu.memory_space<vmem>>, vector<16xi32>,
      %broadcast_in_dim3A_1023 = arith.constant 1 : i32
      %broadcast_in_dim3A_1024 = vector.broadcast %broadcast_in_dim3A_1023 : i32 to vector<16xi32>
      %broadcast_in_dim3A_1025 = arith.constant 144 : i32
      %broadcast_in_dim3A_1026 = vector.broadcast %broadcast_in_dim3A_1025 : i32 to vector<16xi32>
      %add3A_1027 = arith.addi %broadcast_in_dim3A_1026, %iota3A : vector<16xi32>
      tpu.vector_store_idx %arg10[%broadcast_in_dim3A_1024, %get3A_1022, %add3A_1027], %broadcast_in_dim3A_20 : memref<2x64x256xf32, #tpu.memory_space<vmem>>[vector<16xi32>, vector<16xi32>, vector<16xi32>], vector<16xf32>,
      %mul3A_1028 = arith.constant 4 : i32
      %mul3A_1029 = arith.muli %sub3A_877, %mul3A_1028 : i32
      %add3A_1030 = arith.constant 2 : i32
      %add3A_1031 = arith.addi %mul3A_1029, %add3A_1030 : i32
      %mul3A_1032 = arith.constant 64 : i32
      %mul3A_1033 = arith.muli %add3A_1031, %mul3A_1032 : i32
      %add3A_1034 = arith.constant 32 : i32
      %add3A_1035 = arith.addi %mul3A_1033, %add3A_1034 : i32
      %get3A_1036 = arith.index_cast %add3A_1035 : i32 to index
      %get3A_1037 = tpu.vector_load %arg9[%get3A_1036] {strides = array<i32>} : memref<16384xi32, #tpu.memory_space<vmem>>, vector<16xi32>,
      %broadcast_in_dim3A_1038 = arith.constant 1 : i32
      %broadcast_in_dim3A_1039 = vector.broadcast %broadcast_in_dim3A_1038 : i32 to vector<16xi32>
      %broadcast_in_dim3A_1040 = arith.constant 160 : i32
      %broadcast_in_dim3A_1041 = vector.broadcast %broadcast_in_dim3A_1040 : i32 to vector<16xi32>
      %add3A_1042 = arith.addi %broadcast_in_dim3A_1041, %iota3A : vector<16xi32>
      tpu.vector_store_idx %arg10[%broadcast_in_dim3A_1039, %get3A_1037, %add3A_1042], %broadcast_in_dim3A_20 : memref<2x64x256xf32, #tpu.memory_space<vmem>>[vector<16xi32>, vector<16xi32>, vector<16xi32>], vector<16xf32>,
      %mul3A_1043 = arith.constant 4 : i32
      %mul3A_1044 = arith.muli %sub3A_877, %mul3A_1043 : i32
      %add3A_1045 = arith.constant 2 : i32
      %add3A_1046 = arith.addi %mul3A_1044, %add3A_1045 : i32
      %mul3A_1047 = arith.constant 64 : i32
      %mul3A_1048 = arith.muli %add3A_1046, %mul3A_1047 : i32
      %add3A_1049 = arith.constant 48 : i32
      %add3A_1050 = arith.addi %mul3A_1048, %add3A_1049 : i32
      %get3A_1051 = arith.index_cast %add3A_1050 : i32 to index
      %get3A_1052 = tpu.vector_load %arg9[%get3A_1051] {strides = array<i32>} : memref<16384xi32, #tpu.memory_space<vmem>>, vector<16xi32>,
      %broadcast_in_dim3A_1053 = arith.constant 1 : i32
      %broadcast_in_dim3A_1054 = vector.broadcast %broadcast_in_dim3A_1053 : i32 to vector<16xi32>
      %broadcast_in_dim3A_1055 = arith.constant 176 : i32
      %broadcast_in_dim3A_1056 = vector.broadcast %broadcast_in_dim3A_1055 : i32 to vector<16xi32>
      %add3A_1057 = arith.addi %broadcast_in_dim3A_1056, %iota3A : vector<16xi32>
      tpu.vector_store_idx %arg10[%broadcast_in_dim3A_1054, %get3A_1052, %add3A_1057], %broadcast_in_dim3A_20 : memref<2x64x256xf32, #tpu.memory_space<vmem>>[vector<16xi32>, vector<16xi32>, vector<16xi32>], vector<16xf32>,
      %mul3A_1058 = arith.constant 4 : i32
      %mul3A_1059 = arith.muli %sub3A_877, %mul3A_1058 : i32
      %add3A_1060 = arith.constant 3 : i32
      %add3A_1061 = arith.addi %mul3A_1059, %add3A_1060 : i32
      %mul3A_1062 = arith.constant 64 : i32
      %mul3A_1063 = arith.muli %add3A_1061, %mul3A_1062 : i32
      %add3A_1064 = arith.constant 0 : i32
      %add3A_1065 = arith.addi %mul3A_1063, %add3A_1064 : i32
      %get3A_1066 = arith.index_cast %add3A_1065 : i32 to index
      %get3A_1067 = tpu.vector_load %arg9[%get3A_1066] {strides = array<i32>} : memref<16384xi32, #tpu.memory_space<vmem>>, vector<16xi32>,
      %broadcast_in_dim3A_1068 = arith.constant 1 : i32
      %broadcast_in_dim3A_1069 = vector.broadcast %broadcast_in_dim3A_1068 : i32 to vector<16xi32>
      %broadcast_in_dim3A_1070 = arith.constant 192 : i32
      %broadcast_in_dim3A_1071 = vector.broadcast %broadcast_in_dim3A_1070 : i32 to vector<16xi32>
      %add3A_1072 = arith.addi %broadcast_in_dim3A_1071, %iota3A : vector<16xi32>
      tpu.vector_store_idx %arg10[%broadcast_in_dim3A_1069, %get3A_1067, %add3A_1072], %broadcast_in_dim3A_20 : memref<2x64x256xf32, #tpu.memory_space<vmem>>[vector<16xi32>, vector<16xi32>, vector<16xi32>], vector<16xf32>,
      %mul3A_1073 = arith.constant 4 : i32
      %mul3A_1074 = arith.muli %sub3A_877, %mul3A_1073 : i32
      %add3A_1075 = arith.constant 3 : i32
      %add3A_1076 = arith.addi %mul3A_1074, %add3A_1075 : i32
      %mul3A_1077 = arith.constant 64 : i32
      %mul3A_1078 = arith.muli %add3A_1076, %mul3A_1077 : i32
      %add3A_1079 = arith.constant 16 : i32
      %add3A_1080 = arith.addi %mul3A_1078, %add3A_1079 : i32
      %get3A_1081 = arith.index_cast %add3A_1080 : i32 to index
      %get3A_1082 = tpu.vector_load %arg9[%get3A_1081] {strides = array<i32>} : memref<16384xi32, #tpu.memory_space<vmem>>, vector<16xi32>,
      %broadcast_in_dim3A_1083 = arith.constant 1 : i32
      %broadcast_in_dim3A_1084 = vector.broadcast %broadcast_in_dim3A_1083 : i32 to vector<16xi32>
      %broadcast_in_dim3A_1085 = arith.constant 208 : i32
      %broadcast_in_dim3A_1086 = vector.broadcast %broadcast_in_dim3A_1085 : i32 to vector<16xi32>
      %add3A_1087 = arith.addi %broadcast_in_dim3A_1086, %iota3A : vector<16xi32>
      tpu.vector_store_idx %arg10[%broadcast_in_dim3A_1084, %get3A_1082, %add3A_1087], %broadcast_in_dim3A_20 : memref<2x64x256xf32, #tpu.memory_space<vmem>>[vector<16xi32>, vector<16xi32>, vector<16xi32>], vector<16xf32>,
      %mul3A_1088 = arith.constant 4 : i32
      %mul3A_1089 = arith.muli %sub3A_877, %mul3A_1088 : i32
      %add3A_1090 = arith.constant 3 : i32
      %add3A_1091 = arith.addi %mul3A_1089, %add3A_1090 : i32
      %mul3A_1092 = arith.constant 64 : i32
      %mul3A_1093 = arith.muli %add3A_1091, %mul3A_1092 : i32
      %add3A_1094 = arith.constant 32 : i32
      %add3A_1095 = arith.addi %mul3A_1093, %add3A_1094 : i32
      %get3A_1096 = arith.index_cast %add3A_1095 : i32 to index
      %get3A_1097 = tpu.vector_load %arg9[%get3A_1096] {strides = array<i32>} : memref<16384xi32, #tpu.memory_space<vmem>>, vector<16xi32>,
      %broadcast_in_dim3A_1098 = arith.constant 1 : i32
      %broadcast_in_dim3A_1099 = vector.broadcast %broadcast_in_dim3A_1098 : i32 to vector<16xi32>
      %broadcast_in_dim3A_1100 = arith.constant 224 : i32
      %broadcast_in_dim3A_1101 = vector.broadcast %broadcast_in_dim3A_1100 : i32 to vector<16xi32>
      %add3A_1102 = arith.addi %broadcast_in_dim3A_1101, %iota3A : vector<16xi32>
      tpu.vector_store_idx %arg10[%broadcast_in_dim3A_1099, %get3A_1097, %add3A_1102], %broadcast_in_dim3A_20 : memref<2x64x256xf32, #tpu.memory_space<vmem>>[vector<16xi32>, vector<16xi32>, vector<16xi32>], vector<16xf32>,
      %mul3A_1103 = arith.constant 4 : i32
      %mul3A_1104 = arith.muli %sub3A_877, %mul3A_1103 : i32
      %add3A_1105 = arith.constant 3 : i32
      %add3A_1106 = arith.addi %mul3A_1104, %add3A_1105 : i32
      %mul3A_1107 = arith.constant 64 : i32
      %mul3A_1108 = arith.muli %add3A_1106, %mul3A_1107 : i32
      %add3A_1109 = arith.constant 48 : i32
      %add3A_1110 = arith.addi %mul3A_1108, %add3A_1109 : i32
      %get3A_1111 = arith.index_cast %add3A_1110 : i32 to index
      %get3A_1112 = tpu.vector_load %arg9[%get3A_1111] {strides = array<i32>} : memref<16384xi32, #tpu.memory_space<vmem>>, vector<16xi32>,
      %broadcast_in_dim3A_1113 = arith.constant 1 : i32
      %broadcast_in_dim3A_1114 = vector.broadcast %broadcast_in_dim3A_1113 : i32 to vector<16xi32>
      %broadcast_in_dim3A_1115 = arith.constant 240 : i32
      %broadcast_in_dim3A_1116 = vector.broadcast %broadcast_in_dim3A_1115 : i32 to vector<16xi32>
      %add3A_1117 = arith.addi %broadcast_in_dim3A_1116, %iota3A : vector<16xi32>
      tpu.vector_store_idx %arg10[%broadcast_in_dim3A_1114, %get3A_1112, %add3A_1117], %broadcast_in_dim3A_20 : memref<2x64x256xf32, #tpu.memory_space<vmem>>[vector<16xi32>, vector<16xi32>, vector<16xi32>], vector<16xf32>,
      %mul3A_1118 = arith.constant 4 : i32
      %mul3A_1119 = arith.muli %add3A_855, %mul3A_1118 : i32
      %add3A_1120 = arith.constant 0 : i32
      %add3A_1121 = arith.addi %mul3A_1119, %add3A_1120 : i32
      %mul3A_1122 = arith.constant 64 : i32
      %mul3A_1123 = arith.muli %add3A_1121, %mul3A_1122 : i32
      %add3A_1124 = arith.constant 0 : i32
      %add3A_1125 = arith.addi %mul3A_1123, %add3A_1124 : i32
      %get3A_1126 = arith.index_cast %add3A_1125 : i32 to index
      %get3A_1127 = tpu.vector_load %arg9[%get3A_1126] {strides = array<i32>} : memref<16384xi32, #tpu.memory_space<vmem>>, vector<16xi32>,
      %broadcast_in_dim3A_1128 = arith.constant 1 : i32
      %broadcast_in_dim3A_1129 = vector.broadcast %broadcast_in_dim3A_1128 : i32 to vector<16xi32>
      %broadcast_in_dim3A_1130 = arith.constant 0 : i32
      %broadcast_in_dim3A_1131 = vector.broadcast %broadcast_in_dim3A_1130 : i32 to vector<16xi32>
      %add3A_1132 = arith.addi %broadcast_in_dim3A_1131, %iota3A : vector<16xi32>
      tpu.vector_store_idx %arg10[%broadcast_in_dim3A_1129, %get3A_1127, %add3A_1132], %broadcast_in_dim3A_18 : memref<2x64x256xf32, #tpu.memory_space<vmem>>[vector<16xi32>, vector<16xi32>, vector<16xi32>], vector<16xf32>,
      %mul3A_1133 = arith.constant 4 : i32
      %mul3A_1134 = arith.muli %add3A_855, %mul3A_1133 : i32
      %add3A_1135 = arith.constant 0 : i32
      %add3A_1136 = arith.addi %mul3A_1134, %add3A_1135 : i32
      %mul3A_1137 = arith.constant 64 : i32
      %mul3A_1138 = arith.muli %add3A_1136, %mul3A_1137 : i32
      %add3A_1139 = arith.constant 16 : i32
      %add3A_1140 = arith.addi %mul3A_1138, %add3A_1139 : i32
      %get3A_1141 = arith.index_cast %add3A_1140 : i32 to index
      %get3A_1142 = tpu.vector_load %arg9[%get3A_1141] {strides = array<i32>} : memref<16384xi32, #tpu.memory_space<vmem>>, vector<16xi32>,
      %broadcast_in_dim3A_1143 = arith.constant 1 : i32
      %broadcast_in_dim3A_1144 = vector.broadcast %broadcast_in_dim3A_1143 : i32 to vector<16xi32>
      %broadcast_in_dim3A_1145 = arith.constant 16 : i32
      %broadcast_in_dim3A_1146 = vector.broadcast %broadcast_in_dim3A_1145 : i32 to vector<16xi32>
      %add3A_1147 = arith.addi %broadcast_in_dim3A_1146, %iota3A : vector<16xi32>
      tpu.vector_store_idx %arg10[%broadcast_in_dim3A_1144, %get3A_1142, %add3A_1147], %broadcast_in_dim3A_18 : memref<2x64x256xf32, #tpu.memory_space<vmem>>[vector<16xi32>, vector<16xi32>, vector<16xi32>], vector<16xf32>,
      %mul3A_1148 = arith.constant 4 : i32
      %mul3A_1149 = arith.muli %add3A_855, %mul3A_1148 : i32
      %add3A_1150 = arith.constant 0 : i32
      %add3A_1151 = arith.addi %mul3A_1149, %add3A_1150 : i32
      %mul3A_1152 = arith.constant 64 : i32
      %mul3A_1153 = arith.muli %add3A_1151, %mul3A_1152 : i32
      %add3A_1154 = arith.constant 32 : i32
      %add3A_1155 = arith.addi %mul3A_1153, %add3A_1154 : i32
      %get3A_1156 = arith.index_cast %add3A_1155 : i32 to index
      %get3A_1157 = tpu.vector_load %arg9[%get3A_1156] {strides = array<i32>} : memref<16384xi32, #tpu.memory_space<vmem>>, vector<16xi32>,
      %broadcast_in_dim3A_1158 = arith.constant 1 : i32
      %broadcast_in_dim3A_1159 = vector.broadcast %broadcast_in_dim3A_1158 : i32 to vector<16xi32>
      %broadcast_in_dim3A_1160 = arith.constant 32 : i32
      %broadcast_in_dim3A_1161 = vector.broadcast %broadcast_in_dim3A_1160 : i32 to vector<16xi32>
      %add3A_1162 = arith.addi %broadcast_in_dim3A_1161, %iota3A : vector<16xi32>
      tpu.vector_store_idx %arg10[%broadcast_in_dim3A_1159, %get3A_1157, %add3A_1162], %broadcast_in_dim3A_18 : memref<2x64x256xf32, #tpu.memory_space<vmem>>[vector<16xi32>, vector<16xi32>, vector<16xi32>], vector<16xf32>,
      %mul3A_1163 = arith.constant 4 : i32
      %mul3A_1164 = arith.muli %add3A_855, %mul3A_1163 : i32
      %add3A_1165 = arith.constant 0 : i32
      %add3A_1166 = arith.addi %mul3A_1164, %add3A_1165 : i32
      %mul3A_1167 = arith.constant 64 : i32
      %mul3A_1168 = arith.muli %add3A_1166, %mul3A_1167 : i32
      %add3A_1169 = arith.constant 48 : i32
      %add3A_1170 = arith.addi %mul3A_1168, %add3A_1169 : i32
      %get3A_1171 = arith.index_cast %add3A_1170 : i32 to index
      %get3A_1172 = tpu.vector_load %arg9[%get3A_1171] {strides = array<i32>} : memref<16384xi32, #tpu.memory_space<vmem>>, vector<16xi32>,
      %broadcast_in_dim3A_1173 = arith.constant 1 : i32
      %broadcast_in_dim3A_1174 = vector.broadcast %broadcast_in_dim3A_1173 : i32 to vector<16xi32>
      %broadcast_in_dim3A_1175 = arith.constant 48 : i32
      %broadcast_in_dim3A_1176 = vector.broadcast %broadcast_in_dim3A_1175 : i32 to vector<16xi32>
      %add3A_1177 = arith.addi %broadcast_in_dim3A_1176, %iota3A : vector<16xi32>
      tpu.vector_store_idx %arg10[%broadcast_in_dim3A_1174, %get3A_1172, %add3A_1177], %broadcast_in_dim3A_18 : memref<2x64x256xf32, #tpu.memory_space<vmem>>[vector<16xi32>, vector<16xi32>, vector<16xi32>], vector<16xf32>,
      %mul3A_1178 = arith.constant 4 : i32
      %mul3A_1179 = arith.muli %add3A_855, %mul3A_1178 : i32
      %add3A_1180 = arith.constant 1 : i32
      %add3A_1181 = arith.addi %mul3A_1179, %add3A_1180 : i32
      %mul3A_1182 = arith.constant 64 : i32
      %mul3A_1183 = arith.muli %add3A_1181, %mul3A_1182 : i32
      %add3A_1184 = arith.constant 0 : i32
      %add3A_1185 = arith.addi %mul3A_1183, %add3A_1184 : i32
      %get3A_1186 = arith.index_cast %add3A_1185 : i32 to index
      %get3A_1187 = tpu.vector_load %arg9[%get3A_1186] {strides = array<i32>} : memref<16384xi32, #tpu.memory_space<vmem>>, vector<16xi32>,
      %broadcast_in_dim3A_1188 = arith.constant 1 : i32
      %broadcast_in_dim3A_1189 = vector.broadcast %broadcast_in_dim3A_1188 : i32 to vector<16xi32>
      %broadcast_in_dim3A_1190 = arith.constant 64 : i32
      %broadcast_in_dim3A_1191 = vector.broadcast %broadcast_in_dim3A_1190 : i32 to vector<16xi32>
      %add3A_1192 = arith.addi %broadcast_in_dim3A_1191, %iota3A : vector<16xi32>
      tpu.vector_store_idx %arg10[%broadcast_in_dim3A_1189, %get3A_1187, %add3A_1192], %broadcast_in_dim3A_18 : memref<2x64x256xf32, #tpu.memory_space<vmem>>[vector<16xi32>, vector<16xi32>, vector<16xi32>], vector<16xf32>,
      %mul3A_1193 = arith.constant 4 : i32
      %mul3A_1194 = arith.muli %add3A_855, %mul3A_1193 : i32
      %add3A_1195 = arith.constant 1 : i32
      %add3A_1196 = arith.addi %mul3A_1194, %add3A_1195 : i32
      %mul3A_1197 = arith.constant 64 : i32
      %mul3A_1198 = arith.muli %add3A_1196, %mul3A_1197 : i32
      %add3A_1199 = arith.constant 16 : i32
      %add3A_1200 = arith.addi %mul3A_1198, %add3A_1199 : i32
      %get3A_1201 = arith.index_cast %add3A_1200 : i32 to index
      %get3A_1202 = tpu.vector_load %arg9[%get3A_1201] {strides = array<i32>} : memref<16384xi32, #tpu.memory_space<vmem>>, vector<16xi32>,
      %broadcast_in_dim3A_1203 = arith.constant 1 : i32
      %broadcast_in_dim3A_1204 = vector.broadcast %broadcast_in_dim3A_1203 : i32 to vector<16xi32>
      %broadcast_in_dim3A_1205 = arith.constant 80 : i32
      %broadcast_in_dim3A_1206 = vector.broadcast %broadcast_in_dim3A_1205 : i32 to vector<16xi32>
      %add3A_1207 = arith.addi %broadcast_in_dim3A_1206, %iota3A : vector<16xi32>
      tpu.vector_store_idx %arg10[%broadcast_in_dim3A_1204, %get3A_1202, %add3A_1207], %broadcast_in_dim3A_18 : memref<2x64x256xf32, #tpu.memory_space<vmem>>[vector<16xi32>, vector<16xi32>, vector<16xi32>], vector<16xf32>,
      %mul3A_1208 = arith.constant 4 : i32
      %mul3A_1209 = arith.muli %add3A_855, %mul3A_1208 : i32
      %add3A_1210 = arith.constant 1 : i32
      %add3A_1211 = arith.addi %mul3A_1209, %add3A_1210 : i32
      %mul3A_1212 = arith.constant 64 : i32
      %mul3A_1213 = arith.muli %add3A_1211, %mul3A_1212 : i32
      %add3A_1214 = arith.constant 32 : i32
      %add3A_1215 = arith.addi %mul3A_1213, %add3A_1214 : i32
      %get3A_1216 = arith.index_cast %add3A_1215 : i32 to index
      %get3A_1217 = tpu.vector_load %arg9[%get3A_1216] {strides = array<i32>} : memref<16384xi32, #tpu.memory_space<vmem>>, vector<16xi32>,
      %broadcast_in_dim3A_1218 = arith.constant 1 : i32
      %broadcast_in_dim3A_1219 = vector.broadcast %broadcast_in_dim3A_1218 : i32 to vector<16xi32>
      %broadcast_in_dim3A_1220 = arith.constant 96 : i32
      %broadcast_in_dim3A_1221 = vector.broadcast %broadcast_in_dim3A_1220 : i32 to vector<16xi32>
      %add3A_1222 = arith.addi %broadcast_in_dim3A_1221, %iota3A : vector<16xi32>
      tpu.vector_store_idx %arg10[%broadcast_in_dim3A_1219, %get3A_1217, %add3A_1222], %broadcast_in_dim3A_18 : memref<2x64x256xf32, #tpu.memory_space<vmem>>[vector<16xi32>, vector<16xi32>, vector<16xi32>], vector<16xf32>,
      %mul3A_1223 = arith.constant 4 : i32
      %mul3A_1224 = arith.muli %add3A_855, %mul3A_1223 : i32
      %add3A_1225 = arith.constant 1 : i32
      %add3A_1226 = arith.addi %mul3A_1224, %add3A_1225 : i32
      %mul3A_1227 = arith.constant 64 : i32
      %mul3A_1228 = arith.muli %add3A_1226, %mul3A_1227 : i32
      %add3A_1229 = arith.constant 48 : i32
      %add3A_1230 = arith.addi %mul3A_1228, %add3A_1229 : i32
      %get3A_1231 = arith.index_cast %add3A_1230 : i32 to index
      %get3A_1232 = tpu.vector_load %arg9[%get3A_1231] {strides = array<i32>} : memref<16384xi32, #tpu.memory_space<vmem>>, vector<16xi32>,
      %broadcast_in_dim3A_1233 = arith.constant 1 : i32
      %broadcast_in_dim3A_1234 = vector.broadcast %broadcast_in_dim3A_1233 : i32 to vector<16xi32>
      %broadcast_in_dim3A_1235 = arith.constant 112 : i32
      %broadcast_in_dim3A_1236 = vector.broadcast %broadcast_in_dim3A_1235 : i32 to vector<16xi32>
      %add3A_1237 = arith.addi %broadcast_in_dim3A_1236, %iota3A : vector<16xi32>
      tpu.vector_store_idx %arg10[%broadcast_in_dim3A_1234, %get3A_1232, %add3A_1237], %broadcast_in_dim3A_18 : memref<2x64x256xf32, #tpu.memory_space<vmem>>[vector<16xi32>, vector<16xi32>, vector<16xi32>], vector<16xf32>,
      %mul3A_1238 = arith.constant 4 : i32
      %mul3A_1239 = arith.muli %add3A_855, %mul3A_1238 : i32
      %add3A_1240 = arith.constant 2 : i32
      %add3A_1241 = arith.addi %mul3A_1239, %add3A_1240 : i32
      %mul3A_1242 = arith.constant 64 : i32
      %mul3A_1243 = arith.muli %add3A_1241, %mul3A_1242 : i32
      %add3A_1244 = arith.constant 0 : i32
      %add3A_1245 = arith.addi %mul3A_1243, %add3A_1244 : i32
      %get3A_1246 = arith.index_cast %add3A_1245 : i32 to index
      %get3A_1247 = tpu.vector_load %arg9[%get3A_1246] {strides = array<i32>} : memref<16384xi32, #tpu.memory_space<vmem>>, vector<16xi32>,
      %broadcast_in_dim3A_1248 = arith.constant 1 : i32
      %broadcast_in_dim3A_1249 = vector.broadcast %broadcast_in_dim3A_1248 : i32 to vector<16xi32>
      %broadcast_in_dim3A_1250 = arith.constant 128 : i32
      %broadcast_in_dim3A_1251 = vector.broadcast %broadcast_in_dim3A_1250 : i32 to vector<16xi32>
      %add3A_1252 = arith.addi %broadcast_in_dim3A_1251, %iota3A : vector<16xi32>
      tpu.vector_store_idx %arg10[%broadcast_in_dim3A_1249, %get3A_1247, %add3A_1252], %broadcast_in_dim3A_18 : memref<2x64x256xf32, #tpu.memory_space<vmem>>[vector<16xi32>, vector<16xi32>, vector<16xi32>], vector<16xf32>,
      %mul3A_1253 = arith.constant 4 : i32
      %mul3A_1254 = arith.muli %add3A_855, %mul3A_1253 : i32
      %add3A_1255 = arith.constant 2 : i32
      %add3A_1256 = arith.addi %mul3A_1254, %add3A_1255 : i32
      %mul3A_1257 = arith.constant 64 : i32
      %mul3A_1258 = arith.muli %add3A_1256, %mul3A_1257 : i32
      %add3A_1259 = arith.constant 16 : i32
      %add3A_1260 = arith.addi %mul3A_1258, %add3A_1259 : i32
      %get3A_1261 = arith.index_cast %add3A_1260 : i32 to index
      %get3A_1262 = tpu.vector_load %arg9[%get3A_1261] {strides = array<i32>} : memref<16384xi32, #tpu.memory_space<vmem>>, vector<16xi32>,
      %broadcast_in_dim3A_1263 = arith.constant 1 : i32
      %broadcast_in_dim3A_1264 = vector.broadcast %broadcast_in_dim3A_1263 : i32 to vector<16xi32>
      %broadcast_in_dim3A_1265 = arith.constant 144 : i32
      %broadcast_in_dim3A_1266 = vector.broadcast %broadcast_in_dim3A_1265 : i32 to vector<16xi32>
      %add3A_1267 = arith.addi %broadcast_in_dim3A_1266, %iota3A : vector<16xi32>
      tpu.vector_store_idx %arg10[%broadcast_in_dim3A_1264, %get3A_1262, %add3A_1267], %broadcast_in_dim3A_18 : memref<2x64x256xf32, #tpu.memory_space<vmem>>[vector<16xi32>, vector<16xi32>, vector<16xi32>], vector<16xf32>,
      %mul3A_1268 = arith.constant 4 : i32
      %mul3A_1269 = arith.muli %add3A_855, %mul3A_1268 : i32
      %add3A_1270 = arith.constant 2 : i32
      %add3A_1271 = arith.addi %mul3A_1269, %add3A_1270 : i32
      %mul3A_1272 = arith.constant 64 : i32
      %mul3A_1273 = arith.muli %add3A_1271, %mul3A_1272 : i32
      %add3A_1274 = arith.constant 32 : i32
      %add3A_1275 = arith.addi %mul3A_1273, %add3A_1274 : i32
      %get3A_1276 = arith.index_cast %add3A_1275 : i32 to index
      %get3A_1277 = tpu.vector_load %arg9[%get3A_1276] {strides = array<i32>} : memref<16384xi32, #tpu.memory_space<vmem>>, vector<16xi32>,
      %broadcast_in_dim3A_1278 = arith.constant 1 : i32
      %broadcast_in_dim3A_1279 = vector.broadcast %broadcast_in_dim3A_1278 : i32 to vector<16xi32>
      %broadcast_in_dim3A_1280 = arith.constant 160 : i32
      %broadcast_in_dim3A_1281 = vector.broadcast %broadcast_in_dim3A_1280 : i32 to vector<16xi32>
      %add3A_1282 = arith.addi %broadcast_in_dim3A_1281, %iota3A : vector<16xi32>
      tpu.vector_store_idx %arg10[%broadcast_in_dim3A_1279, %get3A_1277, %add3A_1282], %broadcast_in_dim3A_18 : memref<2x64x256xf32, #tpu.memory_space<vmem>>[vector<16xi32>, vector<16xi32>, vector<16xi32>], vector<16xf32>,
      %mul3A_1283 = arith.constant 4 : i32
      %mul3A_1284 = arith.muli %add3A_855, %mul3A_1283 : i32
      %add3A_1285 = arith.constant 2 : i32
      %add3A_1286 = arith.addi %mul3A_1284, %add3A_1285 : i32
      %mul3A_1287 = arith.constant 64 : i32
      %mul3A_1288 = arith.muli %add3A_1286, %mul3A_1287 : i32
      %add3A_1289 = arith.constant 48 : i32
      %add3A_1290 = arith.addi %mul3A_1288, %add3A_1289 : i32
      %get3A_1291 = arith.index_cast %add3A_1290 : i32 to index
      %get3A_1292 = tpu.vector_load %arg9[%get3A_1291] {strides = array<i32>} : memref<16384xi32, #tpu.memory_space<vmem>>, vector<16xi32>,
      %broadcast_in_dim3A_1293 = arith.constant 1 : i32
      %broadcast_in_dim3A_1294 = vector.broadcast %broadcast_in_dim3A_1293 : i32 to vector<16xi32>
      %broadcast_in_dim3A_1295 = arith.constant 176 : i32
      %broadcast_in_dim3A_1296 = vector.broadcast %broadcast_in_dim3A_1295 : i32 to vector<16xi32>
      %add3A_1297 = arith.addi %broadcast_in_dim3A_1296, %iota3A : vector<16xi32>
      tpu.vector_store_idx %arg10[%broadcast_in_dim3A_1294, %get3A_1292, %add3A_1297], %broadcast_in_dim3A_18 : memref<2x64x256xf32, #tpu.memory_space<vmem>>[vector<16xi32>, vector<16xi32>, vector<16xi32>], vector<16xf32>,
      %mul3A_1298 = arith.constant 4 : i32
      %mul3A_1299 = arith.muli %add3A_855, %mul3A_1298 : i32
      %add3A_1300 = arith.constant 3 : i32
      %add3A_1301 = arith.addi %mul3A_1299, %add3A_1300 : i32
      %mul3A_1302 = arith.constant 64 : i32
      %mul3A_1303 = arith.muli %add3A_1301, %mul3A_1302 : i32
      %add3A_1304 = arith.constant 0 : i32
      %add3A_1305 = arith.addi %mul3A_1303, %add3A_1304 : i32
      %get3A_1306 = arith.index_cast %add3A_1305 : i32 to index
      %get3A_1307 = tpu.vector_load %arg9[%get3A_1306] {strides = array<i32>} : memref<16384xi32, #tpu.memory_space<vmem>>, vector<16xi32>,
      %broadcast_in_dim3A_1308 = arith.constant 1 : i32
      %broadcast_in_dim3A_1309 = vector.broadcast %broadcast_in_dim3A_1308 : i32 to vector<16xi32>
      %broadcast_in_dim3A_1310 = arith.constant 192 : i32
      %broadcast_in_dim3A_1311 = vector.broadcast %broadcast_in_dim3A_1310 : i32 to vector<16xi32>
      %add3A_1312 = arith.addi %broadcast_in_dim3A_1311, %iota3A : vector<16xi32>
      tpu.vector_store_idx %arg10[%broadcast_in_dim3A_1309, %get3A_1307, %add3A_1312], %broadcast_in_dim3A_18 : memref<2x64x256xf32, #tpu.memory_space<vmem>>[vector<16xi32>, vector<16xi32>, vector<16xi32>], vector<16xf32>,
      %mul3A_1313 = arith.constant 4 : i32
      %mul3A_1314 = arith.muli %add3A_855, %mul3A_1313 : i32
      %add3A_1315 = arith.constant 3 : i32
      %add3A_1316 = arith.addi %mul3A_1314, %add3A_1315 : i32
      %mul3A_1317 = arith.constant 64 : i32
      %mul3A_1318 = arith.muli %add3A_1316, %mul3A_1317 : i32
      %add3A_1319 = arith.constant 16 : i32
      %add3A_1320 = arith.addi %mul3A_1318, %add3A_1319 : i32
      %get3A_1321 = arith.index_cast %add3A_1320 : i32 to index
      %get3A_1322 = tpu.vector_load %arg9[%get3A_1321] {strides = array<i32>} : memref<16384xi32, #tpu.memory_space<vmem>>, vector<16xi32>,
      %broadcast_in_dim3A_1323 = arith.constant 1 : i32
      %broadcast_in_dim3A_1324 = vector.broadcast %broadcast_in_dim3A_1323 : i32 to vector<16xi32>
      %broadcast_in_dim3A_1325 = arith.constant 208 : i32
      %broadcast_in_dim3A_1326 = vector.broadcast %broadcast_in_dim3A_1325 : i32 to vector<16xi32>
      %add3A_1327 = arith.addi %broadcast_in_dim3A_1326, %iota3A : vector<16xi32>
      tpu.vector_store_idx %arg10[%broadcast_in_dim3A_1324, %get3A_1322, %add3A_1327], %broadcast_in_dim3A_18 : memref<2x64x256xf32, #tpu.memory_space<vmem>>[vector<16xi32>, vector<16xi32>, vector<16xi32>], vector<16xf32>,
      %mul3A_1328 = arith.constant 4 : i32
      %mul3A_1329 = arith.muli %add3A_855, %mul3A_1328 : i32
      %add3A_1330 = arith.constant 3 : i32
      %add3A_1331 = arith.addi %mul3A_1329, %add3A_1330 : i32
      %mul3A_1332 = arith.constant 64 : i32
      %mul3A_1333 = arith.muli %add3A_1331, %mul3A_1332 : i32
      %add3A_1334 = arith.constant 32 : i32
      %add3A_1335 = arith.addi %mul3A_1333, %add3A_1334 : i32
      %get3A_1336 = arith.index_cast %add3A_1335 : i32 to index
      %get3A_1337 = tpu.vector_load %arg9[%get3A_1336] {strides = array<i32>} : memref<16384xi32, #tpu.memory_space<vmem>>, vector<16xi32>,
      %broadcast_in_dim3A_1338 = arith.constant 1 : i32
      %broadcast_in_dim3A_1339 = vector.broadcast %broadcast_in_dim3A_1338 : i32 to vector<16xi32>
      %broadcast_in_dim3A_1340 = arith.constant 224 : i32
      %broadcast_in_dim3A_1341 = vector.broadcast %broadcast_in_dim3A_1340 : i32 to vector<16xi32>
      %add3A_1342 = arith.addi %broadcast_in_dim3A_1341, %iota3A : vector<16xi32>
      tpu.vector_store_idx %arg10[%broadcast_in_dim3A_1339, %get3A_1337, %add3A_1342], %broadcast_in_dim3A_18 : memref<2x64x256xf32, #tpu.memory_space<vmem>>[vector<16xi32>, vector<16xi32>, vector<16xi32>], vector<16xf32>,
      %mul3A_1343 = arith.constant 4 : i32
      %mul3A_1344 = arith.muli %add3A_855, %mul3A_1343 : i32
      %add3A_1345 = arith.constant 3 : i32
      %add3A_1346 = arith.addi %mul3A_1344, %add3A_1345 : i32
      %mul3A_1347 = arith.constant 64 : i32
      %mul3A_1348 = arith.muli %add3A_1346, %mul3A_1347 : i32
      %add3A_1349 = arith.constant 48 : i32
      %add3A_1350 = arith.addi %mul3A_1348, %add3A_1349 : i32
      %get3A_1351 = arith.index_cast %add3A_1350 : i32 to index
      %get3A_1352 = tpu.vector_load %arg9[%get3A_1351] {strides = array<i32>} : memref<16384xi32, #tpu.memory_space<vmem>>, vector<16xi32>,
      %broadcast_in_dim3A_1353 = arith.constant 1 : i32
      %broadcast_in_dim3A_1354 = vector.broadcast %broadcast_in_dim3A_1353 : i32 to vector<16xi32>
      %broadcast_in_dim3A_1355 = arith.constant 240 : i32
      %broadcast_in_dim3A_1356 = vector.broadcast %broadcast_in_dim3A_1355 : i32 to vector<16xi32>
      %add3A_1357 = arith.addi %broadcast_in_dim3A_1356, %iota3A : vector<16xi32>
      tpu.vector_store_idx %arg10[%broadcast_in_dim3A_1354, %get3A_1352, %add3A_1357], %broadcast_in_dim3A_18 : memref<2x64x256xf32, #tpu.memory_space<vmem>>[vector<16xi32>, vector<16xi32>, vector<16xi32>], vector<16xf32>,
      %mul3A_1358 = arith.constant 4 : i32
      %mul3A_1359 = arith.muli %add3A_855, %mul3A_1358 : i32
      %add3A_1360 = arith.addi %mul3A_2, %mul3A_1359 : i32
      %mul3A_1361 = arith.constant 64 : i32
      %mul3A_1362 = arith.muli %add3A_1360, %mul3A_1361 : i32
      %dma_start3A_1363 = arith.constant 1 : i32
      %dma_start3A_1364 = arith.constant 0 : i32
      %dma_start3A_1365 = arith.constant 0 : i32
      %dma_start3A_1366 = tpu.memref_slice %arg10[%dma_start3A_1363, %dma_start3A_1364, %dma_start3A_1365] : memref<2x64x256xf32, #tpu.memory_space<vmem>> -> memref<1x64x256xf32, #tpu.memory_space<vmem>>
      %dma_start3A_1367 = tpu.memref_squeeze %dma_start3A_1366 : memref<1x64x256xf32, #tpu.memory_space<vmem>> -> memref<64x256xf32, #tpu.memory_space<vmem>>
      %dma_start3A_1368 = arith.constant 0 : i32
      %dma_start3A_1369 = tpu.memref_slice %arg5[%dma_start3A_1368, %mul3A_1362] : memref<64x524288xf32, #tpu.memory_space<hbm>> -> memref<64x256xf32, #tpu.memory_space<hbm>>
      %dma_start3A_1370 = arith.constant 0 : i32
      %dma_start3A_1371 = tpu.memref_slice %arg5[%dma_start3A_1370, %mul3A_1362] : memref<64x524288xf32, #tpu.memory_space<hbm>> -> memref<64x256xf32, #tpu.memory_space<hbm>>
      %dma_start3A_1372 = arith.constant 0 : i32
      %dma_start3A_1373 = arith.constant 0 : i32
      %dma_start3A_1374 = tpu.memref_slice %arg10[%dma_start3A_1363, %dma_start3A_1372, %dma_start3A_1373] : memref<2x64x256xf32, #tpu.memory_space<vmem>> -> memref<1x64x256xf32, #tpu.memory_space<vmem>>
      %dma_start3A_1375 = tpu.memref_squeeze %dma_start3A_1374 : memref<1x64x256xf32, #tpu.memory_space<vmem>> -> memref<64x256xf32, #tpu.memory_space<vmem>>
      tpu.enqueue_dma source(%dma_start3A_1375 : memref<64x256xf32, #tpu.memory_space<vmem>>) target(%dma_start3A_1371 : memref<64x256xf32, #tpu.memory_space<hbm>>) target_semaphore(%arg12 : memref<!tpu.dma_semaphore, #tpu.memory_space<semaphore_mem>>)
    }
    %scan3A_294 = arith.constant 31 : i32
    %add3A_295 = arith.constant 248 : i32
    %add3A_296 = arith.addi %mul3A_2, %add3A_295 : i32
    %mul3A_297 = arith.constant 64 : i32
    %mul3A_298 = arith.muli %add3A_296, %mul3A_297 : i32
    %dma_wait3A = arith.constant 0 : i32
    %dma_wait3A_299 = arith.constant 0 : i32
    %dma_wait3A_300 = arith.constant 0 : i32
    %dma_wait3A_301 = tpu.memref_slice %arg10[%dma_wait3A, %dma_wait3A_299, %dma_wait3A_300] : memref<2x64x256xf32, #tpu.memory_space<vmem>> -> memref<1x64x256xf32, #tpu.memory_space<vmem>>
    %dma_wait3A_302 = tpu.memref_squeeze %dma_wait3A_301 : memref<1x64x256xf32, #tpu.memory_space<vmem>> -> memref<64x256xf32, #tpu.memory_space<vmem>>
    %dma_wait3A_303 = arith.constant 0 : i32
    %dma_wait3A_304 = tpu.memref_slice %arg5[%dma_wait3A_303, %mul3A_298] : memref<64x524288xf32, #tpu.memory_space<hbm>> -> memref<64x256xf32, #tpu.memory_space<hbm>>
    %dma_wait3A_305 = arith.constant 0 : i32
    %dma_wait3A_306 = tpu.memref_slice %arg5[%dma_wait3A_305, %mul3A_298] : memref<64x524288xf32, #tpu.memory_space<hbm>> -> memref<64x256xf32, #tpu.memory_space<hbm>>
    %dma_wait3A_307 = arith.constant 0 : i32
    %dma_wait3A_308 = arith.constant 0 : i32
    %dma_wait3A_309 = tpu.memref_slice %arg10[%dma_wait3A, %dma_wait3A_307, %dma_wait3A_308] : memref<2x64x256xf32, #tpu.memory_space<vmem>> -> memref<1x64x256xf32, #tpu.memory_space<vmem>>
    %dma_wait3A_310 = tpu.memref_squeeze %dma_wait3A_309 : memref<1x64x256xf32, #tpu.memory_space<vmem>> -> memref<64x256xf32, #tpu.memory_space<vmem>>
    tpu.wait_dma2 semaphore(%arg11 : memref<!tpu.dma_semaphore, #tpu.memory_space<semaphore_mem>>) src(%dma_wait3A_310 : memref<64x256xf32, #tpu.memory_space<vmem>>) dst(%dma_wait3A_306 : memref<64x256xf32, #tpu.memory_space<hbm>>)
    %add3A_311 = arith.constant 252 : i32
    %add3A_312 = arith.addi %mul3A_2, %add3A_311 : i32
    %mul3A_313 = arith.constant 64 : i32
    %mul3A_314 = arith.muli %add3A_312, %mul3A_313 : i32
    %dma_wait3A_315 = arith.constant 1 : i32
    %dma_wait3A_316 = arith.constant 0 : i32
    %dma_wait3A_317 = arith.constant 0 : i32
    %dma_wait3A_318 = tpu.memref_slice %arg10[%dma_wait3A_315, %dma_wait3A_316, %dma_wait3A_317] : memref<2x64x256xf32, #tpu.memory_space<vmem>> -> memref<1x64x256xf32, #tpu.memory_space<vmem>>
    %dma_wait3A_319 = tpu.memref_squeeze %dma_wait3A_318 : memref<1x64x256xf32, #tpu.memory_space<vmem>> -> memref<64x256xf32, #tpu.memory_space<vmem>>
    %dma_wait3A_320 = arith.constant 0 : i32
    %dma_wait3A_321 = tpu.memref_slice %arg5[%dma_wait3A_320, %mul3A_314] : memref<64x524288xf32, #tpu.memory_space<hbm>> -> memref<64x256xf32, #tpu.memory_space<hbm>>
    %dma_wait3A_322 = arith.constant 0 : i32
    %dma_wait3A_323 = tpu.memref_slice %arg5[%dma_wait3A_322, %mul3A_314] : memref<64x524288xf32, #tpu.memory_space<hbm>> -> memref<64x256xf32, #tpu.memory_space<hbm>>
    %dma_wait3A_324 = arith.constant 0 : i32
    %dma_wait3A_325 = arith.constant 0 : i32
    %dma_wait3A_326 = tpu.memref_slice %arg10[%dma_wait3A_315, %dma_wait3A_324, %dma_wait3A_325] : memref<2x64x256xf32, #tpu.memory_space<vmem>> -> memref<1x64x256xf32, #tpu.memory_space<vmem>>
    %dma_wait3A_327 = tpu.memref_squeeze %dma_wait3A_326 : memref<1x64x256xf32, #tpu.memory_space<vmem>> -> memref<64x256xf32, #tpu.memory_space<vmem>>
    tpu.wait_dma2 semaphore(%arg12 : memref<!tpu.dma_semaphore, #tpu.memory_space<semaphore_mem>>) src(%dma_wait3A_327 : memref<64x256xf32, #tpu.memory_space<vmem>>) dst(%dma_wait3A_323 : memref<64x256xf32, #tpu.memory_space<hbm>>)
    return
  }
}

</mosaic_0001>

<sc_bundles>
// kernel: kernel.3.cloned.1.call-start
scs
__scs_entry_jumppad:
0x0: {  	(pc) =	sbr.rel $0x88, $3  }
0x1: {  	(tag) =	ssettag $0x0;
	lr =	simm.s32 $0x1  }
0x2: {  	[smem:$0x3F9E] =	sst lr;
	_ =	strace $0xD0000000  }
0x3: {  	_ = 	snop  }
0x4: {  	_ = 	snop  }
0x5: {  	_ = 	snop  }
0x6: {  	_ = 	snop  }
0x7: {  	_ = 	snop  }
__scs_overlays_trampoline_lowered:
0x8: {  	[smem:$0x3FAD] =	sst s0  }
0x9: {  	[smem:$0x3FAE] =	sst s1  }
0xa: {  	[smem:$0x3FAF] =	sst s2  }
0xb: {  	[smem:$0x3FB0] =	sst s3  }
0xc: {  	[smem:$0x3FB1] =	sst s4  }
0xd: {  	[smem:$0x3FB2] =	sst s5  }
0xe: {  	[smem:$0x3FB3] =	sst s6  }
0xf: {  	[smem:$0x3FB4] =	sst s7  }
0x10: {  	[smem:$0x3FB5] =	sst s8  }
0x11: {  	[smem:$0x3FB6] =	sst s9;
	s0 =	simm.s32 @!p0 $0x0  }
0x12: {  	s1 =	sld [smem:$0x3F9C];
	s0 =	simm.s32 @p0 $0x1  }
0x13: {  	[smem:$0x3FB7] =	sst s0;
	s0 =	simm.s32 @!p1 $0x0  }
0x14: {  	s2 =	sld [smem:$0x3F9B];
	s0 =	simm.s32 @p1 $0x1  }
0x15: {  	[smem:$0x3FB8] =	sst s0;
	s0 =	simm.s32 @!p2 $0x0  }
0x16: {  	s3 =	sld [smem:$0x3FDB];
	s0 =	simm.s32 @p2 $0x1  }
0x17: {  	s4 =	simm.s32 $0x1BF5;
	[smem:$0x3FBA] =	sst s0  }
0x18: {  	s0 =	sld [smem:$0x3F9D];
	_ =	swait.ge [sflag:s4], $0x0  }
0x19: {  	s7 =	sld [smem:$0x3F9E]  }
0x1a: {  	s8 =	sadd.s32 $0xFFFFE003, lr  }
0x1b: {  	s9 =	sadd.s32 $0xFFFFFEF7, lr;
	s5 =	simm.s32 $0xFFFFFFFF;
	p2 =	slt.u32 s8, $0xFFFFF086  }
0x1c: {  	p1 =	slt.u32 s9, $0xF7A;
	s5 =	simm.s32 @!p2 $0x0  }
0x1d: {  	s5 =	simm.s32 @p1 $0x1;
	p0 =	seq.s32 s7, s2  }
0x1e: {  	s7 =	smul.u32 @!p0 $0xF7A, s2;
	p2 =	seq.s32 @!p0 s5, $0x0  }
0x1f: {  	s9 =	smul.u32 $0xF7A, s1;
	s8 =	simm.s32 @!p0 $0x1BF5;
	p2 =	por !p2, p0  }
0x20: {  	[sflag:s8] =	ssyncset.s32 @!p0 $0xFFFFF086;
	s6 =	sadd.s32 @!p0 s3, s7;
	s7 =	simm.s32 @!p0 $0x108  }
0x21: {  	s3 =	sadd.s32 s3, s9;
	s6 =	sadd.s32 @!p0 $0x88, s6;
	s7 =	simm.s32 @p2 $0x1082  }
0x22: {  	[simem:s7], [sflag:s8] =	dma.local @!p0 [hbm:s6], $0xF7A  }
0x23: {  	s9 =	sor.u32 $0xD0000000, s2;
	s6 =	simm.s32 $0x108;
	_ =	swait.ge @!p0 [sflag:s8], $0x0  }
0x24: {  	s3 =	sadd.s32 $0x88, s3;
	s6 =	simm.s32 @!p1 $0x1082;
	[sflag:s4] =	ssyncset.s32 $0xFFFFF086  }
0x25: {  	[simem:s6], [sflag:s4] =	dma.local [hbm:s3], $0xF7A  }
0x26: {  	[smem:$0x3F9E] =	sst s1;
	(tag) =	ssettag s2;
	_ =	strace s9  }
0x27: {  	s1 =	sld [smem:$0x3FAE]  }
0x28: {  	s2 =	sld [smem:$0x3FAF]  }
0x29: {  	s4 =	sld [smem:$0x3FB1]  }
0x2a: {  	p0 =	seq.s32 s5, $0x0;
	s5 =	sld [smem:$0x3FB2]  }
0x2b: {  	s6 =	sld [smem:$0x3FB3]  }
0x2c: {  	s7 =	sld [smem:$0x3FB4]  }
0x2d: {  	s3 =	simm.s32 $0x108;
	s8 =	sld [smem:$0x3FB5]  }
0x2e: {  	s3 =	simm.s32 @!p0 $0x1082;
	s9 =	sld [smem:$0x3FB6]  }
0x2f: {  	lr =	sadd.s32 s0, s3;
	s0 =	sld [smem:$0x3FAD]  }
0x30: {  	s3 =	sld [smem:$0x3FB0]  }
0x31: {  	[smem:$0x3FB9] =	sst s10  }
0x32: {  	s10 =	sld [smem:$0x3FB7];
	_ =	sdelay $0x3  }
0x33: {  	p0 =	seq.s32 s10, $0x1;
	s10 =	sld [smem:$0x3FB9];
	_ =	sdelay $0x3  }
0x34: {  	[smem:$0x3FB9] =	sst s10  }
0x35: {  	s10 =	sld [smem:$0x3FB8];
	_ =	sdelay $0x3  }
0x36: {  	p1 =	seq.s32 s10, $0x1;
	s10 =	sld [smem:$0x3FB9];
	_ =	sdelay $0x3  }
0x37: {  	[smem:$0x3FB9] =	sst s10  }
0x38: {  	s10 =	sld [smem:$0x3FBA]  }
0x39: {  	_ = 	snop;
	(pc) =	sbr.ind lr, $3  }
0x3a: {  	_ = 	snop  }
0x3b: {  	_ = 	snop  }
0x3c: {  	p2 =	seq.s32 s10, $0x1;
	s10 =	sld [smem:$0x3FB9]  }
0x3d: {  	_ =	shalt  }
0x3e: {  	_ =	shalt  }
0x3f: {  	_ =	shalt  }
0x40: {  	_ =	shalt  }
0x41: {  	_ =	shalt  }
0x42: {  	_ =	shalt  }
0x43: {  	_ =	shalt  }
0x44: {  	_ =	shalt  }
0x45: {  	_ =	shalt  }
0x46: {  	_ =	shalt  }
0x47: {  	_ =	shalt  }
0x48: {  	_ =	shalt  }
0x49: {  	_ =	shalt  }
0x4a: {  	_ =	shalt  }
0x4b: {  	_ =	shalt  }
0x4c: {  	_ =	shalt  }
0x4d: {  	_ =	shalt  }
0x4e: {  	_ =	shalt  }
0x4f: {  	_ =	shalt  }
0x50: {  	_ =	shalt  }
0x51: {  	_ =	shalt  }
0x52: {  	_ =	shalt  }
0x53: {  	_ =	shalt  }
0x54: {  	_ =	shalt  }
0x55: {  	_ =	shalt  }
0x56: {  	_ =	shalt  }
0x57: {  	_ =	shalt  }
0x58: {  	_ =	shalt  }
0x59: {  	_ =	shalt  }
0x5a: {  	_ =	shalt  }
0x5b: {  	_ =	shalt  }
0x5c: {  	_ =	shalt  }
0x5d: {  	_ =	shalt  }
0x5e: {  	_ =	shalt  }
0x5f: {  	_ =	shalt  }
0x60: {  	_ =	shalt  }
0x61: {  	_ =	shalt  }
0x62: {  	_ =	shalt  }
0x63: {  	_ =	shalt  }
0x64: {  	_ =	shalt  }
0x65: {  	_ =	shalt  }
0x66: {  	_ =	shalt  }
0x67: {  	_ =	shalt  }
0x68: {  	_ =	shalt  }
0x69: {  	_ =	shalt  }
0x6a: {  	_ =	shalt  }
0x6b: {  	_ =	shalt  }
0x6c: {  	_ =	shalt  }
0x6d: {  	_ =	shalt  }
0x6e: {  	_ =	shalt  }
0x6f: {  	_ =	shalt  }
0x70: {  	_ =	shalt  }
0x71: {  	_ =	shalt  }
0x72: {  	_ =	shalt  }
0x73: {  	_ =	shalt  }
0x74: {  	_ =	shalt  }
0x75: {  	_ =	shalt  }
0x76: {  	_ =	shalt  }
0x77: {  	_ =	shalt  }
0x78: {  	_ =	shalt  }
0x79: {  	_ =	shalt  }
0x7a: {  	_ =	shalt  }
0x7b: {  	_ =	shalt  }
0x7c: {  	_ =	shalt  }
0x7d: {  	_ =	shalt  }
0x7e: {  	_ =	shalt  }
0x7f: {  	_ =	shalt  }
0x80: {  	_ =	shalt  }
0x81: {  	_ =	shalt  }
0x82: {  	_ =	shalt  }
0x83: {  	_ =	shalt  }
0x84: {  	_ =	shalt  }
0x85: {  	_ =	shalt  }
0x86: {  	_ =	shalt  }
0x87: {  	_ =	shalt  }
.Lfunc_end0:
.L_simem_size_0:
called_computation.1_lowered:
.L_overlay_start_0:
0x88: {  	s2 =	sld [smem:$0x3FD9]  }
0x89: {  	s3 =	sld [smem:$0x3FFE];
	_ =	sdelay $0x1  }
0x8a: {  	s1 =	srdreg.scid  }
0x8b: {  	s0 =	sand.u32 $0x1, s1  }
0x8c: {  	s18 =	sshll.u32 s0, $0xA;
	s2 =	sadd.s32 s3, s2  }
0x8d: {  	s2 =	sadd.s32 s2, s18  }
0x8e: {  	[smem:$0x3FC5] =	sst s2  }
0x8f: {  	_ = 	snop  }
0x90: {  	s2 =	sld [smem:$0x3FC9]  }
0x91: {  	s19 =	sld [smem:$0x3FC8]  }
0x92: {  	s4 =	sld [smem:$0x3FC7]  }
0x93: {  	s5 =	sld [smem:$0x3FD0];
	(tm) =	ssettm $0x1  }
0x94: {  	s6 =	sld [smem:$0x3FFB];
	_ =	sdelay $0x3  }
0x95: {  	_ =	strace s6  }
0x96: {  	s6 =	sld [smem:$0x3FFC];
	_ =	sdelay $0x3  }
0x97: {  	_ =	strace s6  }
0x98: {  	s6 =	sld [smem:$0x3FFD];
	_ =	sdelay $0x3  }
0x99: {  	_ =	strace s6  }
0x9a: {  	_ =	strace $0x8FFFFFFF  }
0x9b: {  	s20 =	sld [smem:$0x3FDB];
	_ =	sdelay $0x1  }
0x9c: {  	s7 =	simm.s32 $_scs_section_size  }
0x9d: {  	s8 =	simm.s32 $_size__tile_overlayer_lowered;
	s9 =	simm.s32 $_tile_overlayer_lowered  }
0x9e: {  	s23 =	simm.s32 $0x1BFF;
	s22 =	sshll.u32 s9, $0x1;
	s6 =	sadd.s32 s7, s20  }
0x9f: {  	s10 =	simm.s32 $0x0;
	s21 =	sshll.u32 s8, $0x1;
	s8 =	sadd.s32 s22, s6  }
0xa0: {  	[timem:s10], [sflag:s23] =	dma.local [hbm:s8], s21  }
0xa1: {  	_ =	swait.ge [sflag:s23], s21  }
0xa2: {  	s7 =	ssub.s32 $0x0, s21;
	[sflag:s23] =	ssyncset.done $0x0  }
0xa3: {  	[sflag:s23] =	ssyncadd.s32 s7;
	_ =	sdelay $0x1  }
0xa4: {  	s24 =	simm.s32 $0x1B8B  }
0xa5: {  	_ =	swait.ge [sflag:s24], $0x1  }
0xa6: {  	[sflag:s24] =	ssyncset.done $0x0  }
0xa7: {  	s25 =	simm.s32 $0x1B8E;
	[sflag:s24] =	ssyncadd.s32 $0xFFFFFFFF  }
0xa8: {  	s26 =	simm.s32 $execute0_lowered;
	[smem:$0x3FD2] =	sst s25  }
0xa9: {  	s7 =	sshll.u32 s26, $0x1;
	_ =	strace $0x80000046;
	[dreg:$0x1] =	wrdreg $0xFFFFFFFF  }
0xaa: {  	s28 =	simm.s32 $_size_execute0_lowered;
	s6 =	sadd.s32 s6, s7;
	[dreg:$0x0] =	wrdreg $0x0  }
0xab: {  	s7 =	sshll.u32 s28, $0x1;
	[dreg:$0x2] =	wrdreg s6  }
0xac: {  	[dreg:$0x3] =	wrdreg s7  }
0xad: {  	[dreg:$0x4] =	wrdreg $0xC0  }
0xae: {  	_ =	task [dreg:s10], $0x5FFFF  }
0xaf: {  	[dreg:$0x1] =	wrdreg $0xFFFFFFFF  }
0xb0: {  	[dreg:$0x0] =	wrdreg $0x60  }
0xb1: {  	[dreg:$0x2] =	wrdreg s2  }
0xb2: {  	[dreg:$0x3] =	wrdreg s19  }
0xb3: {  	[dreg:$0x4] =	wrdreg s4  }
0xb4: {  	[dreg:$0x5] =	wrdreg s5  }
0xb5: {  	[dreg:$0x6] =	wrdreg $0x9  }
0xb6: {  	_ =	task.clear_ibuf [dreg:s10], $0x7FFFF;
	_ =	strace $0x90000046  }
0xb7: {  	s29 =	simm.s32 $0x9;
	_ =	strace $0x80000048  }
0xb8: {  	_ =	swait.ge [sflag:s29], $0x1  }
0xb9: {  	[sflag:s29] =	ssyncadd.s32 $0xFFFFFFFF  }
0xba: {  	_ =	strace $0x90000048  }
0xbb: {  	_ =	sfence  }
0xbc: {  	s30 =	sld [smem:$0x0];
	_ =	sdelay $0x2  }
0xbd: {  	s31 =	sshll.u32 s1, $0xD;
	s1 =	sshrl.u32 s1, $0x2  }
0xbe: {  	s3 =	sand.u32 $0x4000, s31;
	s1 =	sadd.s32 s1, s30  }
0xbf: {  	s0 =	sor.u32 s3, s0;
	s1 =	sshll.u32 s1, $0x11  }
0xc0: {  	s0 =	sor.u32 s1, s0  }
0xc1: {  	s0 =	sadd.s32 $0x8F2B, s0  }
0xc2: {  	[sflag:s0] =	ssyncadd.remote.s32 $0x1  }
0xc3: {  	_ =	sfence.sel $0xFFFF  }
0xc4: {  	[dreg:$0x0] =	wrdreg $0xFFFFFFFF;
	(pc) =	sbr.abs _section_cstart, $3  }
0xc5: {  	[dreg:$0x1] =	wrdreg $0xFFFFFFFF  }
0xc6: {  	_ =	task.clear_ibuf [dreg:s10], $0x2FFFF;
	_ =	strace $0x9FFFFFFF  }
0xc7: {  	(tm) =	ssettm $0x7FFFFFFF  }
tec
execute0_lowered:
.L_overlay_start_1:
0x0: {  	(tag) =	ssettag $0x1  }
0x1: {  	s5 =	rddreg [dreg:$0x0]  }
0x2: {  	s1 =	rddreg [dreg:$0x1]  }
0x3: {  	s2 =	rddreg [dreg:$0x2]  }
0x4: {  	s8 =	rddreg [dreg:$0x3];
	v0 =	vlaneseq.u32  }
0x5: {  	s0 =	rddreg [dreg:$0x4];
	s6 =	srdreg.scid;
	v1 =	vimm.f32 $0.0e+00;
	v2 =	vimm.f32 $1.000000000e+00;
	v3 =	vor.u32 $0x10, v0  }
0x6: {  	s4 =	simm.s32 $0x0;
	s3 =	stileid.u32;
	s12 =	simm.s32 $0x180;
	v4 =	vor.u32 $0x20, v0;
	v5 =	vor.u32 $0x30, v0;
	v6 =	vor.u32 $0x40, v0  }
0x7: {  	s13 =	simm.s32 $0x4200;
	s14 =	simm.s32 $0x800;
	s15 =	simm.s32 $0x400000;
	v7 =	vor.u32 $0x50, v0;
	v8 =	vor.u32 $0x60, v0;
	v9 =	vor.u32 $0x70, v0  }
0x8: {  	s16 =	simm.s32 $0x8200;
	s17 =	simm.s32 $0x1;
	s18 =	simm.s32 $0x2;
	v10 =	vor.u32 $0x400, v0;
	v11 =	vor.u32 $0x410, v0;
	v12 =	vor.u32 $0x420, v0  }
0x9: {  	s19 =	simm.s32 $0x0;
	s9 =	sand.u32 $0x1, s6;
	[smem:$0x7FF] =	sst s4;
	v13 =	vor.u32 $0x430, v0;
	v14 =	vor.u32 $0x440, v0;
	v15 =	vor.u32 $0x450, v0  }
0xa: {  	s7 =	sshll.u32 s3, $0x1;
	s11 =	sshll.u32 s3, $0xF;
	v16 =	vor.u32 $0x460, v0;
	v17 =	vor.u32 $0x470, v0;
	v18 =	vor.u32 $0x4000, v0;
	s6 =	ssub.s32 $0x2, s9  }
0xb: {  	v19 =	vor.u32 $0x4010, v0;
	v20 =	vor.u32 $0x4020, v0;
	v21 =	vor.u32 $0x4030, v0;
	_ =	strace $0x80000047;
	s7 =	sor.u32 s9, s7;
	s11 =	sadd.s32 s11, s8  }
0xc: {  	v22 =	vor.u32 $0x4040, v0;
	v23 =	vor.u32 $0x4050, v0;
	v24 =	vor.u32 $0x4060, v0;
	s9 =	sshll.u32 s9, $0xE;
	s10 =	sshrl.u32 s6, $0x1;
	s31 =	sshll.u32 s7, $0x5  }
0xd: {  	v25 =	vor.u32 $0x4070, v0;
	v26 =	vor.u32 $0x4400, v0;
	v27 =	vor.u32 $0x4410, v0;
	s7 =	sshll.u32 s7, $0xE;
	s9 =	sadd.s32 s9, s11;
	s11 =	simm.s32 $0x100  }
0xe: {  	v28 =	vor.u32 $0x4420, v0;
	v29 =	vor.u32 $0x4430, v0;
	v30 =	vor.u32 $0x4440, v0;
	s10 =	ssub.s32 s6, s10;
	s5 =	sadd.s32 s5, s31;
	s6 =	sadd.s32 s8, s7  }
0xf: {  	v31 =	vor.u32 $0x4450, v0;
	v32 =	vor.u32 $0x4460, v0;
	v33 =	vor.u32 $0x4470, v0;
	s7 =	sadd.s32 $0x100, s6;
	s8 =	smax.u32 s10, $0x1;
	s10 =	simm.s32 $0x3  }
.LBB2_1:
0x10: {  	[tilespmem:s4], [sflag:$0x3] =	stream.linear.gather [hbm4b:s5+s4], $0x100, $0x38;
	[tilespmem:$0xC200] =	vst v63  }
0x11: {  	_ =	swait.ge [sflag:s10], $0x100  }
0x12: {  	[sflag:s10] =	ssyncset.done $0x0  }
0x13: {  	[sflag:s10] =	ssyncadd.s32 $0xFFFFFF00  }
0x14: {  	[tilespmem:s11], [sflag:$0x3] =	stream.linear.gather [hbm4b:s1+s4], $0x80, $0x38;
	[tilespmem:$0xC200] =	vst v63  }
0x15: {  	_ =	swait.ge [sflag:s10], $0x80  }
0x16: {  	[sflag:s10] =	ssyncset.done $0x0  }
0x17: {  	[sflag:s10] =	ssyncadd.s32 $0xFFFFFF80  }
0x18: {  	[tilespmem:s12], [sflag:$0x3] =	stream.linear.gather [hbm4b:s2+s4], $0x80, $0x38;
	[tilespmem:$0xC200] =	vst v63  }
0x19: {  	_ =	swait.ge [sflag:s10], $0x80  }
0x1a: {  	v35 =	vmov s4;
	[sflag:s10] =	ssyncset.done $0x0  }
0x1b: {  	[sflag:s10] =	ssyncadd.s32 $0xFFFFFF80  }
0x1c: {  	v34 =	vld [tilespmem:$0x100]  }
0x1d: {  	v38 =	vld [tilespmem:$0x110]  }
0x1e: {  	v39 =	vld [tilespmem:$0x120]  }
0x1f: {  	v41 =	vld.idx.msk [tilespmem:v35+s4+$0x0], $0xffff  }
0x20: {  	v40 =	vld [tilespmem:$0x130]  }
0x21: {  	v37 =	vld [tilespmem:$0x190]  }
0x22: {  	v36 =	vld [tilespmem:$0x1A0]  }
0x23: {  	v35 =	vld [tilespmem:$0x1B0]  }
0x24: {  	v42 =	vsub.f32 v41, v38;
	v43 =	vsub.f32 v41, v39  }
0x25: {  	v45 =	vsub.f32 v41, v40;
	v46 =	vsub.f32 v41, v34;
	v41 =	vld [tilespmem:$0x180]  }
0x26: {  	s21 =	simm.s32 $0x1;
	v62 =	vand.u32 $0x7FFFFFFF, v42;
	v63 =	vand.u32 $0x7FFFFFFF, v43  }
0x27: {  	v45 =	vand.u32 $0x7FFFFFFF, v45;
	v42 =	vmov s21;
	v44 =	vmul.f32 v62, v37  }
0x28: {  	s20 =	simm.s32 $0x220;
	s23 =	simm.s32 $0x2;
	s22 =	simm.s32 $0x220;
	v46 =	vand.u32 $0x7FFFFFFF, v46;
	v43 =	vmul.f32 v63, v36;
	v45 =	vmul.f32 v45, v35  }
.LBB2_2:
0x29: {  	p0 =	sne.s32 s23, $0xFF  }
0x2a: {  	v46 =	vmul.f32 v46, v41;
	v44 =	vtrunc.f32 v44;
	s20 =	sadd.s32 $0x40, s20;
	s24 =	smov.u32 s23;
	s23 =	sadd.s32 $0x1, s23  }
0x2b: {  	v44 =	vcvt.f32.s32 v44;
	v45 =	vtrunc.f32 v45  }
0x2c: {  	v43 =	vtrunc.f32 v43;
	v45 =	vcvt.f32.s32 v45  }
0x2d: {  	v43 =	vcvt.f32.s32 v43;
	v46 =	vtrunc.f32 v46;
	vm0 =	vgt.s32 v44, $0x0  }
0x2e: {  	v46 =	vcvt.f32.s32 v46;
	v44 =	vnsel vm0, $0x0, v44;
	vm0 =	vgt.s32 v45, $0x0  }
0x2f: {  	vm1 =	vgt.s32 v43, $0x0;
	v44 =	vmin.u32 v44, $0x3F;
	v45 =	vnsel vm0, $0x0, v45  }
0x30: {  	v43 =	vnsel vm1, $0x0, v43;
	vm0 =	vgt.s32 v46, $0x0;
	[tilespmem:s22+$0xFFFFFFF0] =	vst v44;
	v44 =	vmin.u32 v45, $0x3F  }
0x31: {  	v43 =	vmin.u32 v43, $0x3F;
	v45 =	vnsel vm0, $0x0, v46;
	[tilespmem:s22+$0x10] =	vst v44  }
0x32: {  	v44 =	vmin.u32 v45, $0x3F;
	[tilespmem:s22+$0x0] =	vst v43  }
0x33: {  	s21 =	simm.s32 $0x0;
	[tilespmem:s22+$0xFFFFFFE0] =	vst v44;
	s22 =	smov.u32 s20  }
0x34: {  	v42 =	vld.idx.msk [tilespmem:v42+s21+$0x0], $0xffff;
	_ =	sdelay $0x5  }
.Ltmp0:
0x35: {  	v43 =	vsub.f32 v42, v38;
	v44 =	vsub.f32 v42, v39;
	(pc) =	sbr.rel @p0 .LBB2_2-.Ltmp0, $4  }
0x36: {  	v45 =	vsub.f32 v42, v34;
	v42 =	vsub.f32 v42, v40  }
0x37: {  	v43 =	vand.u32 $0x7FFFFFFF, v43;
	v46 =	vand.u32 $0x7FFFFFFF, v44  }
0x38: {  	v47 =	vand.u32 $0x7FFFFFFF, v42;
	v44 =	vmul.f32 v43, v37;
	v43 =	vmul.f32 v46, v36  }
0x39: {  	v42 =	vmov s24;
	v46 =	vand.u32 $0x7FFFFFFF, v45;
	v45 =	vmul.f32 v47, v35  }
0x3a: {  	v46 =	vmul.f32 v46, v41;
	v44 =	vtrunc.f32 v44  }
0x3b: {  	v43 =	vtrunc.f32 v43;
	v44 =	vcvt.f32.s32 v44  }
0x3c: {  	v45 =	vtrunc.f32 v45;
	v43 =	vcvt.f32.s32 v43  }
0x3d: {  	v45 =	vcvt.f32.s32 v45;
	v46 =	vtrunc.f32 v46;
	vm0 =	vgt.s32 v44, $0x0  }
0x3e: {  	v46 =	vcvt.f32.s32 v46;
	vm1 =	vgt.s32 v43, $0x0;
	v44 =	vnsel vm0, $0x0, v44  }
0x3f: {  	vm10 =	vgt.s32 v45, $0x0;
	v43 =	vnsel vm1, $0x0, v43;
	v44 =	vmin.u32 v44, $0x3F  }
0x40: {  	v45 =	vnsel vm10, $0x0, v45;
	vm11 =	vgt.s32 v46, $0x0;
	v43 =	vmin.u32 v43, $0x3F;
	[tilespmem:s22+$0xFFFFFFF0] =	vst v44  }
0x41: {  	v60 =	vmin.u32 v45, $0x3F;
	v61 =	vnsel vm11, $0x0, v46;
	[tilespmem:s22+$0x0] =	vst v43  }
0x42: {  	[tilespmem:s22+$0x10] =	vst v60;
	v62 =	vmin.u32 v61, $0x3F  }
0x43: {  	[tilespmem:s22+$0xFFFFFFE0] =	vst v62  }
0x44: {  	v42 =	vld.idx.msk [tilespmem:v42+s21+$0x0], $0xffff;
	_ =	sdelay $0x4  }
0x45: {  	v38 =	vsub.f32 v42, v38  }
0x46: {  	v39 =	vsub.f32 v42, v39;
	v40 =	vsub.f32 v42, v40  }
0x47: {  	v34 =	vsub.f32 v42, v34;
	v38 =	vand.u32 $0x7FFFFFFF, v38  }
0x48: {  	v39 =	vand.u32 $0x7FFFFFFF, v39;
	v63 =	vand.u32 $0x7FFFFFFF, v40;
	v37 =	vmul.f32 v38, v37  }
0x49: {  	v34 =	vand.u32 $0x7FFFFFFF, v34;
	v36 =	vmul.f32 v39, v36;
	v35 =	vmul.f32 v63, v35  }
0x4a: {  	v34 =	vmul.f32 v34, v41;
	v37 =	vtrunc.f32 v37  }
0x4b: {  	v35 =	vtrunc.f32 v35;
	v37 =	vcvt.f32.s32 v37  }
0x4c: {  	v36 =	vtrunc.f32 v36;
	v35 =	vcvt.f32.s32 v35  }
0x4d: {  	v34 =	vtrunc.f32 v34;
	v36 =	vcvt.f32.s32 v36;
	vm12 =	vgt.s32 v37, $0x0  }
0x4e: {  	p1 =	por $0x1, $0x1;
	v34 =	vcvt.f32.s32 v34;
	vm13 =	vgt.s32 v35, $0x0;
	v37 =	vnsel vm12, $0x0, v37  }
.Ltmp1:
0x4f: {  	s20 =	sadd.s32 $0x40, s20;
	vm14 =	vgt.s32 v36, $0x0;
	v35 =	vnsel vm13, $0x0, v35;
	v37 =	vmin.u32 v37, $0x3F;
	(pc) =	sbr.rel @!p1 .LBB2_4-.Ltmp1, $4  }
0x50: {  	vm15 =	vgt.s32 v34, $0x0;
	v36 =	vnsel vm14, $0x0, v36;
	v35 =	vmin.u32 v35, $0x3F;
	[tilespmem:s20+$0xFFFFFFF0] =	vst v37  }
0x51: {  	v34 =	vnsel vm15, $0x0, v34;
	v36 =	vmin.u32 v36, $0x3F;
	[tilespmem:s20+$0x10] =	vst v35  }
0x52: {  	s23 =	sand.u32 $0x3800, s21;
	v34 =	vmin.u32 v34, $0x3F;
	[tilespmem:s20+$0x0] =	vst v36  }
0x53: {  	s24 =	sand.u32 $0x380, s21;
	p0 =	por $0x0, $0x0;
	s22 =	simm.s32 $0x100;
	[tilespmem:s20+$0xFFFFFFE0] =	vst v34  }
0x54: {  	s20 =	sor.u32 s24, s23  }
0x55: {  	[tilespmem:s20+$0x8670] =	vst v1  }
0x56: {  	[tilespmem:s20+$0x4200] =	vst v1  }
0x57: {  	[tilespmem:s20+$0x4210] =	vst v1  }
0x58: {  	[tilespmem:s20+$0x4220] =	vst v1  }
0x59: {  	[tilespmem:s20+$0x4230] =	vst v1  }
0x5a: {  	[tilespmem:s20+$0x4240] =	vst v1  }
0x5b: {  	[tilespmem:s20+$0x4250] =	vst v1  }
0x5c: {  	[tilespmem:s20+$0x4260] =	vst v1  }
0x5d: {  	[tilespmem:s20+$0x4270] =	vst v1  }
0x5e: {  	[tilespmem:s20+$0x4600] =	vst v1  }
0x5f: {  	[tilespmem:s20+$0x4610] =	vst v1  }
0x60: {  	[tilespmem:s20+$0x4620] =	vst v1  }
0x61: {  	[tilespmem:s20+$0x4630] =	vst v1  }
0x62: {  	[tilespmem:s20+$0x4640] =	vst v1  }
0x63: {  	[tilespmem:s20+$0x4650] =	vst v1  }
0x64: {  	[tilespmem:s20+$0x4660] =	vst v1  }
0x65: {  	[tilespmem:s20+$0x4670] =	vst v1  }
0x66: {  	[tilespmem:s20+$0x8200] =	vst v1  }
0x67: {  	[tilespmem:s20+$0x8210] =	vst v1  }
0x68: {  	[tilespmem:s20+$0x8220] =	vst v1  }
0x69: {  	[tilespmem:s20+$0x8230] =	vst v1  }
0x6a: {  	[tilespmem:s20+$0x8240] =	vst v1  }
0x6b: {  	[tilespmem:s20+$0x8250] =	vst v1  }
0x6c: {  	[tilespmem:s20+$0x8260] =	vst v1  }
0x6d: {  	[tilespmem:s20+$0x8270] =	vst v1  }
0x6e: {  	p1 =	por $0x1, $0x1;
	[tilespmem:s20+$0x8600] =	vst v1  }
.Ltmp2:
0x6f: {  	[tilespmem:s20+$0x8610] =	vst v1;
	(pc) =	sbr.rel @!p1 .LBB2_7-.Ltmp2, $4  }
0x70: {  	[tilespmem:s20+$0x8620] =	vst v1  }
0x71: {  	[tilespmem:s20+$0x8630] =	vst v1  }
0x72: {  	s21 =	simm.s32 $0x80;
	s23 =	sand.u32 $0x3800, s22;
	[tilespmem:s20+$0x8640] =	vst v1  }
0x73: {  	s22 =	simm.s32 $0x200;
	p0 =	por $0x1, $0x1;
	s24 =	sand.u32 $0x380, s21;
	[tilespmem:s20+$0x8650] =	vst v1  }
.LBB2_6:
0x74: {  	p1 =	sne.s32 s22, $0x3F00;
	[tilespmem:s20+$0x8660] =	vst v1;
	s20 =	sor.u32 s24, s23  }
0x75: {  	[tilespmem:s20+$0x8670] =	vst v1  }
0x76: {  	[tilespmem:s20+$0x4200] =	vst v1  }
0x77: {  	[tilespmem:s20+$0x4210] =	vst v1  }
0x78: {  	[tilespmem:s20+$0x4220] =	vst v1  }
0x79: {  	[tilespmem:s20+$0x4230] =	vst v1  }
0x7a: {  	[tilespmem:s20+$0x4240] =	vst v1  }
0x7b: {  	[tilespmem:s20+$0x4250] =	vst v1  }
0x7c: {  	[tilespmem:s20+$0x4260] =	vst v1  }
0x7d: {  	[tilespmem:s20+$0x4270] =	vst v1  }
0x7e: {  	[tilespmem:s20+$0x4600] =	vst v1  }
0x7f: {  	[tilespmem:s20+$0x4610] =	vst v1  }
0x80: {  	[tilespmem:s20+$0x4620] =	vst v1  }
0x81: {  	[tilespmem:s20+$0x4630] =	vst v1  }
0x82: {  	[tilespmem:s20+$0x4640] =	vst v1  }
0x83: {  	[tilespmem:s20+$0x4650] =	vst v1  }
0x84: {  	[tilespmem:s20+$0x4660] =	vst v1  }
0x85: {  	[tilespmem:s20+$0x4670] =	vst v1  }
0x86: {  	[tilespmem:s20+$0x8200] =	vst v1  }
0x87: {  	[tilespmem:s20+$0x8210] =	vst v1  }
0x88: {  	[tilespmem:s20+$0x8220] =	vst v1  }
0x89: {  	[tilespmem:s20+$0x8230] =	vst v1  }
0x8a: {  	[tilespmem:s20+$0x8240] =	vst v1  }
0x8b: {  	[tilespmem:s20+$0x8250] =	vst v1  }
0x8c: {  	[tilespmem:s20+$0x8260] =	vst v1  }
0x8d: {  	[tilespmem:s20+$0x8270] =	vst v1  }
0x8e: {  	[tilespmem:s20+$0x8600] =	vst v1  }
.Ltmp3:
0x8f: {  	[tilespmem:s20+$0x8610] =	vst v1;
	(pc) =	sbr.rel @p1 .LBB2_6-.Ltmp3, $4  }
0x90: {  	[tilespmem:s20+$0x8620] =	vst v1  }
0x91: {  	[tilespmem:s20+$0x8630] =	vst v1  }
0x92: {  	s21 =	sadd.s32 $0x80, s21;
	[tilespmem:s20+$0x8640] =	vst v1  }
0x93: {  	s23 =	sand.u32 $0x3800, s22;
	s22 =	sadd.s32 $0x100, s22;
	s24 =	sand.u32 $0x380, s21;
	[tilespmem:s20+$0x8650] =	vst v1  }
.LBB2_7:
0x94: {  	s21 =	sor.u32 s24, s23;
	[tilespmem:s20+$0x8660] =	vst @p0 v1  }
0x95: {  	[tilespmem:s21+$0x8670] =	vst v1  }
0x96: {  	[tilespmem:s21+$0x4200] =	vst v1  }
0x97: {  	[tilespmem:s21+$0x4210] =	vst v1  }
0x98: {  	[tilespmem:s21+$0x4220] =	vst v1  }
0x99: {  	[tilespmem:s21+$0x4230] =	vst v1  }
0x9a: {  	[tilespmem:s21+$0x4240] =	vst v1  }
0x9b: {  	[tilespmem:s21+$0x4250] =	vst v1  }
0x9c: {  	[tilespmem:s21+$0x4260] =	vst v1  }
0x9d: {  	[tilespmem:s21+$0x4270] =	vst v1  }
0x9e: {  	[tilespmem:s21+$0x4600] =	vst v1  }
0x9f: {  	[tilespmem:s21+$0x4610] =	vst v1  }
0xa0: {  	[tilespmem:s21+$0x4620] =	vst v1  }
0xa1: {  	[tilespmem:s21+$0x4630] =	vst v1  }
0xa2: {  	[tilespmem:s21+$0x4640] =	vst v1  }
0xa3: {  	[tilespmem:s21+$0x4650] =	vst v1  }
0xa4: {  	[tilespmem:s21+$0x4660] =	vst v1  }
0xa5: {  	[tilespmem:s21+$0x4670] =	vst v1  }
0xa6: {  	[tilespmem:s21+$0x8200] =	vst v1  }
0xa7: {  	[tilespmem:s21+$0x8210] =	vst v1  }
0xa8: {  	[tilespmem:s21+$0x8220] =	vst v1  }
0xa9: {  	[tilespmem:s21+$0x8230] =	vst v1  }
0xaa: {  	[tilespmem:s21+$0x8240] =	vst v1  }
0xab: {  	[tilespmem:s21+$0x8250] =	vst v1  }
0xac: {  	[tilespmem:s21+$0x8260] =	vst v1  }
0xad: {  	[tilespmem:s21+$0x8270] =	vst v1  }
0xae: {  	[tilespmem:s21+$0x8600] =	vst v1  }
0xaf: {  	[tilespmem:s21+$0x8610] =	vst v1  }
0xb0: {  	[tilespmem:s21+$0x8620] =	vst v1  }
0xb1: {  	[tilespmem:s21+$0x8630] =	vst v1  }
0xb2: {  	[tilespmem:s21+$0x8640] =	vst v1  }
0xb3: {  	[tilespmem:s21+$0x8650] =	vst v1  }
0xb4: {  	[tilespmem:s21+$0x8660] =	vst v1  }
0xb5: {  	v34 =	vld [tilespmem:$0x200];
	_ =	sdelay $0x4  }
0xb6: {  	v35 =	vshll.u32 v34, $0x8;
	v34 =	vshll.u32 v34, $0x7  }
0xb7: {  	v35 =	vand.u32 $0xFFFFF800, v35;
	v34 =	vand.u32 $0x380, v34  }
0xb8: {  	v34 =	vor.u32 v35, v34  }
0xb9: {  	v34 =	vor.u32 v0, v34;
	_ =	sdelay $0x4  }
0xba: {  	[tilespmem:v34+s13+$0x0] =	vst.idx.msk $0xffff, v2  }
0xbb: {  	v34 =	vld [tilespmem:$0x210];
	_ =	sdelay $0x4  }
0xbc: {  	v61 =	vshll.u32 v34, $0x8;
	v34 =	vshll.u32 v34, $0x7  }
0xbd: {  	v35 =	vand.u32 $0xFFFFF800, v61;
	v34 =	vand.u32 $0x380, v34  }
0xbe: {  	v34 =	vor.u32 v35, v34  }
0xbf: {  	v34 =	vor.u32 v3, v34;
	_ =	sdelay $0x4  }
0xc0: {  	[tilespmem:v34+s13+$0x0] =	vst.idx.msk $0xffff, v2  }
0xc1: {  	v34 =	vld [tilespmem:$0x220];
	_ =	sdelay $0x4  }
0xc2: {  	v62 =	vshll.u32 v34, $0x8;
	v34 =	vshll.u32 v34, $0x7  }
0xc3: {  	v35 =	vand.u32 $0xFFFFF800, v62;
	v34 =	vand.u32 $0x380, v34  }
0xc4: {  	v34 =	vor.u32 v35, v34  }
0xc5: {  	v34 =	vor.u32 v4, v34;
	_ =	sdelay $0x4  }
0xc6: {  	[tilespmem:v34+s13+$0x0] =	vst.idx.msk $0xffff, v2  }
0xc7: {  	v34 =	vld [tilespmem:$0x230];
	_ =	sdelay $0x4  }
0xc8: {  	v63 =	vshll.u32 v34, $0x8;
	v34 =	vshll.u32 v34, $0x7  }
0xc9: {  	v35 =	vand.u32 $0xFFFFF800, v63;
	v34 =	vand.u32 $0x380, v34  }
0xca: {  	v34 =	vor.u32 v35, v34  }
0xcb: {  	v34 =	vor.u32 v5, v34;
	_ =	sdelay $0x4  }
0xcc: {  	[tilespmem:v34+s13+$0x0] =	vst.idx.msk $0xffff, v2  }
0xcd: {  	v34 =	vld [tilespmem:$0x240];
	_ =	sdelay $0x4  }
0xce: {  	v36 =	vshll.u32 v34, $0x8;
	v34 =	vshll.u32 v34, $0x7  }
0xcf: {  	v35 =	vand.u32 $0xFFFFF800, v36;
	v34 =	vand.u32 $0x380, v34  }
0xd0: {  	v34 =	vor.u32 v35, v34  }
0xd1: {  	v34 =	vor.u32 v6, v34;
	_ =	sdelay $0x4  }
0xd2: {  	[tilespmem:v34+s13+$0x0] =	vst.idx.msk $0xffff, v2  }
0xd3: {  	v34 =	vld [tilespmem:$0x250];
	_ =	sdelay $0x4  }
0xd4: {  	v37 =	vshll.u32 v34, $0x8;
	v34 =	vshll.u32 v34, $0x7  }
0xd5: {  	v35 =	vand.u32 $0xFFFFF800, v37;
	v34 =	vand.u32 $0x380, v34  }
0xd6: {  	v34 =	vor.u32 v35, v34  }
0xd7: {  	v34 =	vor.u32 v7, v34;
	_ =	sdelay $0x4  }
0xd8: {  	[tilespmem:v34+s13+$0x0] =	vst.idx.msk $0xffff, v2  }
0xd9: {  	v34 =	vld [tilespmem:$0x260];
	_ =	sdelay $0x4  }
0xda: {  	v38 =	vshll.u32 v34, $0x8;
	v34 =	vshll.u32 v34, $0x7  }
0xdb: {  	v35 =	vand.u32 $0xFFFFF800, v38;
	v34 =	vand.u32 $0x380, v34  }
0xdc: {  	v34 =	vor.u32 v35, v34  }
0xdd: {  	v34 =	vor.u32 v8, v34;
	_ =	sdelay $0x4  }
0xde: {  	[tilespmem:v34+s13+$0x0] =	vst.idx.msk $0xffff, v2  }
0xdf: {  	v34 =	vld [tilespmem:$0x270];
	_ =	sdelay $0x4  }
0xe0: {  	v39 =	vshll.u32 v34, $0x8;
	v34 =	vshll.u32 v34, $0x7  }
0xe1: {  	v35 =	vand.u32 $0xFFFFF800, v39;
	v34 =	vand.u32 $0x380, v34  }
0xe2: {  	v34 =	vor.u32 v35, v34  }
0xe3: {  	v34 =	vor.u32 v9, v34;
	_ =	sdelay $0x4  }
0xe4: {  	[tilespmem:v34+s13+$0x0] =	vst.idx.msk $0xffff, v2  }
0xe5: {  	v34 =	vld [tilespmem:$0x280];
	_ =	sdelay $0x4  }
0xe6: {  	v40 =	vshll.u32 v34, $0x8;
	v34 =	vshll.u32 v34, $0x7  }
0xe7: {  	v35 =	vand.u32 $0xFFFFF800, v40;
	v34 =	vand.u32 $0x380, v34  }
0xe8: {  	v34 =	vor.u32 v34, v35  }
0xe9: {  	v34 =	vor.u32 v10, v34;
	_ =	sdelay $0x4  }
0xea: {  	[tilespmem:v34+s13+$0x0] =	vst.idx.msk $0xffff, v2  }
0xeb: {  	v34 =	vld [tilespmem:$0x290];
	_ =	sdelay $0x4  }
0xec: {  	v41 =	vshll.u32 v34, $0x8;
	v34 =	vshll.u32 v34, $0x7  }
0xed: {  	v35 =	vand.u32 $0xFFFFF800, v41;
	v34 =	vand.u32 $0x380, v34  }
0xee: {  	v34 =	vor.u32 v34, v35  }
0xef: {  	v34 =	vor.u32 v11, v34;
	_ =	sdelay $0x4  }
0xf0: {  	[tilespmem:v34+s13+$0x0] =	vst.idx.msk $0xffff, v2  }
0xf1: {  	v34 =	vld [tilespmem:$0x2A0];
	_ =	sdelay $0x4  }
0xf2: {  	v42 =	vshll.u32 v34, $0x8;
	v34 =	vshll.u32 v34, $0x7  }
0xf3: {  	v35 =	vand.u32 $0xFFFFF800, v42;
	v34 =	vand.u32 $0x380, v34  }
0xf4: {  	v34 =	vor.u32 v34, v35  }
0xf5: {  	v34 =	vor.u32 v12, v34;
	_ =	sdelay $0x4  }
0xf6: {  	[tilespmem:v34+s13+$0x0] =	vst.idx.msk $0xffff, v2  }
0xf7: {  	v34 =	vld [tilespmem:$0x2B0];
	_ =	sdelay $0x4  }
0xf8: {  	v43 =	vshll.u32 v34, $0x8;
	v34 =	vshll.u32 v34, $0x7  }
0xf9: {  	v35 =	vand.u32 $0xFFFFF800, v43;
	v34 =	vand.u32 $0x380, v34  }
0xfa: {  	v34 =	vor.u32 v34, v35  }
0xfb: {  	v34 =	vor.u32 v13, v34;
	_ =	sdelay $0x4  }
0xfc: {  	[tilespmem:v34+s13+$0x0] =	vst.idx.msk $0xffff, v2  }
0xfd: {  	v34 =	vld [tilespmem:$0x2C0];
	_ =	sdelay $0x4  }
0xfe: {  	v44 =	vshll.u32 v34, $0x8;
	v34 =	vshll.u32 v34, $0x7  }
0xff: {  	v35 =	vand.u32 $0xFFFFF800, v44;
	v34 =	vand.u32 $0x380, v34  }
0x100: {  	v34 =	vor.u32 v34, v35  }
0x101: {  	v34 =	vor.u32 v14, v34;
	_ =	sdelay $0x4  }
0x102: {  	[tilespmem:v34+s13+$0x0] =	vst.idx.msk $0xffff, v2  }
0x103: {  	v34 =	vld [tilespmem:$0x2D0];
	_ =	sdelay $0x4  }
0x104: {  	v45 =	vshll.u32 v34, $0x8;
	v34 =	vshll.u32 v34, $0x7  }
0x105: {  	v35 =	vand.u32 $0xFFFFF800, v45;
	v34 =	vand.u32 $0x380, v34  }
0x106: {  	v34 =	vor.u32 v34, v35  }
0x107: {  	v34 =	vor.u32 v15, v34;
	_ =	sdelay $0x4  }
0x108: {  	[tilespmem:v34+s13+$0x0] =	vst.idx.msk $0xffff, v2  }
0x109: {  	v34 =	vld [tilespmem:$0x2E0];
	_ =	sdelay $0x4  }
0x10a: {  	v46 =	vshll.u32 v34, $0x8;
	v34 =	vshll.u32 v34, $0x7  }
0x10b: {  	v35 =	vand.u32 $0xFFFFF800, v46;
	v34 =	vand.u32 $0x380, v34  }
0x10c: {  	v34 =	vor.u32 v34, v35  }
0x10d: {  	v34 =	vor.u32 v16, v34;
	_ =	sdelay $0x4  }
0x10e: {  	[tilespmem:v34+s13+$0x0] =	vst.idx.msk $0xffff, v2  }
0x10f: {  	v34 =	vld [tilespmem:$0x2F0];
	_ =	sdelay $0x4  }
0x110: {  	v47 =	vshll.u32 v34, $0x8;
	v34 =	vshll.u32 v34, $0x7  }
0x111: {  	v35 =	vand.u32 $0xFFFFF800, v47;
	v34 =	vand.u32 $0x380, v34  }
0x112: {  	v34 =	vor.u32 v34, v35  }
0x113: {  	v34 =	vor.u32 v17, v34;
	_ =	sdelay $0x4  }
0x114: {  	[tilespmem:v34+s13+$0x0] =	vst.idx.msk $0xffff, v2  }
0x115: {  	[hbm4b:s6+s14] =	stream.strided.scatter [tilespmem:s13], [sflag:$0x1], $0x4000, s15, s14, $0x38;
	[tilespmem:$0xC200] =	vst v63  }
0x116: {  	v34 =	vld [tilespmem:$0x300];
	_ =	sdelay $0x4  }
0x117: {  	v48 =	vshll.u32 v34, $0x8;
	v34 =	vshll.u32 v34, $0x7  }
0x118: {  	v35 =	vand.u32 $0xFFFFF800, v48;
	v34 =	vand.u32 $0x380, v34  }
0x119: {  	v34 =	vor.u32 v34, v35  }
0x11a: {  	v34 =	vadd.s32 v18, v34;
	_ =	sdelay $0x4  }
0x11b: {  	[tilespmem:v34+s13+$0x0] =	vst.idx.msk $0xffff, v2  }
0x11c: {  	v34 =	vld [tilespmem:$0x310];
	_ =	sdelay $0x4  }
0x11d: {  	v49 =	vshll.u32 v34, $0x8;
	v34 =	vshll.u32 v34, $0x7  }
0x11e: {  	v35 =	vand.u32 $0xFFFFF800, v49;
	v34 =	vand.u32 $0x380, v34  }
0x11f: {  	v34 =	vor.u32 v34, v35  }
0x120: {  	v34 =	vadd.s32 v19, v34;
	_ =	sdelay $0x4  }
0x121: {  	[tilespmem:v34+s13+$0x0] =	vst.idx.msk $0xffff, v2  }
0x122: {  	v34 =	vld [tilespmem:$0x320];
	_ =	sdelay $0x4  }
0x123: {  	v50 =	vshll.u32 v34, $0x8;
	v34 =	vshll.u32 v34, $0x7  }
0x124: {  	v35 =	vand.u32 $0xFFFFF800, v50;
	v34 =	vand.u32 $0x380, v34  }
0x125: {  	v34 =	vor.u32 v34, v35  }
0x126: {  	v34 =	vadd.s32 v20, v34;
	_ =	sdelay $0x4  }
0x127: {  	[tilespmem:v34+s13+$0x0] =	vst.idx.msk $0xffff, v2  }
0x128: {  	v34 =	vld [tilespmem:$0x330];
	_ =	sdelay $0x4  }
0x129: {  	v51 =	vshll.u32 v34, $0x8;
	v34 =	vshll.u32 v34, $0x7  }
0x12a: {  	v35 =	vand.u32 $0xFFFFF800, v51;
	v34 =	vand.u32 $0x380, v34  }
0x12b: {  	v34 =	vor.u32 v34, v35  }
0x12c: {  	v34 =	vadd.s32 v21, v34;
	_ =	sdelay $0x4  }
0x12d: {  	[tilespmem:v34+s13+$0x0] =	vst.idx.msk $0xffff, v2  }
0x12e: {  	v34 =	vld [tilespmem:$0x340];
	_ =	sdelay $0x4  }
0x12f: {  	v52 =	vshll.u32 v34, $0x8;
	v34 =	vshll.u32 v34, $0x7  }
0x130: {  	v35 =	vand.u32 $0xFFFFF800, v52;
	v34 =	vand.u32 $0x380, v34  }
0x131: {  	v34 =	vor.u32 v34, v35  }
0x132: {  	v34 =	vadd.s32 v22, v34;
	_ =	sdelay $0x4  }
0x133: {  	[tilespmem:v34+s13+$0x0] =	vst.idx.msk $0xffff, v2  }
0x134: {  	v34 =	vld [tilespmem:$0x350];
	_ =	sdelay $0x4  }
0x135: {  	v53 =	vshll.u32 v34, $0x8;
	v34 =	vshll.u32 v34, $0x7  }
0x136: {  	v35 =	vand.u32 $0xFFFFF800, v53;
	v34 =	vand.u32 $0x380, v34  }
0x137: {  	v34 =	vor.u32 v34, v35  }
0x138: {  	v34 =	vadd.s32 v23, v34;
	_ =	sdelay $0x4  }
0x139: {  	[tilespmem:v34+s13+$0x0] =	vst.idx.msk $0xffff, v2  }
0x13a: {  	v34 =	vld [tilespmem:$0x360];
	_ =	sdelay $0x4  }
0x13b: {  	v54 =	vshll.u32 v34, $0x8;
	v34 =	vshll.u32 v34, $0x7  }
0x13c: {  	v35 =	vand.u32 $0xFFFFF800, v54;
	v34 =	vand.u32 $0x380, v34  }
0x13d: {  	v34 =	vor.u32 v34, v35  }
0x13e: {  	v34 =	vadd.s32 v24, v34;
	_ =	sdelay $0x4  }
0x13f: {  	[tilespmem:v34+s13+$0x0] =	vst.idx.msk $0xffff, v2  }
0x140: {  	v34 =	vld [tilespmem:$0x370];
	_ =	sdelay $0x4  }
0x141: {  	v55 =	vshll.u32 v34, $0x8;
	v34 =	vshll.u32 v34, $0x7  }
0x142: {  	v35 =	vand.u32 $0xFFFFF800, v55;
	v34 =	vand.u32 $0x380, v34  }
0x143: {  	v34 =	vor.u32 v34, v35  }
0x144: {  	v34 =	vadd.s32 v25, v34;
	_ =	sdelay $0x4  }
0x145: {  	[tilespmem:v34+s13+$0x0] =	vst.idx.msk $0xffff, v2  }
0x146: {  	v34 =	vld [tilespmem:$0x380];
	_ =	sdelay $0x4  }
0x147: {  	v56 =	vshll.u32 v34, $0x8;
	v34 =	vshll.u32 v34, $0x7  }
0x148: {  	v35 =	vand.u32 $0xFFFFF800, v56;
	v34 =	vand.u32 $0x380, v34  }
0x149: {  	v34 =	vor.u32 v34, v35  }
0x14a: {  	v34 =	vadd.s32 v26, v34;
	_ =	sdelay $0x4  }
0x14b: {  	[tilespmem:v34+s13+$0x0] =	vst.idx.msk $0xffff, v2  }
0x14c: {  	v34 =	vld [tilespmem:$0x390];
	_ =	sdelay $0x4  }
0x14d: {  	v57 =	vshll.u32 v34, $0x8;
	v34 =	vshll.u32 v34, $0x7  }
0x14e: {  	v35 =	vand.u32 $0xFFFFF800, v57;
	v34 =	vand.u32 $0x380, v34  }
0x14f: {  	v34 =	vor.u32 v34, v35  }
0x150: {  	v34 =	vadd.s32 v27, v34;
	_ =	sdelay $0x4  }
0x151: {  	[tilespmem:v34+s13+$0x0] =	vst.idx.msk $0xffff, v2  }
0x152: {  	v34 =	vld [tilespmem:$0x3A0];
	_ =	sdelay $0x4  }
0x153: {  	v58 =	vshll.u32 v34, $0x8;
	v34 =	vshll.u32 v34, $0x7  }
0x154: {  	v35 =	vand.u32 $0xFFFFF800, v58;
	v34 =	vand.u32 $0x380, v34  }
0x155: {  	v34 =	vor.u32 v34, v35  }
0x156: {  	v34 =	vadd.s32 v28, v34;
	_ =	sdelay $0x4  }
0x157: {  	[tilespmem:v34+s13+$0x0] =	vst.idx.msk $0xffff, v2  }
0x158: {  	v34 =	vld [tilespmem:$0x3B0];
	_ =	sdelay $0x4  }
0x159: {  	v59 =	vshll.u32 v34, $0x8;
	v34 =	vshll.u32 v34, $0x7  }
0x15a: {  	v35 =	vand.u32 $0xFFFFF800, v59;
	v34 =	vand.u32 $0x380, v34  }
0x15b: {  	v34 =	vor.u32 v34, v35  }
0x15c: {  	v34 =	vadd.s32 v29, v34;
	_ =	sdelay $0x4  }
0x15d: {  	[tilespmem:v34+s13+$0x0] =	vst.idx.msk $0xffff, v2  }
0x15e: {  	v34 =	vld [tilespmem:$0x3C0];
	_ =	sdelay $0x4  }
0x15f: {  	v60 =	vshll.u32 v34, $0x8;
	v34 =	vshll.u32 v34, $0x7  }
0x160: {  	v35 =	vand.u32 $0xFFFFF800, v60;
	v34 =	vand.u32 $0x380, v34  }
0x161: {  	v34 =	vor.u32 v34, v35  }
0x162: {  	v34 =	vadd.s32 v30, v34;
	_ =	sdelay $0x4  }
0x163: {  	[tilespmem:v34+s13+$0x0] =	vst.idx.msk $0xffff, v2  }
0x164: {  	v34 =	vld [tilespmem:$0x3D0];
	_ =	sdelay $0x4  }
0x165: {  	v61 =	vshll.u32 v34, $0x8;
	v34 =	vshll.u32 v34, $0x7  }
0x166: {  	v35 =	vand.u32 $0xFFFFF800, v61;
	v34 =	vand.u32 $0x380, v34  }
0x167: {  	v34 =	vor.u32 v34, v35  }
0x168: {  	v34 =	vadd.s32 v31, v34;
	_ =	sdelay $0x4  }
0x169: {  	[tilespmem:v34+s13+$0x0] =	vst.idx.msk $0xffff, v2  }
0x16a: {  	v34 =	vld [tilespmem:$0x3E0];
	_ =	sdelay $0x4  }
0x16b: {  	v62 =	vshll.u32 v34, $0x8;
	v34 =	vshll.u32 v34, $0x7  }
0x16c: {  	v35 =	vand.u32 $0xFFFFF800, v62;
	v34 =	vand.u32 $0x380, v34  }
0x16d: {  	v34 =	vor.u32 v34, v35  }
0x16e: {  	v34 =	vadd.s32 v32, v34;
	_ =	sdelay $0x4  }
0x16f: {  	[tilespmem:v34+s13+$0x0] =	vst.idx.msk $0xffff, v2  }
0x170: {  	v34 =	vld [tilespmem:$0x3F0];
	_ =	sdelay $0x4  }
0x171: {  	v63 =	vshll.u32 v34, $0x8;
	v34 =	vshll.u32 v34, $0x7  }
0x172: {  	v35 =	vand.u32 $0xFFFFF800, v63;
	v34 =	vand.u32 $0x380, v34  }
0x173: {  	v34 =	vor.u32 v34, v35  }
0x174: {  	v34 =	vadd.s32 v33, v34;
	_ =	sdelay $0x4  }
0x175: {  	s20 =	simm.s32 $0xFFFFC200;
	s21 =	simm.s32 $0x400;
	[tilespmem:v34+s13+$0x0] =	vst.idx.msk $0xffff, v2  }
0x176: {  	[hbm4b:s7+s14] =	stream.strided.scatter [tilespmem:s16], [sflag:$0x2], $0x4000, s15, s14, $0x38;
	[tilespmem:$0xC200] =	vst v63  }
.LBB2_8:
0x177: {  	_ =	swait.ge [sflag:s17], $0x4000  }
0x178: {  	[sflag:s17] =	ssyncset.done $0x0  }
0x179: {  	[sflag:s17] =	ssyncadd.s32 $0xFFFFC000  }
0x17a: {  	v34 =	vld [tilespmem:s21+$0xFFFFFE00];
	_ =	sdelay $0x4  }
0x17b: {  	v35 =	vshll.u32 v34, $0x8;
	v34 =	vshll.u32 v34, $0x7  }
0x17c: {  	v35 =	vand.u32 $0xFFFFF800, v35;
	v34 =	vand.u32 $0x380, v34  }
0x17d: {  	v34 =	vor.u32 v35, v34  }
0x17e: {  	v34 =	vor.u32 v0, v34;
	_ =	sdelay $0x4  }
0x17f: {  	[tilespmem:v34+s13+$0x0] =	vst.idx.msk $0xffff, v1  }
0x180: {  	v34 =	vld [tilespmem:s21+$0xFFFFFE10];
	_ =	sdelay $0x4  }
0x181: {  	v56 =	vshll.u32 v34, $0x8;
	v34 =	vshll.u32 v34, $0x7  }
0x182: {  	v35 =	vand.u32 $0xFFFFF800, v56;
	v34 =	vand.u32 $0x380, v34  }
0x183: {  	v34 =	vor.u32 v35, v34  }
0x184: {  	v34 =	vor.u32 v3, v34;
	_ =	sdelay $0x4  }
0x185: {  	[tilespmem:v34+s13+$0x0] =	vst.idx.msk $0xffff, v1  }
0x186: {  	v34 =	vld [tilespmem:s21+$0xFFFFFE20];
	_ =	sdelay $0x4  }
0x187: {  	v57 =	vshll.u32 v34, $0x8;
	v34 =	vshll.u32 v34, $0x7  }
0x188: {  	v35 =	vand.u32 $0xFFFFF800, v57;
	v34 =	vand.u32 $0x380, v34  }
0x189: {  	v34 =	vor.u32 v35, v34  }
0x18a: {  	v34 =	vor.u32 v4, v34;
	_ =	sdelay $0x4  }
0x18b: {  	[tilespmem:v34+s13+$0x0] =	vst.idx.msk $0xffff, v1  }
0x18c: {  	v34 =	vld [tilespmem:s21+$0xFFFFFE30];
	_ =	sdelay $0x4  }
0x18d: {  	v58 =	vshll.u32 v34, $0x8;
	v34 =	vshll.u32 v34, $0x7  }
0x18e: {  	v35 =	vand.u32 $0xFFFFF800, v58;
	v34 =	vand.u32 $0x380, v34  }
0x18f: {  	v34 =	vor.u32 v35, v34  }
0x190: {  	v34 =	vor.u32 v5, v34;
	_ =	sdelay $0x4  }
0x191: {  	[tilespmem:v34+s13+$0x0] =	vst.idx.msk $0xffff, v1  }
0x192: {  	v34 =	vld [tilespmem:s21+$0xFFFFFE40];
	_ =	sdelay $0x4  }
0x193: {  	v59 =	vshll.u32 v34, $0x8;
	v34 =	vshll.u32 v34, $0x7  }
0x194: {  	v35 =	vand.u32 $0xFFFFF800, v59;
	v34 =	vand.u32 $0x380, v34  }
0x195: {  	v34 =	vor.u32 v35, v34  }
0x196: {  	v34 =	vor.u32 v6, v34;
	_ =	sdelay $0x4  }
0x197: {  	[tilespmem:v34+s13+$0x0] =	vst.idx.msk $0xffff, v1  }
0x198: {  	v34 =	vld [tilespmem:s21+$0xFFFFFE50];
	_ =	sdelay $0x4  }
0x199: {  	v60 =	vshll.u32 v34, $0x8;
	v34 =	vshll.u32 v34, $0x7  }
0x19a: {  	v35 =	vand.u32 $0xFFFFF800, v60;
	v34 =	vand.u32 $0x380, v34  }
0x19b: {  	v34 =	vor.u32 v35, v34  }
0x19c: {  	v34 =	vor.u32 v7, v34;
	_ =	sdelay $0x4  }
0x19d: {  	[tilespmem:v34+s13+$0x0] =	vst.idx.msk $0xffff, v1  }
0x19e: {  	v34 =	vld [tilespmem:s21+$0xFFFFFE60];
	_ =	sdelay $0x4  }
0x19f: {  	v61 =	vshll.u32 v34, $0x8;
	v34 =	vshll.u32 v34, $0x7  }
0x1a0: {  	v35 =	vand.u32 $0xFFFFF800, v61;
	v34 =	vand.u32 $0x380, v34  }
0x1a1: {  	v34 =	vor.u32 v35, v34  }
0x1a2: {  	v34 =	vor.u32 v8, v34;
	_ =	sdelay $0x4  }
0x1a3: {  	[tilespmem:v34+s13+$0x0] =	vst.idx.msk $0xffff, v1  }
0x1a4: {  	v34 =	vld [tilespmem:s21+$0xFFFFFE70];
	_ =	sdelay $0x4  }
0x1a5: {  	v62 =	vshll.u32 v34, $0x8;
	v34 =	vshll.u32 v34, $0x7  }
0x1a6: {  	v35 =	vand.u32 $0xFFFFF800, v62;
	v34 =	vand.u32 $0x380, v34  }
0x1a7: {  	v34 =	vor.u32 v35, v34  }
0x1a8: {  	v34 =	vor.u32 v9, v34;
	_ =	sdelay $0x4  }
0x1a9: {  	[tilespmem:v34+s13+$0x0] =	vst.idx.msk $0xffff, v1  }
0x1aa: {  	v34 =	vld [tilespmem:s21+$0xFFFFFE80];
	_ =	sdelay $0x4  }
0x1ab: {  	v63 =	vshll.u32 v34, $0x8;
	v34 =	vshll.u32 v34, $0x7  }
0x1ac: {  	v35 =	vand.u32 $0xFFFFF800, v63;
	v34 =	vand.u32 $0x380, v34  }
0x1ad: {  	v34 =	vor.u32 v34, v35  }
0x1ae: {  	v34 =	vor.u32 v10, v34;
	_ =	sdelay $0x4  }
0x1af: {  	[tilespmem:v34+s13+$0x0] =	vst.idx.msk $0xffff, v1  }
0x1b0: {  	v34 =	vld [tilespmem:s21+$0xFFFFFE90];
	_ =	sdelay $0x4  }
0x1b1: {  	v36 =	vshll.u32 v34, $0x8;
	v34 =	vshll.u32 v34, $0x7  }
0x1b2: {  	v35 =	vand.u32 $0xFFFFF800, v36;
	v34 =	vand.u32 $0x380, v34  }
0x1b3: {  	v34 =	vor.u32 v34, v35  }
0x1b4: {  	v34 =	vor.u32 v11, v34;
	_ =	sdelay $0x4  }
0x1b5: {  	[tilespmem:v34+s13+$0x0] =	vst.idx.msk $0xffff, v1  }
0x1b6: {  	v34 =	vld [tilespmem:s21+$0xFFFFFEA0];
	_ =	sdelay $0x4  }
0x1b7: {  	v37 =	vshll.u32 v34, $0x8;
	v34 =	vshll.u32 v34, $0x7  }
0x1b8: {  	v35 =	vand.u32 $0xFFFFF800, v37;
	v34 =	vand.u32 $0x380, v34  }
0x1b9: {  	v34 =	vor.u32 v34, v35  }
0x1ba: {  	v34 =	vor.u32 v12, v34;
	_ =	sdelay $0x4  }
0x1bb: {  	[tilespmem:v34+s13+$0x0] =	vst.idx.msk $0xffff, v1  }
0x1bc: {  	v34 =	vld [tilespmem:s21+$0xFFFFFEB0];
	_ =	sdelay $0x4  }
0x1bd: {  	v38 =	vshll.u32 v34, $0x8;
	v34 =	vshll.u32 v34, $0x7  }
0x1be: {  	v35 =	vand.u32 $0xFFFFF800, v38;
	v34 =	vand.u32 $0x380, v34  }
0x1bf: {  	v34 =	vor.u32 v34, v35  }
0x1c0: {  	v34 =	vor.u32 v13, v34;
	_ =	sdelay $0x4  }
0x1c1: {  	[tilespmem:v34+s13+$0x0] =	vst.idx.msk $0xffff, v1  }
0x1c2: {  	v34 =	vld [tilespmem:s21+$0xFFFFFEC0];
	_ =	sdelay $0x4  }
0x1c3: {  	v39 =	vshll.u32 v34, $0x8;
	v34 =	vshll.u32 v34, $0x7  }
0x1c4: {  	v35 =	vand.u32 $0xFFFFF800, v39;
	v34 =	vand.u32 $0x380, v34  }
0x1c5: {  	v34 =	vor.u32 v34, v35  }
0x1c6: {  	v34 =	vor.u32 v14, v34;
	_ =	sdelay $0x4  }
0x1c7: {  	[tilespmem:v34+s13+$0x0] =	vst.idx.msk $0xffff, v1  }
0x1c8: {  	v34 =	vld [tilespmem:s21+$0xFFFFFED0];
	_ =	sdelay $0x4  }
0x1c9: {  	v40 =	vshll.u32 v34, $0x8;
	v34 =	vshll.u32 v34, $0x7  }
0x1ca: {  	v35 =	vand.u32 $0xFFFFF800, v40;
	v34 =	vand.u32 $0x380, v34  }
0x1cb: {  	v34 =	vor.u32 v34, v35  }
0x1cc: {  	v34 =	vor.u32 v15, v34;
	_ =	sdelay $0x4  }
0x1cd: {  	[tilespmem:v34+s13+$0x0] =	vst.idx.msk $0xffff, v1  }
0x1ce: {  	v34 =	vld [tilespmem:s21+$0xFFFFFEE0];
	_ =	sdelay $0x4  }
0x1cf: {  	v41 =	vshll.u32 v34, $0x8;
	v34 =	vshll.u32 v34, $0x7  }
0x1d0: {  	v35 =	vand.u32 $0xFFFFF800, v41;
	v34 =	vand.u32 $0x380, v34  }
0x1d1: {  	v34 =	vor.u32 v34, v35  }
0x1d2: {  	v34 =	vor.u32 v16, v34;
	_ =	sdelay $0x4  }
0x1d3: {  	[tilespmem:v34+s13+$0x0] =	vst.idx.msk $0xffff, v1  }
0x1d4: {  	v34 =	vld [tilespmem:s21+$0xFFFFFEF0];
	_ =	sdelay $0x4  }
0x1d5: {  	v42 =	vshll.u32 v34, $0x8;
	v34 =	vshll.u32 v34, $0x7  }
0x1d6: {  	v35 =	vand.u32 $0xFFFFF800, v42;
	v34 =	vand.u32 $0x380, v34  }
0x1d7: {  	v34 =	vor.u32 v34, v35  }
0x1d8: {  	v34 =	vor.u32 v17, v34;
	_ =	sdelay $0x4  }
0x1d9: {  	[tilespmem:v34+s13+$0x0] =	vst.idx.msk $0xffff, v1  }
0x1da: {  	v34 =	vld [tilespmem:s21+$0x0];
	_ =	sdelay $0x4  }
0x1db: {  	v43 =	vshll.u32 v34, $0x8;
	v34 =	vshll.u32 v34, $0x7  }
0x1dc: {  	v35 =	vand.u32 $0xFFFFF800, v43;
	v34 =	vand.u32 $0x380, v34  }
0x1dd: {  	v34 =	vor.u32 v35, v34  }
0x1de: {  	v34 =	vor.u32 v0, v34;
	_ =	sdelay $0x4  }
0x1df: {  	[tilespmem:v34+s13+$0x0] =	vst.idx.msk $0xffff, v2  }
0x1e0: {  	v34 =	vld [tilespmem:s21+$0x10];
	_ =	sdelay $0x4  }
0x1e1: {  	v44 =	vshll.u32 v34, $0x8;
	v34 =	vshll.u32 v34, $0x7  }
0x1e2: {  	v35 =	vand.u32 $0xFFFFF800, v44;
	v34 =	vand.u32 $0x380, v34  }
0x1e3: {  	v34 =	vor.u32 v35, v34  }
0x1e4: {  	v34 =	vor.u32 v3, v34;
	_ =	sdelay $0x4  }
0x1e5: {  	[tilespmem:v34+s13+$0x0] =	vst.idx.msk $0xffff, v2  }
0x1e6: {  	v34 =	vld [tilespmem:s21+$0x20];
	_ =	sdelay $0x4  }
0x1e7: {  	v45 =	vshll.u32 v34, $0x8;
	v34 =	vshll.u32 v34, $0x7  }
0x1e8: {  	v35 =	vand.u32 $0xFFFFF800, v45;
	v34 =	vand.u32 $0x380, v34  }
0x1e9: {  	v34 =	vor.u32 v35, v34  }
0x1ea: {  	v34 =	vor.u32 v4, v34;
	_ =	sdelay $0x4  }
0x1eb: {  	[tilespmem:v34+s13+$0x0] =	vst.idx.msk $0xffff, v2  }
0x1ec: {  	v34 =	vld [tilespmem:s21+$0x30];
	_ =	sdelay $0x4  }
0x1ed: {  	v46 =	vshll.u32 v34, $0x8;
	v34 =	vshll.u32 v34, $0x7  }
0x1ee: {  	v35 =	vand.u32 $0xFFFFF800, v46;
	v34 =	vand.u32 $0x380, v34  }
0x1ef: {  	v34 =	vor.u32 v35, v34  }
0x1f0: {  	v34 =	vor.u32 v5, v34;
	_ =	sdelay $0x4  }
0x1f1: {  	[tilespmem:v34+s13+$0x0] =	vst.idx.msk $0xffff, v2  }
0x1f2: {  	v34 =	vld [tilespmem:s21+$0x40];
	_ =	sdelay $0x4  }
0x1f3: {  	v47 =	vshll.u32 v34, $0x8;
	v34 =	vshll.u32 v34, $0x7  }
0x1f4: {  	v35 =	vand.u32 $0xFFFFF800, v47;
	v34 =	vand.u32 $0x380, v34  }
0x1f5: {  	v34 =	vor.u32 v35, v34  }
0x1f6: {  	v34 =	vor.u32 v6, v34;
	_ =	sdelay $0x4  }
0x1f7: {  	[tilespmem:v34+s13+$0x0] =	vst.idx.msk $0xffff, v2  }
0x1f8: {  	v34 =	vld [tilespmem:s21+$0x50];
	_ =	sdelay $0x4  }
0x1f9: {  	v48 =	vshll.u32 v34, $0x8;
	v34 =	vshll.u32 v34, $0x7  }
0x1fa: {  	v35 =	vand.u32 $0xFFFFF800, v48;
	v34 =	vand.u32 $0x380, v34  }
0x1fb: {  	v34 =	vor.u32 v35, v34  }
0x1fc: {  	v34 =	vor.u32 v7, v34;
	_ =	sdelay $0x4  }
0x1fd: {  	[tilespmem:v34+s13+$0x0] =	vst.idx.msk $0xffff, v2  }
0x1fe: {  	v34 =	vld [tilespmem:s21+$0x60];
	_ =	sdelay $0x4  }
0x1ff: {  	v49 =	vshll.u32 v34, $0x8;
	v34 =	vshll.u32 v34, $0x7  }
0x200: {  	v35 =	vand.u32 $0xFFFFF800, v49;
	v34 =	vand.u32 $0x380, v34  }
0x201: {  	v34 =	vor.u32 v35, v34  }
0x202: {  	v34 =	vor.u32 v8, v34;
	_ =	sdelay $0x4  }
0x203: {  	[tilespmem:v34+s13+$0x0] =	vst.idx.msk $0xffff, v2  }
0x204: {  	v34 =	vld [tilespmem:s21+$0x70];
	_ =	sdelay $0x4  }
0x205: {  	v50 =	vshll.u32 v34, $0x8;
	v34 =	vshll.u32 v34, $0x7  }
0x206: {  	v35 =	vand.u32 $0xFFFFF800, v50;
	v34 =	vand.u32 $0x380, v34  }
0x207: {  	v34 =	vor.u32 v35, v34  }
0x208: {  	v34 =	vor.u32 v9, v34;
	_ =	sdelay $0x4  }
0x209: {  	[tilespmem:v34+s13+$0x0] =	vst.idx.msk $0xffff, v2  }
0x20a: {  	v34 =	vld [tilespmem:s21+$0x80];
	_ =	sdelay $0x4  }
0x20b: {  	v51 =	vshll.u32 v34, $0x8;
	v34 =	vshll.u32 v34, $0x7  }
0x20c: {  	v35 =	vand.u32 $0xFFFFF800, v51;
	v34 =	vand.u32 $0x380, v34  }
0x20d: {  	v34 =	vor.u32 v34, v35  }
0x20e: {  	v34 =	vor.u32 v10, v34;
	_ =	sdelay $0x4  }
0x20f: {  	[tilespmem:v34+s13+$0x0] =	vst.idx.msk $0xffff, v2  }
0x210: {  	v34 =	vld [tilespmem:s21+$0x90];
	_ =	sdelay $0x4  }
0x211: {  	v52 =	vshll.u32 v34, $0x8;
	v34 =	vshll.u32 v34, $0x7  }
0x212: {  	v35 =	vand.u32 $0xFFFFF800, v52;
	v34 =	vand.u32 $0x380, v34  }
0x213: {  	v34 =	vor.u32 v34, v35  }
0x214: {  	v34 =	vor.u32 v11, v34;
	_ =	sdelay $0x4  }
0x215: {  	[tilespmem:v34+s13+$0x0] =	vst.idx.msk $0xffff, v2  }
0x216: {  	v34 =	vld [tilespmem:s21+$0xA0];
	_ =	sdelay $0x4  }
0x217: {  	v53 =	vshll.u32 v34, $0x8;
	v34 =	vshll.u32 v34, $0x7  }
0x218: {  	v35 =	vand.u32 $0xFFFFF800, v53;
	v34 =	vand.u32 $0x380, v34  }
0x219: {  	v34 =	vor.u32 v34, v35  }
0x21a: {  	v34 =	vor.u32 v12, v34;
	_ =	sdelay $0x4  }
0x21b: {  	[tilespmem:v34+s13+$0x0] =	vst.idx.msk $0xffff, v2  }
0x21c: {  	v34 =	vld [tilespmem:s21+$0xB0];
	_ =	sdelay $0x4  }
0x21d: {  	v54 =	vshll.u32 v34, $0x8;
	v34 =	vshll.u32 v34, $0x7  }
0x21e: {  	v35 =	vand.u32 $0xFFFFF800, v54;
	v34 =	vand.u32 $0x380, v34  }
0x21f: {  	v34 =	vor.u32 v34, v35  }
0x220: {  	v34 =	vor.u32 v13, v34;
	_ =	sdelay $0x4  }
0x221: {  	[tilespmem:v34+s13+$0x0] =	vst.idx.msk $0xffff, v2  }
0x222: {  	v34 =	vld [tilespmem:s21+$0xC0];
	_ =	sdelay $0x4  }
0x223: {  	v55 =	vshll.u32 v34, $0x8;
	v34 =	vshll.u32 v34, $0x7  }
0x224: {  	v35 =	vand.u32 $0xFFFFF800, v55;
	v34 =	vand.u32 $0x380, v34  }
0x225: {  	v34 =	vor.u32 v34, v35  }
0x226: {  	v34 =	vor.u32 v14, v34;
	_ =	sdelay $0x4  }
0x227: {  	[tilespmem:v34+s13+$0x0] =	vst.idx.msk $0xffff, v2  }
0x228: {  	v34 =	vld [tilespmem:s21+$0xD0];
	_ =	sdelay $0x4  }
0x229: {  	v56 =	vshll.u32 v34, $0x8;
	v34 =	vshll.u32 v34, $0x7  }
0x22a: {  	v35 =	vand.u32 $0xFFFFF800, v56;
	v34 =	vand.u32 $0x380, v34  }
0x22b: {  	v34 =	vor.u32 v34, v35  }
0x22c: {  	v34 =	vor.u32 v15, v34;
	_ =	sdelay $0x4  }
0x22d: {  	[tilespmem:v34+s13+$0x0] =	vst.idx.msk $0xffff, v2  }
0x22e: {  	v34 =	vld [tilespmem:s21+$0xE0];
	_ =	sdelay $0x4  }
0x22f: {  	v57 =	vshll.u32 v34, $0x8;
	v34 =	vshll.u32 v34, $0x7  }
0x230: {  	v35 =	vand.u32 $0xFFFFF800, v57;
	v34 =	vand.u32 $0x380, v34  }
0x231: {  	v34 =	vor.u32 v34, v35  }
0x232: {  	v34 =	vor.u32 v16, v34;
	_ =	sdelay $0x4  }
0x233: {  	[tilespmem:v34+s13+$0x0] =	vst.idx.msk $0xffff, v2  }
0x234: {  	v34 =	vld [tilespmem:s21+$0xF0];
	_ =	sdelay $0x4  }
0x235: {  	v58 =	vshll.u32 v34, $0x8;
	v34 =	vshll.u32 v34, $0x7  }
0x236: {  	v35 =	vand.u32 $0xFFFFF800, v58;
	v34 =	vand.u32 $0x380, v34  }
0x237: {  	v34 =	vor.u32 v34, v35  }
0x238: {  	v34 =	vor.u32 v17, v34;
	_ =	sdelay $0x3  }
0x239: {  	s22 =	sadd.s32 s20, s9  }
0x23a: {  	s23 =	sadd.s32 $0x4000, s22;
	[tilespmem:v34+s13+$0x0] =	vst.idx.msk $0xffff, v2  }
0x23b: {  	[hbm4b:s23+s14] =	stream.strided.scatter [tilespmem:s13], [sflag:$0x1], $0x4000, s15, s14, $0x38;
	[tilespmem:$0xC200] =	vst v63  }
0x23c: {  	_ =	swait.ge [sflag:s18], $0x4000  }
0x23d: {  	[sflag:s18] =	ssyncset.done $0x0  }
0x23e: {  	[sflag:s18] =	ssyncadd.s32 $0xFFFFC000  }
0x23f: {  	v59 =	vld [tilespmem:s21+$0xFFFFFF00];
	_ =	sdelay $0x4  }
0x240: {  	v60 =	vshll.u32 v59, $0x8;
	v34 =	vshll.u32 v59, $0x7  }
0x241: {  	v35 =	vand.u32 $0xFFFFF800, v60;
	v34 =	vand.u32 $0x380, v34  }
0x242: {  	v34 =	vor.u32 v34, v35  }
0x243: {  	v34 =	vadd.s32 v18, v34;
	_ =	sdelay $0x4  }
0x244: {  	[tilespmem:v34+s13+$0x0] =	vst.idx.msk $0xffff, v1  }
0x245: {  	v34 =	vld [tilespmem:s21+$0xFFFFFF10];
	_ =	sdelay $0x4  }
0x246: {  	v61 =	vshll.u32 v34, $0x8;
	v34 =	vshll.u32 v34, $0x7  }
0x247: {  	v35 =	vand.u32 $0xFFFFF800, v61;
	v34 =	vand.u32 $0x380, v34  }
0x248: {  	v34 =	vor.u32 v34, v35  }
0x249: {  	v34 =	vadd.s32 v19, v34;
	_ =	sdelay $0x4  }
0x24a: {  	[tilespmem:v34+s13+$0x0] =	vst.idx.msk $0xffff, v1  }
0x24b: {  	v34 =	vld [tilespmem:s21+$0xFFFFFF20];
	_ =	sdelay $0x4  }
0x24c: {  	v62 =	vshll.u32 v34, $0x8;
	v34 =	vshll.u32 v34, $0x7  }
0x24d: {  	v35 =	vand.u32 $0xFFFFF800, v62;
	v34 =	vand.u32 $0x380, v34  }
0x24e: {  	v34 =	vor.u32 v34, v35  }
0x24f: {  	v34 =	vadd.s32 v20, v34;
	_ =	sdelay $0x4  }
0x250: {  	[tilespmem:v34+s13+$0x0] =	vst.idx.msk $0xffff, v1  }
0x251: {  	v34 =	vld [tilespmem:s21+$0xFFFFFF30];
	_ =	sdelay $0x4  }
0x252: {  	v63 =	vshll.u32 v34, $0x8;
	v34 =	vshll.u32 v34, $0x7  }
0x253: {  	v35 =	vand.u32 $0xFFFFF800, v63;
	v34 =	vand.u32 $0x380, v34  }
0x254: {  	v34 =	vor.u32 v34, v35  }
0x255: {  	v34 =	vadd.s32 v21, v34;
	_ =	sdelay $0x4  }
0x256: {  	[tilespmem:v34+s13+$0x0] =	vst.idx.msk $0xffff, v1  }
0x257: {  	v34 =	vld [tilespmem:s21+$0xFFFFFF40];
	_ =	sdelay $0x4  }
0x258: {  	v36 =	vshll.u32 v34, $0x8;
	v34 =	vshll.u32 v34, $0x7  }
0x259: {  	v35 =	vand.u32 $0xFFFFF800, v36;
	v34 =	vand.u32 $0x380, v34  }
0x25a: {  	v34 =	vor.u32 v34, v35  }
0x25b: {  	v34 =	vadd.s32 v22, v34;
	_ =	sdelay $0x4  }
0x25c: {  	[tilespmem:v34+s13+$0x0] =	vst.idx.msk $0xffff, v1  }
0x25d: {  	v34 =	vld [tilespmem:s21+$0xFFFFFF50];
	_ =	sdelay $0x4  }
0x25e: {  	v37 =	vshll.u32 v34, $0x8;
	v34 =	vshll.u32 v34, $0x7  }
0x25f: {  	v35 =	vand.u32 $0xFFFFF800, v37;
	v34 =	vand.u32 $0x380, v34  }
0x260: {  	v34 =	vor.u32 v34, v35  }
0x261: {  	v34 =	vadd.s32 v23, v34;
	_ =	sdelay $0x4  }
0x262: {  	[tilespmem:v34+s13+$0x0] =	vst.idx.msk $0xffff, v1  }
0x263: {  	v34 =	vld [tilespmem:s21+$0xFFFFFF60];
	_ =	sdelay $0x4  }
0x264: {  	v38 =	vshll.u32 v34, $0x8;
	v34 =	vshll.u32 v34, $0x7  }
0x265: {  	v35 =	vand.u32 $0xFFFFF800, v38;
	v34 =	vand.u32 $0x380, v34  }
0x266: {  	v34 =	vor.u32 v34, v35  }
0x267: {  	v34 =	vadd.s32 v24, v34;
	_ =	sdelay $0x4  }
0x268: {  	[tilespmem:v34+s13+$0x0] =	vst.idx.msk $0xffff, v1  }
0x269: {  	v34 =	vld [tilespmem:s21+$0xFFFFFF70];
	_ =	sdelay $0x4  }
0x26a: {  	v39 =	vshll.u32 v34, $0x8;
	v34 =	vshll.u32 v34, $0x7  }
0x26b: {  	v35 =	vand.u32 $0xFFFFF800, v39;
	v34 =	vand.u32 $0x380, v34  }
0x26c: {  	v34 =	vor.u32 v34, v35  }
0x26d: {  	v34 =	vadd.s32 v25, v34;
	_ =	sdelay $0x4  }
0x26e: {  	[tilespmem:v34+s13+$0x0] =	vst.idx.msk $0xffff, v1  }
0x26f: {  	v34 =	vld [tilespmem:s21+$0xFFFFFF80];
	_ =	sdelay $0x4  }
0x270: {  	v40 =	vshll.u32 v34, $0x8;
	v34 =	vshll.u32 v34, $0x7  }
0x271: {  	v35 =	vand.u32 $0xFFFFF800, v40;
	v34 =	vand.u32 $0x380, v34  }
0x272: {  	v34 =	vor.u32 v34, v35  }
0x273: {  	v34 =	vadd.s32 v26, v34;
	_ =	sdelay $0x4  }
0x274: {  	[tilespmem:v34+s13+$0x0] =	vst.idx.msk $0xffff, v1  }
0x275: {  	v34 =	vld [tilespmem:s21+$0xFFFFFF90];
	_ =	sdelay $0x4  }
0x276: {  	v41 =	vshll.u32 v34, $0x8;
	v34 =	vshll.u32 v34, $0x7  }
0x277: {  	v35 =	vand.u32 $0xFFFFF800, v41;
	v34 =	vand.u32 $0x380, v34  }
0x278: {  	v34 =	vor.u32 v34, v35  }
0x279: {  	v34 =	vadd.s32 v27, v34;
	_ =	sdelay $0x4  }
0x27a: {  	[tilespmem:v34+s13+$0x0] =	vst.idx.msk $0xffff, v1  }
0x27b: {  	v34 =	vld [tilespmem:s21+$0xFFFFFFA0];
	_ =	sdelay $0x4  }
0x27c: {  	v42 =	vshll.u32 v34, $0x8;
	v34 =	vshll.u32 v34, $0x7  }
0x27d: {  	v35 =	vand.u32 $0xFFFFF800, v42;
	v34 =	vand.u32 $0x380, v34  }
0x27e: {  	v34 =	vor.u32 v34, v35  }
0x27f: {  	v34 =	vadd.s32 v28, v34;
	_ =	sdelay $0x4  }
0x280: {  	[tilespmem:v34+s13+$0x0] =	vst.idx.msk $0xffff, v1  }
0x281: {  	v34 =	vld [tilespmem:s21+$0xFFFFFFB0];
	_ =	sdelay $0x4  }
0x282: {  	v43 =	vshll.u32 v34, $0x8;
	v34 =	vshll.u32 v34, $0x7  }
0x283: {  	v35 =	vand.u32 $0xFFFFF800, v43;
	v34 =	vand.u32 $0x380, v34  }
0x284: {  	v34 =	vor.u32 v34, v35  }
0x285: {  	v34 =	vadd.s32 v29, v34;
	_ =	sdelay $0x4  }
0x286: {  	[tilespmem:v34+s13+$0x0] =	vst.idx.msk $0xffff, v1  }
0x287: {  	v34 =	vld [tilespmem:s21+$0xFFFFFFC0];
	_ =	sdelay $0x4  }
0x288: {  	v44 =	vshll.u32 v34, $0x8;
	v34 =	vshll.u32 v34, $0x7  }
0x289: {  	v35 =	vand.u32 $0xFFFFF800, v44;
	v34 =	vand.u32 $0x380, v34  }
0x28a: {  	v34 =	vor.u32 v34, v35  }
0x28b: {  	v34 =	vadd.s32 v30, v34;
	_ =	sdelay $0x4  }
0x28c: {  	[tilespmem:v34+s13+$0x0] =	vst.idx.msk $0xffff, v1  }
0x28d: {  	v34 =	vld [tilespmem:s21+$0xFFFFFFD0];
	_ =	sdelay $0x4  }
0x28e: {  	v45 =	vshll.u32 v34, $0x8;
	v34 =	vshll.u32 v34, $0x7  }
0x28f: {  	v35 =	vand.u32 $0xFFFFF800, v45;
	v34 =	vand.u32 $0x380, v34  }
0x290: {  	v34 =	vor.u32 v34, v35  }
0x291: {  	v34 =	vadd.s32 v31, v34;
	_ =	sdelay $0x4  }
0x292: {  	[tilespmem:v34+s13+$0x0] =	vst.idx.msk $0xffff, v1  }
0x293: {  	v34 =	vld [tilespmem:s21+$0xFFFFFFE0];
	_ =	sdelay $0x4  }
0x294: {  	v46 =	vshll.u32 v34, $0x8;
	v34 =	vshll.u32 v34, $0x7  }
0x295: {  	v35 =	vand.u32 $0xFFFFF800, v46;
	v34 =	vand.u32 $0x380, v34  }
0x296: {  	v34 =	vor.u32 v34, v35  }
0x297: {  	v34 =	vadd.s32 v32, v34;
	_ =	sdelay $0x4  }
0x298: {  	[tilespmem:v34+s13+$0x0] =	vst.idx.msk $0xffff, v1  }
0x299: {  	v34 =	vld [tilespmem:s21+$0xFFFFFFF0];
	_ =	sdelay $0x4  }
0x29a: {  	v47 =	vshll.u32 v34, $0x8;
	v34 =	vshll.u32 v34, $0x7  }
0x29b: {  	v35 =	vand.u32 $0xFFFFF800, v47;
	v34 =	vand.u32 $0x380, v34  }
0x29c: {  	v34 =	vor.u32 v34, v35  }
0x29d: {  	v34 =	vadd.s32 v33, v34;
	_ =	sdelay $0x4  }
0x29e: {  	[tilespmem:v34+s13+$0x0] =	vst.idx.msk $0xffff, v1  }
0x29f: {  	v34 =	vld [tilespmem:s21+$0x100];
	_ =	sdelay $0x4  }
0x2a0: {  	v48 =	vshll.u32 v34, $0x8;
	v34 =	vshll.u32 v34, $0x7  }
0x2a1: {  	v35 =	vand.u32 $0xFFFFF800, v48;
	v34 =	vand.u32 $0x380, v34  }
0x2a2: {  	v34 =	vor.u32 v34, v35  }
0x2a3: {  	v34 =	vadd.s32 v18, v34;
	_ =	sdelay $0x4  }
0x2a4: {  	[tilespmem:v34+s13+$0x0] =	vst.idx.msk $0xffff, v2  }
0x2a5: {  	v34 =	vld [tilespmem:s21+$0x110];
	_ =	sdelay $0x4  }
0x2a6: {  	v49 =	vshll.u32 v34, $0x8;
	v34 =	vshll.u32 v34, $0x7  }
0x2a7: {  	v35 =	vand.u32 $0xFFFFF800, v49;
	v34 =	vand.u32 $0x380, v34  }
0x2a8: {  	v34 =	vor.u32 v34, v35  }
0x2a9: {  	v34 =	vadd.s32 v19, v34;
	_ =	sdelay $0x4  }
0x2aa: {  	[tilespmem:v34+s13+$0x0] =	vst.idx.msk $0xffff, v2  }
0x2ab: {  	v34 =	vld [tilespmem:s21+$0x120];
	_ =	sdelay $0x4  }
0x2ac: {  	v50 =	vshll.u32 v34, $0x8;
	v34 =	vshll.u32 v34, $0x7  }
0x2ad: {  	v35 =	vand.u32 $0xFFFFF800, v50;
	v34 =	vand.u32 $0x380, v34  }
0x2ae: {  	v34 =	vor.u32 v34, v35  }
0x2af: {  	v34 =	vadd.s32 v20, v34;
	_ =	sdelay $0x4  }
0x2b0: {  	[tilespmem:v34+s13+$0x0] =	vst.idx.msk $0xffff, v2  }
0x2b1: {  	v34 =	vld [tilespmem:s21+$0x130];
	_ =	sdelay $0x4  }
0x2b2: {  	v51 =	vshll.u32 v34, $0x8;
	v34 =	vshll.u32 v34, $0x7  }
0x2b3: {  	v35 =	vand.u32 $0xFFFFF800, v51;
	v34 =	vand.u32 $0x380, v34  }
0x2b4: {  	v34 =	vor.u32 v34, v35  }
0x2b5: {  	v34 =	vadd.s32 v21, v34;
	_ =	sdelay $0x4  }
0x2b6: {  	[tilespmem:v34+s13+$0x0] =	vst.idx.msk $0xffff, v2  }
0x2b7: {  	v34 =	vld [tilespmem:s21+$0x140];
	_ =	sdelay $0x4  }
0x2b8: {  	v52 =	vshll.u32 v34, $0x8;
	v34 =	vshll.u32 v34, $0x7  }
0x2b9: {  	v35 =	vand.u32 $0xFFFFF800, v52;
	v34 =	vand.u32 $0x380, v34  }
0x2ba: {  	v34 =	vor.u32 v34, v35  }
0x2bb: {  	v34 =	vadd.s32 v22, v34;
	_ =	sdelay $0x4  }
0x2bc: {  	[tilespmem:v34+s13+$0x0] =	vst.idx.msk $0xffff, v2  }
0x2bd: {  	v34 =	vld [tilespmem:s21+$0x150];
	_ =	sdelay $0x4  }
0x2be: {  	v53 =	vshll.u32 v34, $0x8;
	v34 =	vshll.u32 v34, $0x7  }
0x2bf: {  	v35 =	vand.u32 $0xFFFFF800, v53;
	v34 =	vand.u32 $0x380, v34  }
0x2c0: {  	v34 =	vor.u32 v34, v35  }
0x2c1: {  	v34 =	vadd.s32 v23, v34;
	_ =	sdelay $0x4  }
0x2c2: {  	[tilespmem:v34+s13+$0x0] =	vst.idx.msk $0xffff, v2  }
0x2c3: {  	v34 =	vld [tilespmem:s21+$0x160];
	_ =	sdelay $0x4  }
0x2c4: {  	v54 =	vshll.u32 v34, $0x8;
	v34 =	vshll.u32 v34, $0x7  }
0x2c5: {  	v35 =	vand.u32 $0xFFFFF800, v54;
	v34 =	vand.u32 $0x380, v34  }
0x2c6: {  	v34 =	vor.u32 v34, v35  }
0x2c7: {  	v34 =	vadd.s32 v24, v34;
	_ =	sdelay $0x4  }
0x2c8: {  	[tilespmem:v34+s13+$0x0] =	vst.idx.msk $0xffff, v2  }
0x2c9: {  	v34 =	vld [tilespmem:s21+$0x170];
	_ =	sdelay $0x4  }
0x2ca: {  	v55 =	vshll.u32 v34, $0x8;
	v34 =	vshll.u32 v34, $0x7  }
0x2cb: {  	v35 =	vand.u32 $0xFFFFF800, v55;
	v34 =	vand.u32 $0x380, v34  }
0x2cc: {  	v34 =	vor.u32 v34, v35  }
0x2cd: {  	v34 =	vadd.s32 v25, v34;
	_ =	sdelay $0x4  }
0x2ce: {  	[tilespmem:v34+s13+$0x0] =	vst.idx.msk $0xffff, v2  }
0x2cf: {  	v34 =	vld [tilespmem:s21+$0x180];
	_ =	sdelay $0x4  }
0x2d0: {  	v56 =	vshll.u32 v34, $0x8;
	v34 =	vshll.u32 v34, $0x7  }
0x2d1: {  	v35 =	vand.u32 $0xFFFFF800, v56;
	v34 =	vand.u32 $0x380, v34  }
0x2d2: {  	v34 =	vor.u32 v34, v35  }
0x2d3: {  	v34 =	vadd.s32 v26, v34;
	_ =	sdelay $0x4  }
0x2d4: {  	[tilespmem:v34+s13+$0x0] =	vst.idx.msk $0xffff, v2  }
0x2d5: {  	v34 =	vld [tilespmem:s21+$0x190];
	_ =	sdelay $0x4  }
0x2d6: {  	v57 =	vshll.u32 v34, $0x8;
	v34 =	vshll.u32 v34, $0x7  }
0x2d7: {  	v35 =	vand.u32 $0xFFFFF800, v57;
	v34 =	vand.u32 $0x380, v34  }
0x2d8: {  	v34 =	vor.u32 v34, v35  }
0x2d9: {  	v34 =	vadd.s32 v27, v34;
	_ =	sdelay $0x4  }
0x2da: {  	[tilespmem:v34+s13+$0x0] =	vst.idx.msk $0xffff, v2  }
0x2db: {  	v34 =	vld [tilespmem:s21+$0x1A0];
	_ =	sdelay $0x4  }
0x2dc: {  	v58 =	vshll.u32 v34, $0x8;
	v34 =	vshll.u32 v34, $0x7  }
0x2dd: {  	v35 =	vand.u32 $0xFFFFF800, v58;
	v34 =	vand.u32 $0x380, v34  }
0x2de: {  	v34 =	vor.u32 v34, v35  }
0x2df: {  	v34 =	vadd.s32 v28, v34;
	_ =	sdelay $0x4  }
0x2e0: {  	[tilespmem:v34+s13+$0x0] =	vst.idx.msk $0xffff, v2  }
0x2e1: {  	v34 =	vld [tilespmem:s21+$0x1B0];
	_ =	sdelay $0x4  }
0x2e2: {  	v59 =	vshll.u32 v34, $0x8;
	v34 =	vshll.u32 v34, $0x7  }
0x2e3: {  	v35 =	vand.u32 $0xFFFFF800, v59;
	v34 =	vand.u32 $0x380, v34  }
0x2e4: {  	v34 =	vor.u32 v34, v35  }
0x2e5: {  	v34 =	vadd.s32 v29, v34;
	_ =	sdelay $0x4  }
0x2e6: {  	[tilespmem:v34+s13+$0x0] =	vst.idx.msk $0xffff, v2  }
0x2e7: {  	v34 =	vld [tilespmem:s21+$0x1C0];
	_ =	sdelay $0x4  }
0x2e8: {  	v60 =	vshll.u32 v34, $0x8;
	v34 =	vshll.u32 v34, $0x7  }
0x2e9: {  	v35 =	vand.u32 $0xFFFFF800, v60;
	v34 =	vand.u32 $0x380, v34  }
0x2ea: {  	v34 =	vor.u32 v34, v35  }
0x2eb: {  	v34 =	vadd.s32 v30, v34;
	_ =	sdelay $0x4  }
0x2ec: {  	[tilespmem:v34+s13+$0x0] =	vst.idx.msk $0xffff, v2  }
0x2ed: {  	v34 =	vld [tilespmem:s21+$0x1D0];
	_ =	sdelay $0x4  }
0x2ee: {  	v61 =	vshll.u32 v34, $0x8;
	v34 =	vshll.u32 v34, $0x7  }
0x2ef: {  	v35 =	vand.u32 $0xFFFFF800, v61;
	v34 =	vand.u32 $0x380, v34  }
0x2f0: {  	v34 =	vor.u32 v34, v35  }
0x2f1: {  	v34 =	vadd.s32 v31, v34;
	_ =	sdelay $0x4  }
0x2f2: {  	[tilespmem:v34+s13+$0x0] =	vst.idx.msk $0xffff, v2  }
0x2f3: {  	v34 =	vld [tilespmem:s21+$0x1E0];
	_ =	sdelay $0x4  }
0x2f4: {  	v62 =	vshll.u32 v34, $0x8;
	v34 =	vshll.u32 v34, $0x7  }
0x2f5: {  	v35 =	vand.u32 $0xFFFFF800, v62;
	v34 =	vand.u32 $0x380, v34  }
0x2f6: {  	v34 =	vor.u32 v34, v35  }
0x2f7: {  	v34 =	vadd.s32 v32, v34;
	_ =	sdelay $0x4  }
0x2f8: {  	[tilespmem:v34+s13+$0x0] =	vst.idx.msk $0xffff, v2  }
0x2f9: {  	v34 =	vld [tilespmem:s21+$0x1F0];
	_ =	sdelay $0x4  }
0x2fa: {  	v63 =	vshll.u32 v34, $0x8;
	v34 =	vshll.u32 v34, $0x7  }
0x2fb: {  	v35 =	vand.u32 $0xFFFFF800, v63;
	v34 =	vand.u32 $0x380, v34  }
0x2fc: {  	v34 =	vor.u32 v34, v35  }
0x2fd: {  	v34 =	vadd.s32 v33, v34  }
0x2fe: {  	p0 =	sne.s32 s20, $0xFFFFFE00  }
.Ltmp4:
0x2ff: {  	_ = 	snop;
	(pc) =	sbr.rel @p0 .LBB2_8-.Ltmp4, $3  }
0x300: {  	_ =	sdelay $0x1  }
0x301: {  	s20 =	sadd.s32 $0x200, s20;
	s22 =	sadd.s32 $0x4100, s22;
	s21 =	sadd.s32 $0x200, s21;
	[tilespmem:v34+s13+$0x0] =	vst.idx.msk $0xffff, v2  }
0x302: {  	[hbm4b:s22+s14] =	stream.strided.scatter [tilespmem:s16], [sflag:$0x2], $0x4000, s15, s14, $0x38;
	[tilespmem:$0xC200] =	vst v63  }
0x303: {  	s19 =	sadd.s32 $0x1, s19  }
0x304: {  	_ =	swait.ge [sflag:s17], $0x4000;
	p0 =	sne.s32 s19, s8  }
.Ltmp5:
0x305: {  	[sflag:s17] =	ssyncset.done $0x0;
	(pc) =	sbr.rel @p0 .LBB2_1-.Ltmp5, $4  }
.Ltmp6:
0x306: {  	[sflag:s17] =	ssyncadd.s32 $0xFFFFC000;
	(pc) =	sbr.rel @!p0 .LBB2_10-.Ltmp6, $4  }
0x307: {  	_ =	swait.ge [sflag:s18], $0x4000  }
0x308: {  	[sflag:s18] =	ssyncset.done $0x0  }
0x309: {  	[sflag:s18] =	ssyncadd.s32 $0xFFFFC000  }
0x30a: {  	_ = 	snop  }
.LBB2_4:
.Ltmp7:
0x30b: {  	(pc) =	sbr.rel .LBB2_7-.Ltmp7, $2  }
0x30c: {  	_ =	sdelay $0x2  }
0x30d: {  	_ = 	snop  }
.LBB2_10:
0x30e: {  	_ =	sfence.sel $0x180000  }
0x30f: {  	[bflag:$0x0] =	sbarrier.arrive $0xFFFF  }
0x310: {  	p0 =	sne.s32 s3, $0x0;
	_ =	strace $0x90000047  }
0x311: {  	s0 =	sadd.s32 @!p0 $0x100000, s0;
	[bflag:$0x2] =	sbarrier.arrive $0xFFFF  }
0x312: {  	[sflag:s0] =	ssyncadd.tile.s32 @!p0 $0x1;
	_ =	shalt  }
.Lfunc_end2:
_tile_overlayer_lowered:
.L_overlay_start_2:
0x313: {  	(tag) =	ssettag $0x2  }
0x314: {  	s0 =	rddreg [dreg:$0x0];
	s2 =	stileid.u32  }
0x315: {  	s1 =	rddreg [dreg:$0x1];
	p0 =	sne.s32 s2, $0x0  }
0x316: {  	s3 =	rddreg [dreg:$0x2];
	[bflag:$0x3] =	sbarrier.arrive $0xFFFF;
	s2 =	simm.s32 @!p0 $0x1C03  }
0x317: {  	[timem:s3], [sflag:s2] =	dma.local @!p0 [hbm:s0], s1  }
0x318: {  	s0 =	simm.s32 @!p0 $0x3  }
0x319: {  	_ =	swait.ge @!p0 [sflag:s0], s1  }
0x31a: {  	s1 =	ssub.s32 @!p0 $0x0, s1;
	[sflag:s0] =	ssyncset.done @!p0 $0x0  }
0x31b: {  	[sflag:s0] =	ssyncadd.s32 @!p0 s1  }
0x31c: {  	[bflag:$0x3] =	sbarrier.arrive $0xFFFF  }
0x31d: {  	_ =	shalt  }

// kernel: sparse-core-data-format-call.cloned.1.call-start
scs
called_computation_lowered:
.L_overlay_start_0:
0x0: {  	s2 =	sld [smem:$0x3FD9]  }
0x1: {  	s3 =	sld [smem:$0x3FFE];
	_ =	sdelay $0x1  }
0x2: {  	s1 =	srdreg.scid  }
0x3: {  	s0 =	sand.u32 $0x1, s1  }
0x4: {  	s18 =	sshll.u32 s0, $0xA;
	s2 =	sadd.s32 s3, s2  }
0x5: {  	s2 =	sadd.s32 s2, s18  }
0x6: {  	[smem:$0x3FC5] =	sst s2  }
0x7: {  	_ = 	snop  }
0x8: {  	s2 =	sld [smem:$0x3FD0];
	(tm) =	ssettm $0x1  }
0x9: {  	s19 =	sld [smem:$0x3FFB];
	_ =	sdelay $0x3  }
0xa: {  	_ =	strace s19  }
0xb: {  	s3 =	sld [smem:$0x3FFC];
	_ =	sdelay $0x3  }
0xc: {  	_ =	strace s3  }
0xd: {  	s3 =	sld [smem:$0x3FFD];
	_ =	sdelay $0x3  }
0xe: {  	_ =	strace s3  }
0xf: {  	_ =	strace $0x8FFFFFFF  }
0x10: {  	s20 =	sld [smem:$0x3FDB];
	_ =	sdelay $0x1  }
0x11: {  	s4 =	simm.s32 $_scs_section_size  }
0x12: {  	s5 =	simm.s32 $_size__tile_overlayer_lowered;
	s6 =	simm.s32 $_tile_overlayer_lowered  }
0x13: {  	s23 =	simm.s32 $0x1BFF;
	s22 =	sshll.u32 s6, $0x1;
	s3 =	sadd.s32 s4, s20  }
0x14: {  	s7 =	simm.s32 $0x0;
	s21 =	sshll.u32 s5, $0x1;
	s5 =	sadd.s32 s22, s3  }
0x15: {  	[timem:s7], [sflag:s23] =	dma.local [hbm:s5], s21  }
0x16: {  	_ =	swait.ge [sflag:s23], s21  }
0x17: {  	s4 =	ssub.s32 $0x0, s21;
	[sflag:s23] =	ssyncset.done $0x0  }
0x18: {  	[sflag:s23] =	ssyncadd.s32 s4;
	_ =	sdelay $0x1  }
0x19: {  	s24 =	simm.s32 $0x1B8B  }
0x1a: {  	_ =	swait.ge [sflag:s24], $0x1  }
0x1b: {  	[sflag:s24] =	ssyncset.done $0x0  }
0x1c: {  	s26 =	simm.s32 $0x1B8E;
	s25 =	sld [smem:$0x3FFE];
	[sflag:s24] =	ssyncadd.s32 $0xFFFFFFFF  }
0x1d: {  	s27 =	simm.s32 $execute0_lowered;
	[smem:$0x3FD2] =	sst s26  }
0x1e: {  	s5 =	sshll.u32 s27, $0x1;
	_ =	strace $0x80000049;
	[dreg:$0x1] =	wrdreg $0xFFFFFFFF  }
0x1f: {  	s28 =	simm.s32 $_size_execute0_lowered;
	s3 =	sadd.s32 s3, s5;
	[dreg:$0x0] =	wrdreg $0x0  }
0x20: {  	s5 =	sshll.u32 s28, $0x1;
	[dreg:$0x2] =	wrdreg s3  }
0x21: {  	[dreg:$0x3] =	wrdreg s5  }
0x22: {  	[dreg:$0x4] =	wrdreg $0xC0  }
0x23: {  	_ =	task [dreg:s7], $0x5FFFF  }
0x24: {  	[dreg:$0x1] =	wrdreg $0xFFFFFFFF  }
0x25: {  	[dreg:$0x0] =	wrdreg $0x60  }
0x26: {  	[dreg:$0x2] =	wrdreg s25  }
0x27: {  	[dreg:$0x3] =	wrdreg s2  }
0x28: {  	[dreg:$0x4] =	wrdreg $0x9  }
0x29: {  	_ =	task.clear_ibuf [dreg:s7], $0x5FFFF;
	_ =	strace $0x90000049  }
0x2a: {  	s29 =	simm.s32 $0x9;
	_ =	strace $0x8000004B  }
0x2b: {  	_ =	swait.ge [sflag:s29], $0x1  }
0x2c: {  	[sflag:s29] =	ssyncadd.s32 $0xFFFFFFFF  }
0x2d: {  	_ =	strace $0x9000004B  }
0x2e: {  	_ =	sfence  }
0x2f: {  	s30 =	sld [smem:$0x0];
	_ =	sdelay $0x2  }
0x30: {  	s31 =	sshll.u32 s1, $0xD;
	s1 =	sshrl.u32 s1, $0x2  }
0x31: {  	s3 =	sand.u32 $0x4000, s31;
	s1 =	sadd.s32 s1, s30  }
0x32: {  	s0 =	sor.u32 s3, s0;
	s1 =	sshll.u32 s1, $0x11  }
0x33: {  	s0 =	sor.u32 s1, s0  }
0x34: {  	s0 =	sadd.s32 $0x8F2B, s0  }
0x35: {  	[sflag:s0] =	ssyncadd.remote.s32 $0x1  }
0x36: {  	_ =	sfence.sel $0xFFFF  }
0x37: {  	[dreg:$0x0] =	wrdreg $0xFFFFFFFF;
	(pc) =	sbr.abs _section_cstart, $3  }
0x38: {  	[dreg:$0x1] =	wrdreg $0xFFFFFFFF  }
0x39: {  	_ =	task.clear_ibuf [dreg:s7], $0x2FFFF;
	_ =	strace $0x9FFFFFFF  }
0x3a: {  	(tm) =	ssettm $0x7FFFFFFF  }
0x3b: {  	_ =	shalt  }
tec
execute0_lowered:
.L_overlay_start_1:
0x0: {  	(tag) =	ssettag $0x1  }
0x1: {  	s0 =	srdreg.scid  }
0x2: {  	s1 =	sshll.u32 s0, $0x4  }
0x3: {  	s7 =	rddreg [dreg:$0x0];
	s0 =	stileid.u32;
	s1 =	sand.u32 $0x10, s1  }
0x4: {  	s2 =	rddreg [dreg:$0x1];
	s4 =	simm.s32 $0x1;
	s1 =	sor.u32 s0, s1  }
0x5: {  	s8 =	simm.s32 $0x0;
	s9 =	simm.s32 $0x2;
	s3 =	sshll.u32 s1, $0x1  }
0x6: {  	s13 =	simm.s32 $0x0;
	s14 =	simm.s32 $0x0;
	s6 =	ssub.s32 $0x40, s3  }
0x7: {  	s10 =	simm.s32 $0x0;
	s1 =	rddreg [dreg:$0x2];
	s5 =	sand.u32 $0x3E, s6  }
.Ltmp0:
0x8: {  	_ =	strace $0x8000004A;
	p0 =	seq.s32 s5, $0x0;
	(pc) =	sbr.rel .LBB1_1-.Ltmp0, $4  }
0x9: {  	s12 =	simm.s32 $0x0;
	[sflag:s4] =	ssyncpa.u1 $0x0;
	s8 =	simm.s32 @!p0 $0x40  }
0xa: {  	s11 =	smov.u32 s3;
	[sflag:s9] =	ssyncpa.u1 $0x0;
	s6 =	sadd.s32 s6, s8  }
0xb: {  	s9 =	simm.s32 $0x10000;
	s5 =	sadd.s32 $0x800, s7;
	s6 =	sand.u32 $0xC0, s6  }
0xc: {  	s7 =	sadd.s32 $0x20800, s7;
	p0 =	por $0x0, $0x0;
	s8 =	sor.u32 $0x1, s6  }
.LBB1_7:
0xd: {  	s15 =	sadd.s32 $0x80, s10  }
0xe: {  	s13 =	sadd.s32 $0x40, s11;
	s17 =	smov.u32 s11;
	p2 =	sgt.s32 s15, $0x1FFF  }
0xf: {  	s17 =	smov.u32 @p2 s13  }
0x10: {  	s15 =	simm.s32 @p2 $0x0;
	p2 =	sgt.s32 s17, $0x3F  }
0x11: {  	s17 =	smov.u32 @p2 s3;
	p2 =	sne.s32 s12, s8  }
.Ltmp1:
0x12: {  	p1 =	slt.u32 s12, $0x2;
	(pc) =	sbr.rel @!p2 .LBB1_8-.Ltmp1, $4  }
0x13: {  	s16 =	simm.s32 @!p1 $0x2  }
0x14: {  	s14 =	smov.u32 s11;
	p0 =	por !p0, !p0;
	_ =	swait.ge @!p1 [sflag:s16], $0x4000  }
0x15: {  	s13 =	smov.u32 s10;
	[sflag:s16] =	ssyncset.done @!p1 $0x0;
	s10 =	smov.u32 s15  }
0x16: {  	s12 =	sadd.s32 $0x1, s12;
	[sflag:s16] =	ssyncadd.s32 @!p1 $0xFFFFC000;
	s11 =	smov.u32 s17  }
.LBB1_1:
0x17: {  	p1 =	sge.u32 s12, s6  }
0x18: {  	s15 =	sxor.u32 @!p1 $0xFFFFFFFF, s12;
	s16 =	sshll.u32 @!p1 s11, $0x11  }
0x19: {  	s17 =	sshll.u32 @!p1 s10, $0x4;
	s19 =	simm.s32 @!p1 $0x40;
	s20 =	simm.s32 @!p1 $0x80  }
0x1a: {  	s15 =	sshll.u32 @!p1 s15, $0xE;
	s17 =	sand.u32 @!p1 $0x1FFF0, s17;
	s18 =	sadd.s32 @!p1 s5, s16  }
0x1b: {  	s16 =	sadd.s32 @!p1 s16, s7;
	s15 =	sand.u32 @!p1 $0x4000, s15;
	s18 =	sadd.s32 @!p1 s17, s18  }
0x1c: {  	[tilespmem:s15], [sflag:$0x1] =	stream.strided.gather @!p1 [hbm4b:s18+s19], $0x2000, s20, s19, $0x38;
	[tilespmem:$0x10100] =	vst v63  }
0x1d: {  	s31 =	sadd.s32 $0xFFFFFFFF, s12;
	s16 =	sadd.s32 @!p1 s17, s16;
	s15 =	sor.u32 @!p1 $0x2000, s15  }
0x1e: {  	[tilespmem:s15], [sflag:$0x1] =	stream.strided.gather @!p1 [hbm4b:s16+s19], $0x2000, s20, s19, $0x38;
	[tilespmem:$0x10100] =	vst v63  }
0x1f: {  	p1 =	sge.u32 s31, s6  }
.Ltmp2:
0x20: {  	_ = 	snop;
	(pc) =	sbr.rel @p1 .LBB1_7-.Ltmp2, $1  }
0x21: {  	_ =	sdelay $0x3  }
0x22: {  	s15 =	simm.s32 $0x1;
	s17 =	sand.u32 $0x1, s12  }
0x23: {  	_ =	swait.ge [sflag:s4], $0x4000;
	s15 =	simm.s32 @!p0 $0x0;
	s17 =	smul.u32 $0x10200, s17  }
0x24: {  	p2 =	por $0x1, $0x1;
	[sflag:s4] =	ssyncset.done $0x0;
	s16 =	smul.u32 $0x10200, s15  }
0x25: {  	s18 =	sshll.u32 s15, $0x10;
	[sflag:s4] =	ssyncadd.s32 $0xFFFFC000;
	s30 =	sshrl.u32 s17, $0x2  }
0x26: {  	s31 =	sshrl.u32 s18, $0x2;
	s18 =	simm.s32 $0x0;
	s16 =	sshrl.u32 s16, $0x2  }
0x27: {  	s15 =	sor.u32 $0x8000, s30;
	s17 =	sadd.s32 $0x20, s31;
	s16 =	sor.u32 $0x8000, s16  }
.LBB1_3:
0x28: {  	s19 =	sshll.u32 s18, $0xD  }
0x29: {  	s19 =	sand.u32 $0x3FFFE000, s19  }
0x2a: {  	s21 =	sadd.s32 s19, s17  }
0x2b: {  	s31 =	smul.u32 $0x8100, s18;
	v3 =	vld [tilespmem:s21+$0x10]  }
0x2c: {  	v1 =	vld [tilespmem:s21+$0xFFFFFFF0]  }
0x2d: {  	s18 =	sshra.s32 s31, $0x2;
	v0 =	vld [tilespmem:s21+$0x0]  }
0x2e: {  	s18 =	sadd.s32 s18, s16;
	v2 =	vld [tilespmem:s21+$0xFFFFFFE0]  }
0x2f: {  	s19 =	sadd.s32 $0x0, s18  }
0x30: {  	p1 =	por p2, p2;
	s20 =	simm.s32 $0x4;
	s21 =	sadd.s32 $0x40, s21;
	[tilespmem:s19+$0x1830 ss:$0x81] =	vst.msk $0xffff, v3  }
.LBB1_4:
0x31: {  	v3 =	vld [tilespmem:s21+$0x10];
	p2 =	sne.s32 s20, $0x1FC;
	[tilespmem:s19+$0x810 ss:$0x81] =	vst.msk $0xffff, v1;
	s22 =	smov.u32 s20;
	s20 =	sadd.s32 $0x4, s20  }
.Ltmp3:
0x32: {  	v1 =	vld [tilespmem:s21+$0xFFFFFFF0];
	[tilespmem:s19+$0x1020 ss:$0x81] =	vst.msk $0xffff, v0;
	(pc) =	sbr.rel @p2 .LBB1_4-.Ltmp3, $4  }
0x33: {  	v0 =	vld [tilespmem:s21+$0x0];
	[tilespmem:s19+$0x0 ss:$0x81] =	vst.msk $0xffff, v2  }
0x34: {  	s19 =	sshra.s32 s22, $0x2;
	v2 =	vld [tilespmem:s21+$0xFFFFFFE0]  }
0x35: {  	s19 =	sadd.s32 s19, s18  }
0x36: {  	s21 =	sadd.s32 $0x40, s21;
	[tilespmem:s19+$0x1830 ss:$0x81] =	vst.msk $0xffff, v3  }
.Ltmp4:
0x37: {  	(pc) =	sbr.rel @p1 .LBB1_3-.Ltmp4, $4  }
0x38: {  	_ = 	snop  }
0x39: {  	[tilespmem:s19+$0x810 ss:$0x81] =	vst.msk $0xffff, v1  }
0x3a: {  	[tilespmem:s19+$0x1020 ss:$0x81] =	vst.msk $0xffff, v0  }
0x3b: {  	s18 =	simm.s32 $0x1;
	p2 =	por $0x0, $0x0;
	[tilespmem:s19+$0x0 ss:$0x81] =	vst.msk $0xffff, v2  }
0x3c: {  	s16 =	sshll.u32 s13, $0x3;
	s17 =	sand.u32 $0x78, s13;
	s14 =	sshll.u32 s14, $0x10  }
.Ltmp5:
0x3d: {  	s30 =	sand.u32 $0xFC00, s13;
	s16 =	sand.u32 $0x1C00, s16;
	(pc) =	sbr.rel .LBB1_7-.Ltmp5, $4  }
0x3e: {  	s31 =	sand.u32 $0x7, s13;
	s14 =	sadd.s32 s2, s14;
	s16 =	sor.u32 s17, s16  }
0x3f: {  	s13 =	sshll.u32 s31, $0x12;
	s14 =	sadd.s32 s30, s14;
	s16 =	sshrl.u32 s16, $0x3  }
0x40: {  	s13 =	sor.u32 $0x400, s13;
	s14 =	sadd.s32 s16, s14  }
0x41: {  	[hbm4b:s14+s13] =	stream.strided.scatter [tilespmem:s15], [sflag:$0x2], $0x4000, s9, s13, $0x20;
	[tilespmem:$0x10100] =	vst v63  }
.LBB1_8:
0x42: {  	_ =	sfence.sel $0x180000  }
0x43: {  	s2 =	simm.s32 $0x1;
	[bflag:$0x0] =	sbarrier.arrive $0xFFFF  }
0x44: {  	s31 =	simm.s32 $0x2;
	[sflag:s2] =	ssyncpa.u1 $0x1  }
0x45: {  	[sflag:s31] =	ssyncpa.u1 $0x1  }
0x46: {  	p0 =	sne.s32 s0, $0x0;
	_ =	strace $0x9000004A  }
0x47: {  	s0 =	sadd.s32 @!p0 $0x100000, s1;
	[bflag:$0x2] =	sbarrier.arrive $0xFFFF  }
0x48: {  	[sflag:s0] =	ssyncadd.tile.s32 @!p0 $0x1;
	_ =	shalt  }
.Lfunc_end1:
_tile_overlayer_lowered:
.L_overlay_start_2:
0x49: {  	(tag) =	ssettag $0x2  }
0x4a: {  	s0 =	rddreg [dreg:$0x0];
	s2 =	stileid.u32  }
0x4b: {  	s1 =	rddreg [dreg:$0x1];
	p0 =	sne.s32 s2, $0x0  }
0x4c: {  	s3 =	rddreg [dreg:$0x2];
	[bflag:$0x3] =	sbarrier.arrive $0xFFFF;
	s2 =	simm.s32 @!p0 $0x1C01  }
0x4d: {  	[timem:s3], [sflag:s2] =	dma.local @!p0 [hbm:s0], s1  }
0x4e: {  	s0 =	simm.s32 @!p0 $0x1  }
0x4f: {  	_ =	swait.ge @!p0 [sflag:s0], s1  }
0x50: {  	s1 =	ssub.s32 @!p0 $0x0, s1;
	[sflag:s0] =	ssyncset.done @!p0 $0x0  }
0x51: {  	[sflag:s0] =	ssyncadd.s32 @!p0 s1  }
0x52: {  	[bflag:$0x3] =	sbarrier.arrive $0xFFFF  }
0x53: {  	_ =	shalt  }

</sc_bundles>
